<compile_context>
chip_gen: v7x
topology: tpu7x:2x2x1
jax: 0.10.2.dev20260603
libtpu: 0.0.44.dev20260713+nightly
codegen_flags: <defaults>
</compile_context>

<pallas_src>
import jax
import jax.numpy as jnp
import numpy as np
from jax import lax
from jax.experimental import pallas as pl
from jax.experimental.pallas import tpu as pltpu
from jax.experimental.pallas import tpu_sc as plsc

_FM = 14
_STR = 32
_RATIOS = [[4, 4], [3, 5], [5, 3], [6, 6], [5, 7], [7, 5], [8, 8], [6, 10],
           [10, 6], [7, 9], [9, 7]]
_WN = [(_FM - r[0] + 1) * (_FM - r[1] + 1) for r in _RATIOS]
_G_SIZES = [sum(_WN[:3]), sum(_WN[3:6]), sum(_WN[6:])]
_G_PAD = [368, 256, 272]
_G_BASE = [0, 368, 624]
_G_UBASE = [0, 361, 602]
_G_CHUNKS = [23, 16, 17]
_TOT = sum(_G_PAD)
_NKEEP = [2, 3, 2]
_NEG = np.float32(-1e30)


def _np_tables():
    coords = []
    for r in _RATIOS:
        col_num = _FM - r[1] + 1
        row_num = _FM - r[0] + 1
        idx = np.arange(row_num * col_num)
        x_ind = idx // col_num
        y_ind = idx % col_num
        x_lt = x_ind * _STR - 1
        y_lt = y_ind * _STR - 1
        x_rb = x_lt + r[0] * _STR
        y_rb = y_lt + r[1] * _STR
        x_lt = np.maximum(x_lt, 0)
        y_lt = np.maximum(y_lt, 0)
        coords.append(np.stack([x_lt, y_lt, x_rb, y_rb], 1))
    coords = np.concatenate(coords, 0).astype(np.float32)

    pad_pos = np.zeros(837, dtype=np.int64)
    for g in range(3):
        u0, n = _G_UBASE[g], _G_SIZES[g]
        pad_pos[u0:u0 + n] = _G_BASE[g] + np.arange(n)

    wf = np.zeros((_FM * _FM, _TOT), dtype=np.float32)
    u = 0
    for r in _RATIOS:
        kh, kw = r
        col_num = _FM - kw + 1
        row_num = _FM - kh + 1
        for w in range(row_num * col_num):
            xi, yi = w // col_num, w % col_num
            p = pad_pos[u + w]
            for i in range(xi, xi + kh):
                wf[i * _FM + yi:i * _FM + yi + kw, p] = 1.0 / (kh * kw)
        u += row_num * col_num
    wr = wf.reshape(_FM, _FM, _TOT)

    bias = np.zeros((1, _TOT), dtype=np.float32)
    cpad = np.zeros((5, _TOT), dtype=np.float32)
    real = np.zeros(_TOT, dtype=bool)
    real[pad_pos] = True
    bias[0, ~real] = _NEG
    areas = (coords[:, 2] - coords[:, 0]) * (coords[:, 3] - coords[:, 1])
    for k in range(4):
        cpad[k, pad_pos] = coords[:, k]
    cpad[4, pad_pos] = areas
    return wr, bias, cpad


_WR, _BIAS, _CPAD = _np_tables()

_WBLK = 14


def _tc_body(xt_ref, wf_ref, bias_ref, out_ref, acc_ref):
    h = pl.program_id(0)

    @pl.when(h == 0)
    def _():
        acc_ref[...] = jnp.zeros_like(acc_ref)

    acc = acc_ref[...]
    wtile = wf_ref[0, 0]
    for w in range(_WBLK):
        col = jnp.sum(xt_ref[0, w], axis=1, keepdims=True)
        acc = acc + col * wtile[w:w + 1, :]
    acc_ref[...] = acc

    @pl.when(h == _FM * (_FM // _WBLK) - 1)
    def _():
        out_ref[...] = acc_ref[...] + bias_ref[...]


def _tc_scores(x, wf3, bias, interpret=False):
    b, c = x.shape[0], x.shape[1]
    xt = jnp.transpose(x, (2, 3, 0, 1))
    return pl.pallas_call(
        _tc_body,
        grid=(_FM * (_FM // _WBLK),),
        in_specs=[
            pl.BlockSpec((1, _WBLK, b, c),
                         lambda h: (h // (_FM // _WBLK), h % (_FM // _WBLK),
                                    0, 0)),
            pl.BlockSpec((1, 1, _WBLK, _TOT),
                         lambda h: (h // (_FM // _WBLK), h % (_FM // _WBLK),
                                    0, 0)),
            pl.BlockSpec((1, _TOT), lambda h: (0, 0)),
        ],
        out_specs=pl.BlockSpec((b, _TOT), lambda h: (0, 0)),
        out_shape=jax.ShapeDtypeStruct((b, _TOT), jnp.float32),
        scratch_shapes=[pltpu.VMEM((b, _TOT), jnp.float32)],
        compiler_params=pltpu.CompilerParams(
            dimension_semantics=("arbitrary",)),
        interpret=interpret,
    )(xt, wf3.reshape(_FM, _FM // _WBLK, _WBLK, _TOT), bias)



_GROUPS = [(g, _G_BASE[g], _G_UBASE[g], _G_CHUNKS[g], _NKEEP[g])
           for g in range(3)]


def _nms_body(scores_hbm, tb_hbm, out_hbm,
              s_v, s2_v, tb_v, ob_v, sem):
    wid = lax.axis_index("s") * 2 + lax.axis_index("c")
    b0 = wid * 2
    cp2 = pltpu.async_copy(scores_hbm.at[pl.ds((b0 + 1) * _TOT, _TOT)],
                           s2_v, sem)
    pltpu.sync_copy(tb_hbm, tb_v)
    pltpu.sync_copy(scores_hbm.at[pl.ds(b0 * _TOT, _TOT)], s_v)
    lanes = lax.broadcasted_iota(jnp.int32, (16,), 0)
    negv = jnp.full((16,), _NEG, jnp.float32)
    bc0 = jnp.zeros((16,), jnp.int32)

    for smp in range(2):
        sv = s_v if smp == 0 else s2_v
        if smp == 1:
            cp2.wait()
        picks = jnp.zeros((16,), jnp.float32)
        k = 0
        for g, gb, ub, nch, npick in _GROUPS:
            thrv = tb_v[pl.ds(5 * _TOT + g * 16, 16)]

            def amax_body(cc, carry, sv=sv, gb=gb):
                bv, bc = carry
                v = sv[pl.ds(gb + cc * 16, 16)]
                better = v > bv
                return (jnp.where(better, v, bv),
                        jnp.where(better, cc, bc))

            bv, bc = lax.fori_loop(1, nch, amax_body,
                                   (sv[pl.ds(gb, 16)], bc0), unroll=2)
            for j in range(npick):
                m = jnp.max(bv)
                cand = bc * 16 + lanes
                iloc = jnp.min(jnp.where(bv == m, cand, jnp.int32(1 << 30)))
                picks = jnp.where(lanes == k, (ub + iloc).astype(jnp.float32),
                                  picks)
                picks = jnp.where(lanes == k + 8, m, picks)
                k += 1
                if j == npick - 1:
                    break
                ipad = gb + iloc
                idxv = bc0 + ipad
                px1 = plsc.load_gather(tb_v, [idxv])
                py1 = plsc.load_gather(tb_v, [idxv + _TOT])
                px2 = plsc.load_gather(tb_v, [idxv + 2 * _TOT])
                py2 = plsc.load_gather(tb_v, [idxv + 3 * _TOT])
                par = plsc.load_gather(tb_v, [idxv + 4 * _TOT])
                tpar = thrv * par

                def fused_body(cc, carry, sv=sv, gb=gb, px1=px1, py1=py1,
                               px2=px2, py2=py2, tpar=tpar, thrv=thrv,
                               ipad=ipad):
                    bv, bc = carry
                    off = gb + cc * 16
                    sw = sv[pl.ds(off, 16)]
                    xx1 = jnp.maximum(tb_v[pl.ds(off, 16)], px1)
                    yy1 = jnp.maximum(tb_v[pl.ds(_TOT + off, 16)], py1)
                    xx2 = jnp.minimum(tb_v[pl.ds(2 * _TOT + off, 16)], px2)
                    yy2 = jnp.minimum(tb_v[pl.ds(3 * _TOT + off, 16)], py2)
                    inter = (jnp.maximum(xx2 - xx1, 0.0)
                             * jnp.maximum(yy2 - yy1, 0.0))
                    kill = (inter + thrv * inter
                            > thrv * tb_v[pl.ds(4 * _TOT + off, 16)] + tpar)
                    sw = jnp.where(kill, _NEG, sw)
                    sv[pl.ds(off, 16)] = sw
                    better = sw > bv
                    return (jnp.where(better, sw, bv),
                            jnp.where(better, cc, bc))

                bv, bc = lax.fori_loop(0, nch, fused_body, (negv, bc0),
                                       unroll=2)

        ob_v[pl.ds(smp * 16, 16)] = picks

    pltpu.sync_copy(ob_v, out_hbm.at[pl.ds(b0 * 16, 32)])


def _make_nms(interpret=False):
    mesh = plsc.VectorSubcoreMesh(core_axis_name="c", subcore_axis_name="s",
                                  num_cores=2, num_subcores=16)
    return pl.kernel(
        _nms_body,
        out_type=jax.ShapeDtypeStruct((64 * 16,), jnp.float32),
        mesh=mesh,
        scratch_types=[pltpu.VMEM((_TOT,), jnp.float32)] * 2
        + [pltpu.VMEM((5 * _TOT + 48,), jnp.float32),
           pltpu.VMEM((32,), jnp.float32),
           pltpu.SemaphoreType.DMA],
        compiler_params=pltpu.CompilerParams(
            needs_layout_passes=False, disable_bounds_checks=True,
            disable_semaphore_checks=True),
        interpret=interpret,
    )


def _impl(proposalN, x, ratios, window_nums_sum, N_list, iou_threshs,
          interpret=False):
    x = jnp.asarray(x, jnp.float32)
    wr = jnp.asarray(_WR)
    bias = jnp.asarray(_BIAS)
    scores_pad = _tc_scores(x, wr, bias, interpret)
    thr = jnp.broadcast_to(
        jnp.asarray(iou_threshs, jnp.float32)[:, None], (3, 16)).reshape(-1)
    tables = jnp.concatenate([jnp.asarray(_CPAD).reshape(-1), thr])
    out16 = _make_nms(interpret)(scores_pad.reshape(-1), tables)
    out16 = out16.reshape(64, 16)
    indices = out16[:, :7].astype(jnp.int32)
    pscores = out16[:, 8:15]
    wscores = jnp.concatenate(
        [scores_pad[:, _G_BASE[g]:_G_BASE[g] + _G_SIZES[g]] for g in range(3)],
        axis=1)
    return (indices, pscores, wscores)


def kernel(proposalN, x, ratios, window_nums_sum, N_list, iou_threshs):
    return _impl(proposalN, x, ratios, window_nums_sum, N_list, iou_threshs)

# --- scband reference (transcript-rebuilt; emitter-appended) ---
"""Pipeline reference for scband-appm-13460427505999 (READ-ONLY COPY).

The authoritative reference and input builder live on the scoring server;
editing this copy changes nothing except your own understanding.
"""

import jax, jax.numpy as jnp
import numpy as np

STRIDE = 32
INPUT_SIZE = 448
FM = INPUT_SIZE // STRIDE

RATIOS_CONST = [[4,4],[3,5],[5,3],[6,6],[5,7],[7,5],[8,8],[6,10],[10,6],[7,9],[9,7]]
N_CONST = [2, 3, 2]

def compute_window_nums(ratios):
    return [int(FM - r[0] + 1) * int(FM - r[1] + 1) for r in ratios]

def compute_coordinates(ratios):
    coords = []
    for r in ratios:
        col_num = FM - r[1] + 1
        row_num = FM - r[0] + 1
        idx = np.arange(row_num * col_num)
        x_ind = idx // col_num
        y_ind = idx % col_num
        x_lt = x_ind * STRIDE - 1
        y_lt = y_ind * STRIDE - 1
        x_rb = x_lt + r[0] * STRIDE
        y_rb = y_lt + r[1] * STRIDE
        x_lt = np.maximum(x_lt, 0)
        y_lt = np.maximum(y_lt, 0)
        coords.append(np.stack([x_lt, y_lt, x_rb, y_rb], 1))
    return np.concatenate(coords, 0).astype(np.float32)

def setup_inputs(seed: int = 0):
    key = jax.random.key(seed)
    ratios = np.array([[4,4],[3,5],[5,3],[6,6],[5,7],[7,5],[8,8],[6,10],[10,6],[7,9],[9,7]], dtype=np.int64)
    wn = compute_window_nums(ratios.tolist())
    window_nums_sum = np.array([0, sum(wn[:3]), sum(wn[3:6]), sum(wn[6:])], dtype=np.int64)
    x = jax.random.normal(key, (64, 2048, 14, 14), dtype=jnp.float32)
    return {'proposalN': 7, 'x': x, 'ratios': ratios, 'window_nums_sum': window_nums_sum, 'N_list': np.array([2,3,2], dtype=np.int64), 'iou_threshs': np.array([0.25,0.25,0.25], dtype=np.float32)}

def _avg_pool(x, kh, kw):
    s = jax.lax.reduce_window(x, 0.0, jax.lax.add, (1,1,kh,kw), (1,1,1,1), 'VALID')
    return s / float(kh * kw)

def _nms(scores, coords, n_keep, iou_thresh):
    areas = (coords[:,2]-coords[:,0]) * (coords[:,3]-coords[:,1])
    mask = jnp.ones(scores.shape[0], dtype=bool)
    picks = []
    for _ in range(n_keep):
        masked = jnp.where(mask, scores, -jnp.inf)
        i = jnp.argmax(masked)
        picks.append(i)
        xx1 = jnp.maximum(coords[:,0], coords[i,0])
        yy1 = jnp.maximum(coords[:,1], coords[i,1])
        xx2 = jnp.minimum(coords[:,2], coords[i,2])
        yy2 = jnp.minimum(coords[:,3], coords[i,3])
        inter = jnp.clip(xx2-xx1, 0.0, None) * jnp.clip(yy2-yy1, 0.0, None)
        iou = inter / (areas + areas[i] - inter)
        mask = mask & (iou <= iou_thresh)
        mask = mask.at[i].set(False)
    return jnp.stack(picks)

def reference(proposalN, x, ratios, window_nums_sum, N_list, iou_threshs):
    ratios_c = RATIOS_CONST
    wn = compute_window_nums(ratios_c)
    wns = [0, sum(wn[:3]), sum(wn[3:6]), sum(wn[6:])]
    coords = jnp.asarray(compute_coordinates(ratios_c))
    batch = x.shape[0]
    avgs = [_avg_pool(x, int(r[0]), int(r[1])) for r in ratios_c]
    fm_sum = [jnp.sum(a, axis=1) for a in avgs]
    all_scores = jnp.concatenate([f.reshape(batch, -1) for f in fm_sum], axis=1)
    zero = (jnp.sum(ratios) + jnp.sum(window_nums_sum) + jnp.sum(N_list)).astype(all_scores.dtype) * 0.0
    all_scores = all_scores + zero

    def per_sample(scores):
        outs = []
        for j in range(len(wns) - 1):
            lo = int(sum(wns[:j+1])); hi = int(sum(wns[:j+2]))
            ids = _nms(scores[lo:hi], coords[lo:hi], int(N_CONST[j]), iou_threshs[j]) + lo
            outs.append(ids)
        return jnp.concatenate(outs)

    proposalN_indices = jax.vmap(per_sample)(all_scores)
    proposalN_windows_scores = jnp.take_along_axis(all_scores, proposalN_indices, axis=1)
    window_scores = jax.lax.stop_gradient(all_scores)
    return (proposalN_indices, proposalN_windows_scores, window_scores)

if __name__ == "__main__":
    import jax
    _d = setup_inputs()
    print(jax.jit(kernel)(*tuple(_d.values())))

</pallas_src>

<mosaic_0001>
#map = affine_map<(d0, d1) -> (0)>
module attributes {stable_mosaic.version = 14 : i64} {
  func.func @_nms_body(%arg0: i32, %arg1: i32, %arg2: memref<57344xf32, #tpu.memory_space<hbm>>, %arg3: memref<4528xf32, #tpu.memory_space<hbm>>, %arg4: memref<1024xf32, #tpu.memory_space<hbm>>, %arg5: memref<896xf32, #tpu.memory_space<vmem>>, %arg6: memref<896xf32, #tpu.memory_space<vmem>>, %arg7: memref<4528xf32, #tpu.memory_space<vmem>>, %arg8: memref<32xf32, #tpu.memory_space<vmem>>, %arg9: memref<!tpu.dma_semaphore, #tpu.memory_space<semaphore_mem>>) attributes {dimension_semantics = [#tpu.dimension_semantics<core_parallel>, #tpu.dimension_semantics<subcore_parallel>], iteration_bounds = array<i64: 2, 16>, scalar_prefetch = 0 : i64, scratch_operands = 5 : i64, tpu.core_type = #tpu.core_type<sc_vector_subcore>, window_params = [{transform_indices = #map}, {transform_indices = #map}, {transform_indices = #map}]} {
    %mul3A = arith.constant 2 : i32
    %mul3A_0 = arith.muli %arg1, %mul3A : i32
    %add3A = arith.addi %mul3A_0, %arg0 : i32
    %mul3A_1 = arith.constant 2 : i32
    %mul3A_2 = arith.muli %add3A, %mul3A_1 : i32
    %add3A_3 = arith.constant 1 : i32
    %add3A_4 = arith.addi %mul3A_2, %add3A_3 : i32
    %mul3A_5 = arith.constant 896 : i32
    %mul3A_6 = arith.muli %add3A_4, %mul3A_5 : i32
    %dma_start3A = tpu.memref_slice %arg2[%mul3A_6] : memref<57344xf32, #tpu.memory_space<hbm>> -> memref<896xf32, #tpu.memory_space<hbm>>
    %dma_start3A_7 = tpu.memref_slice %arg2[%mul3A_6] : memref<57344xf32, #tpu.memory_space<hbm>> -> memref<896xf32, #tpu.memory_space<hbm>>
    tpu.enqueue_dma source(%dma_start3A_7 : memref<896xf32, #tpu.memory_space<hbm>>) target(%arg6 : memref<896xf32, #tpu.memory_space<vmem>>) target_semaphore(%arg9 : memref<!tpu.dma_semaphore, #tpu.memory_space<semaphore_mem>>)
    "tpu.region"() ({
      %run_scoped3A = tpu.sem_alloc : memref<!tpu.dma_semaphore, #tpu.memory_space<semaphore_mem>>
      tpu.enqueue_dma source(%arg3 : memref<4528xf32, #tpu.memory_space<hbm>>) target(%arg7 : memref<4528xf32, #tpu.memory_space<vmem>>) target_semaphore(%run_scoped3A : memref<!tpu.dma_semaphore, #tpu.memory_space<semaphore_mem>>)
      tpu.wait_dma2 semaphore(%run_scoped3A : memref<!tpu.dma_semaphore, #tpu.memory_space<semaphore_mem>>) src(%arg3 : memref<4528xf32, #tpu.memory_space<hbm>>) dst(%arg7 : memref<4528xf32, #tpu.memory_space<vmem>>)
      tpu.yield
    }) : () -> ()
    %mul3A_8 = arith.constant 896 : i32
    %mul3A_9 = arith.muli %mul3A_2, %mul3A_8 : i32
    "tpu.region"() ({
      %run_scoped3A = tpu.sem_alloc : memref<!tpu.dma_semaphore, #tpu.memory_space<semaphore_mem>>
      %dma_start3A_1006 = tpu.memref_slice %arg2[%mul3A_9] : memref<57344xf32, #tpu.memory_space<hbm>> -> memref<896xf32, #tpu.memory_space<hbm>>
      %dma_start3A_1007 = tpu.memref_slice %arg2[%mul3A_9] : memref<57344xf32, #tpu.memory_space<hbm>> -> memref<896xf32, #tpu.memory_space<hbm>>
      tpu.enqueue_dma source(%dma_start3A_1007 : memref<896xf32, #tpu.memory_space<hbm>>) target(%arg5 : memref<896xf32, #tpu.memory_space<vmem>>) target_semaphore(%run_scoped3A : memref<!tpu.dma_semaphore, #tpu.memory_space<semaphore_mem>>)
      %dma_wait3A_1008 = tpu.memref_slice %arg2[%mul3A_9] : memref<57344xf32, #tpu.memory_space<hbm>> -> memref<896xf32, #tpu.memory_space<hbm>>
      %dma_wait3A_1009 = tpu.memref_slice %arg2[%mul3A_9] : memref<57344xf32, #tpu.memory_space<hbm>> -> memref<896xf32, #tpu.memory_space<hbm>>
      tpu.wait_dma2 semaphore(%run_scoped3A : memref<!tpu.dma_semaphore, #tpu.memory_space<semaphore_mem>>) src(%dma_wait3A_1009 : memref<896xf32, #tpu.memory_space<hbm>>) dst(%arg5 : memref<896xf32, #tpu.memory_space<vmem>>)
      tpu.yield
    }) : () -> ()
    %iota3A = tpu.iota {dimensions = array<i32: 0>} : vector<16xi32>
    %broadcast_in_dim3A = arith.constant -1.000000e+30 : f32
    %broadcast_in_dim3A_10 = vector.broadcast %broadcast_in_dim3A : f32 to vector<16xf32>
    %broadcast_in_dim3A_11 = arith.constant 0 : i32
    %broadcast_in_dim3A_12 = vector.broadcast %broadcast_in_dim3A_11 : i32 to vector<16xi32>
    %broadcast_in_dim3A_13 = arith.constant 0.000000e+00 : f32
    %broadcast_in_dim3A_14 = vector.broadcast %broadcast_in_dim3A_13 : f32 to vector<16xf32>
    %get3A = arith.constant 4480 : index
    %get3A_15 = tpu.vector_load %arg7[%get3A] {strides = array<i32>} : memref<4528xf32, #tpu.memory_space<vmem>>, vector<16xf32>,
    %get3A_16 = arith.constant 0 : index
    %get3A_17 = tpu.vector_load %arg5[%get3A_16] {strides = array<i32>} : memref<896xf32, #tpu.memory_space<vmem>>, vector<16xf32>,
    %scan3A = arith.constant 1 : i32
    %scan3A_18 = arith.constant 22 : i32
    %scan3A_19 = arith.addi %scan3A, %scan3A_18 : i32
    %scan3A_20 = arith.constant 2 : i32
    %scan3A_21:2 = scf.for %scan3A_1006 = %scan3A to %scan3A_19 step %scan3A_20 iter_args(%scan3A_1007 = %get3A_17, %scan3A_1008 = %broadcast_in_dim3A_12) -> (vector<16xf32>, vector<16xi32>)  : i32 {
      %mul3A_1009 = arith.constant 16 : i32
      %mul3A_1010 = arith.muli %scan3A_1006, %mul3A_1009 : i32
      %add3A_1011 = arith.constant 0 : i32
      %add3A_1012 = arith.addi %add3A_1011, %mul3A_1010 : i32
      %get3A_1013 = arith.index_cast %add3A_1012 : i32 to index
      %get3A_1014 = tpu.vector_load %arg5[%get3A_1013] {strides = array<i32>} : memref<896xf32, #tpu.memory_space<vmem>>, vector<16xf32>,
      %gt3A_1015 = arith.cmpf ogt, %get3A_1014, %scan3A_1007 : vector<16xf32>
      %select_n3A_1016 = arith.select %gt3A_1015, %get3A_1014, %scan3A_1007 : vector<16xi1>, vector<16xf32>
      %broadcast_in_dim3A_1017 = vector.broadcast %scan3A_1006 : i32 to vector<16xi32>
      %select_n3A_1018 = arith.select %gt3A_1015, %broadcast_in_dim3A_1017, %scan3A_1008 : vector<16xi1>, vector<16xi32>
      %scan3A_1019 = arith.constant 1 : i32
      %scan3A_1020 = arith.addi %scan3A_1006, %scan3A_1019 : i32
      %mul3A_1021 = arith.constant 16 : i32
      %mul3A_1022 = arith.muli %scan3A_1020, %mul3A_1021 : i32
      %add3A_1023 = arith.constant 0 : i32
      %add3A_1024 = arith.addi %add3A_1023, %mul3A_1022 : i32
      %get3A_1025 = arith.index_cast %add3A_1024 : i32 to index
      %get3A_1026 = tpu.vector_load %arg5[%get3A_1025] {strides = array<i32>} : memref<896xf32, #tpu.memory_space<vmem>>, vector<16xf32>,
      %gt3A_1027 = arith.cmpf ogt, %get3A_1026, %select_n3A_1016 : vector<16xf32>
      %select_n3A_1028 = arith.select %gt3A_1027, %get3A_1026, %select_n3A_1016 : vector<16xi1>, vector<16xf32>
      %broadcast_in_dim3A_1029 = vector.broadcast %scan3A_1020 : i32 to vector<16xi32>
      %select_n3A_1030 = arith.select %gt3A_1027, %broadcast_in_dim3A_1029, %select_n3A_1018 : vector<16xi1>, vector<16xi32>
      scf.yield %select_n3A_1028, %select_n3A_1030 : vector<16xf32>, vector<16xi32>
    }
    %scan3A_22 = arith.constant 22 : i32
    %reduce_max3A = arith.constant true
    %reduce_max3A_23 = vector.broadcast %reduce_max3A : i1 to vector<16xi1>
    %reduce_max3A_24 = tpu.scan <max>, %scan3A_21#0 masked %reduce_max3A_23 : vector<16xf32>, vector<16xi1> -> vector<16xf32>
    %reduce_max3A_25 = vector.extract %reduce_max3A_24[15] : f32 from vector<16xf32>
    %mul3A_26 = arith.constant 16 : i32
    %mul3A_27 = vector.broadcast %mul3A_26 : i32 to vector<16xi32>
    %mul3A_28 = arith.muli %scan3A_21#1, %mul3A_27 : vector<16xi32>
    %add3A_29 = arith.addi %mul3A_28, %iota3A : vector<16xi32>
    %eq3A = vector.broadcast %reduce_max3A_25 : f32 to vector<16xf32>
    %eq3A_30 = arith.cmpf oeq, %scan3A_21#0, %eq3A : vector<16xf32>
    %jit3A = arith.constant 1073741824 : i32
    %broadcast_in_dim3A_31 = vector.broadcast %jit3A : i32 to vector<16xi32>
    %select_n3A = arith.select %eq3A_30, %add3A_29, %broadcast_in_dim3A_31 : vector<16xi1>, vector<16xi32>
    %reduce_min3A = arith.constant true
    %reduce_min3A_32 = vector.broadcast %reduce_min3A : i1 to vector<16xi1>
    %reduce_min3A_33 = arith.constant -2147483648 : i32
    %reduce_min3A_34 = vector.broadcast %reduce_min3A_33 : i32 to vector<16xi32>
    %reduce_min3A_35 = arith.xori %select_n3A, %reduce_min3A_34 : vector<16xi32>
    %reduce_min3A_36 = tpu.scan <min>, %reduce_min3A_35 masked %reduce_min3A_32 : vector<16xi32>, vector<16xi1> -> vector<16xi32>
    %reduce_min3A_37 = arith.xori %reduce_min3A_36, %reduce_min3A_34 : vector<16xi32>
    %reduce_min3A_38 = vector.extract %reduce_min3A_37[15] : i32 from vector<16xi32>
    %eq3A_39 = arith.constant 0 : i32
    %eq3A_40 = vector.broadcast %eq3A_39 : i32 to vector<16xi32>
    %eq3A_41 = arith.cmpi eq, %iota3A, %eq3A_40 : vector<16xi32>
    %add3A_42 = arith.constant 0 : i32
    %add3A_43 = arith.addi %add3A_42, %reduce_min3A_38 : i32
    %convert_element_type3A = arith.sitofp %add3A_43 : i32 to f32
    %broadcast_in_dim3A_44 = vector.broadcast %convert_element_type3A : f32 to vector<16xf32>
    %select_n3A_45 = arith.select %eq3A_41, %broadcast_in_dim3A_44, %broadcast_in_dim3A_14 : vector<16xi1>, vector<16xf32>
    %eq3A_46 = arith.constant 8 : i32
    %eq3A_47 = vector.broadcast %eq3A_46 : i32 to vector<16xi32>
    %eq3A_48 = arith.cmpi eq, %iota3A, %eq3A_47 : vector<16xi32>
    %broadcast_in_dim3A_49 = vector.broadcast %reduce_max3A_25 : f32 to vector<16xf32>
    %select_n3A_50 = arith.select %eq3A_48, %broadcast_in_dim3A_49, %select_n3A_45 : vector<16xi1>, vector<16xf32>
    %add3A_51 = arith.constant 0 : i32
    %add3A_52 = arith.addi %add3A_51, %reduce_min3A_38 : i32
    %add3A_53 = vector.broadcast %add3A_52 : i32 to vector<16xi32>
    %add3A_54 = arith.addi %broadcast_in_dim3A_12, %add3A_53 : vector<16xi32>
    %gather3A = tpu.vector_load_idx %arg7[%add3A_54] : memref<4528xf32, #tpu.memory_space<vmem>>[vector<16xi32>], vector<16xf32>,
    %add3A_55 = arith.constant 896 : i32
    %add3A_56 = vector.broadcast %add3A_55 : i32 to vector<16xi32>
    %add3A_57 = arith.addi %add3A_54, %add3A_56 : vector<16xi32>
    %gather3A_58 = tpu.vector_load_idx %arg7[%add3A_57] : memref<4528xf32, #tpu.memory_space<vmem>>[vector<16xi32>], vector<16xf32>,
    %add3A_59 = arith.constant 1792 : i32
    %add3A_60 = vector.broadcast %add3A_59 : i32 to vector<16xi32>
    %add3A_61 = arith.addi %add3A_54, %add3A_60 : vector<16xi32>
    %gather3A_62 = tpu.vector_load_idx %arg7[%add3A_61] : memref<4528xf32, #tpu.memory_space<vmem>>[vector<16xi32>], vector<16xf32>,
    %add3A_63 = arith.constant 2688 : i32
    %add3A_64 = vector.broadcast %add3A_63 : i32 to vector<16xi32>
    %add3A_65 = arith.addi %add3A_54, %add3A_64 : vector<16xi32>
    %gather3A_66 = tpu.vector_load_idx %arg7[%add3A_65] : memref<4528xf32, #tpu.memory_space<vmem>>[vector<16xi32>], vector<16xf32>,
    %add3A_67 = arith.constant 3584 : i32
    %add3A_68 = vector.broadcast %add3A_67 : i32 to vector<16xi32>
    %add3A_69 = arith.addi %add3A_54, %add3A_68 : vector<16xi32>
    %gather3A_70 = tpu.vector_load_idx %arg7[%add3A_69] : memref<4528xf32, #tpu.memory_space<vmem>>[vector<16xi32>], vector<16xf32>,
    %mul3A_71 = arith.mulf %get3A_15, %gather3A_70 : vector<16xf32>
    %scan3A_72 = arith.constant 0 : i32
    %scan3A_73 = arith.constant 22 : i32
    %scan3A_74 = arith.addi %scan3A_72, %scan3A_73 : i32
    %scan3A_75 = arith.constant 2 : i32
    %scan3A_76:2 = scf.for %scan3A_1006 = %scan3A_72 to %scan3A_74 step %scan3A_75 iter_args(%scan3A_1007 = %broadcast_in_dim3A_10, %scan3A_1008 = %broadcast_in_dim3A_12) -> (vector<16xf32>, vector<16xi32>)  : i32 {
      %mul3A_1009 = arith.constant 16 : i32
      %mul3A_1010 = arith.muli %scan3A_1006, %mul3A_1009 : i32
      %add3A_1011 = arith.constant 0 : i32
      %add3A_1012 = arith.addi %add3A_1011, %mul3A_1010 : i32
      %get3A_1013 = arith.index_cast %add3A_1012 : i32 to index
      %get3A_1014 = tpu.vector_load %arg5[%get3A_1013] {strides = array<i32>} : memref<896xf32, #tpu.memory_space<vmem>>, vector<16xf32>,
      %get3A_1015 = arith.index_cast %add3A_1012 : i32 to index
      %get3A_1016 = tpu.vector_load %arg7[%get3A_1015] {strides = array<i32>} : memref<4528xf32, #tpu.memory_space<vmem>>, vector<16xf32>,
      %max3A_1017 = arith.maximumf %get3A_1016, %gather3A : vector<16xf32>
      %add3A_1018 = arith.constant 896 : i32
      %add3A_1019 = arith.addi %add3A_1018, %add3A_1012 : i32
      %get3A_1020 = arith.index_cast %add3A_1019 : i32 to index
      %get3A_1021 = tpu.vector_load %arg7[%get3A_1020] {strides = array<i32>} : memref<4528xf32, #tpu.memory_space<vmem>>, vector<16xf32>,
      %max3A_1022 = arith.maximumf %get3A_1021, %gather3A_58 : vector<16xf32>
      %add3A_1023 = arith.constant 1792 : i32
      %add3A_1024 = arith.addi %add3A_1023, %add3A_1012 : i32
      %get3A_1025 = arith.index_cast %add3A_1024 : i32 to index
      %get3A_1026 = tpu.vector_load %arg7[%get3A_1025] {strides = array<i32>} : memref<4528xf32, #tpu.memory_space<vmem>>, vector<16xf32>,
      %min3A_1027 = arith.minimumf %get3A_1026, %gather3A_62 : vector<16xf32>
      %add3A_1028 = arith.constant 2688 : i32
      %add3A_1029 = arith.addi %add3A_1028, %add3A_1012 : i32
      %get3A_1030 = arith.index_cast %add3A_1029 : i32 to index
      %get3A_1031 = tpu.vector_load %arg7[%get3A_1030] {strides = array<i32>} : memref<4528xf32, #tpu.memory_space<vmem>>, vector<16xf32>,
      %min3A_1032 = arith.minimumf %get3A_1031, %gather3A_66 : vector<16xf32>
      %sub3A_1033 = arith.subf %min3A_1027, %max3A_1017 : vector<16xf32>
      %max3A_1034 = arith.constant 0.000000e+00 : f32
      %max3A_1035 = vector.broadcast %max3A_1034 : f32 to vector<16xf32>
      %max3A_1036 = arith.maximumf %sub3A_1033, %max3A_1035 : vector<16xf32>
      %sub3A_1037 = arith.subf %min3A_1032, %max3A_1022 : vector<16xf32>
      %max3A_1038 = arith.constant 0.000000e+00 : f32
      %max3A_1039 = vector.broadcast %max3A_1038 : f32 to vector<16xf32>
      %max3A_1040 = arith.maximumf %sub3A_1037, %max3A_1039 : vector<16xf32>
      %mul3A_1041 = arith.mulf %max3A_1036, %max3A_1040 : vector<16xf32>
      %mul3A_1042 = arith.mulf %get3A_15, %mul3A_1041 : vector<16xf32>
      %add3A_1043 = arith.addf %mul3A_1041, %mul3A_1042 : vector<16xf32>
      %add3A_1044 = arith.constant 3584 : i32
      %add3A_1045 = arith.addi %add3A_1044, %add3A_1012 : i32
      %get3A_1046 = arith.index_cast %add3A_1045 : i32 to index
      %get3A_1047 = tpu.vector_load %arg7[%get3A_1046] {strides = array<i32>} : memref<4528xf32, #tpu.memory_space<vmem>>, vector<16xf32>,
      %mul3A_1048 = arith.mulf %get3A_15, %get3A_1047 : vector<16xf32>
      %add3A_1049 = arith.addf %mul3A_1048, %mul3A_71 : vector<16xf32>
      %gt3A_1050 = arith.cmpf ogt, %add3A_1043, %add3A_1049 : vector<16xf32>
      %jit3A_1051 = arith.constant -1.000000e+30 : f32
      %broadcast_in_dim3A_1052 = vector.broadcast %jit3A_1051 : f32 to vector<16xf32>
      %select_n3A_1053 = arith.select %gt3A_1050, %broadcast_in_dim3A_1052, %get3A_1014 : vector<16xi1>, vector<16xf32>
      %swap3A_1054 = arith.index_cast %add3A_1012 : i32 to index
      %swap3A_1055 = tpu.vector_load %arg5[%swap3A_1054] {strides = array<i32>} : memref<896xf32, #tpu.memory_space<vmem>>, vector<16xf32>,
      tpu.vector_store %arg5[%swap3A_1054], %select_n3A_1053 {strides = array<i32>} : memref<896xf32, #tpu.memory_space<vmem>>, vector<16xf32>,
      %gt3A_1056 = arith.cmpf ogt, %select_n3A_1053, %scan3A_1007 : vector<16xf32>
      %select_n3A_1057 = arith.select %gt3A_1056, %select_n3A_1053, %scan3A_1007 : vector<16xi1>, vector<16xf32>
      %broadcast_in_dim3A_1058 = vector.broadcast %scan3A_1006 : i32 to vector<16xi32>
      %select_n3A_1059 = arith.select %gt3A_1056, %broadcast_in_dim3A_1058, %scan3A_1008 : vector<16xi1>, vector<16xi32>
      %scan3A_1060 = arith.constant 1 : i32
      %scan3A_1061 = arith.addi %scan3A_1006, %scan3A_1060 : i32
      %mul3A_1062 = arith.constant 16 : i32
      %mul3A_1063 = arith.muli %scan3A_1061, %mul3A_1062 : i32
      %add3A_1064 = arith.constant 0 : i32
      %add3A_1065 = arith.addi %add3A_1064, %mul3A_1063 : i32
      %get3A_1066 = arith.index_cast %add3A_1065 : i32 to index
      %get3A_1067 = tpu.vector_load %arg5[%get3A_1066] {strides = array<i32>} : memref<896xf32, #tpu.memory_space<vmem>>, vector<16xf32>,
      %get3A_1068 = arith.index_cast %add3A_1065 : i32 to index
      %get3A_1069 = tpu.vector_load %arg7[%get3A_1068] {strides = array<i32>} : memref<4528xf32, #tpu.memory_space<vmem>>, vector<16xf32>,
      %max3A_1070 = arith.maximumf %get3A_1069, %gather3A : vector<16xf32>
      %add3A_1071 = arith.constant 896 : i32
      %add3A_1072 = arith.addi %add3A_1071, %add3A_1065 : i32
      %get3A_1073 = arith.index_cast %add3A_1072 : i32 to index
      %get3A_1074 = tpu.vector_load %arg7[%get3A_1073] {strides = array<i32>} : memref<4528xf32, #tpu.memory_space<vmem>>, vector<16xf32>,
      %max3A_1075 = arith.maximumf %get3A_1074, %gather3A_58 : vector<16xf32>
      %add3A_1076 = arith.constant 1792 : i32
      %add3A_1077 = arith.addi %add3A_1076, %add3A_1065 : i32
      %get3A_1078 = arith.index_cast %add3A_1077 : i32 to index
      %get3A_1079 = tpu.vector_load %arg7[%get3A_1078] {strides = array<i32>} : memref<4528xf32, #tpu.memory_space<vmem>>, vector<16xf32>,
      %min3A_1080 = arith.minimumf %get3A_1079, %gather3A_62 : vector<16xf32>
      %add3A_1081 = arith.constant 2688 : i32
      %add3A_1082 = arith.addi %add3A_1081, %add3A_1065 : i32
      %get3A_1083 = arith.index_cast %add3A_1082 : i32 to index
      %get3A_1084 = tpu.vector_load %arg7[%get3A_1083] {strides = array<i32>} : memref<4528xf32, #tpu.memory_space<vmem>>, vector<16xf32>,
      %min3A_1085 = arith.minimumf %get3A_1084, %gather3A_66 : vector<16xf32>
      %sub3A_1086 = arith.subf %min3A_1080, %max3A_1070 : vector<16xf32>
      %max3A_1087 = arith.constant 0.000000e+00 : f32
      %max3A_1088 = vector.broadcast %max3A_1087 : f32 to vector<16xf32>
      %max3A_1089 = arith.maximumf %sub3A_1086, %max3A_1088 : vector<16xf32>
      %sub3A_1090 = arith.subf %min3A_1085, %max3A_1075 : vector<16xf32>
      %max3A_1091 = arith.constant 0.000000e+00 : f32
      %max3A_1092 = vector.broadcast %max3A_1091 : f32 to vector<16xf32>
      %max3A_1093 = arith.maximumf %sub3A_1090, %max3A_1092 : vector<16xf32>
      %mul3A_1094 = arith.mulf %max3A_1089, %max3A_1093 : vector<16xf32>
      %mul3A_1095 = arith.mulf %get3A_15, %mul3A_1094 : vector<16xf32>
      %add3A_1096 = arith.addf %mul3A_1094, %mul3A_1095 : vector<16xf32>
      %add3A_1097 = arith.constant 3584 : i32
      %add3A_1098 = arith.addi %add3A_1097, %add3A_1065 : i32
      %get3A_1099 = arith.index_cast %add3A_1098 : i32 to index
      %get3A_1100 = tpu.vector_load %arg7[%get3A_1099] {strides = array<i32>} : memref<4528xf32, #tpu.memory_space<vmem>>, vector<16xf32>,
      %mul3A_1101 = arith.mulf %get3A_15, %get3A_1100 : vector<16xf32>
      %add3A_1102 = arith.addf %mul3A_1101, %mul3A_71 : vector<16xf32>
      %gt3A_1103 = arith.cmpf ogt, %add3A_1096, %add3A_1102 : vector<16xf32>
      %jit3A_1104 = arith.constant -1.000000e+30 : f32
      %broadcast_in_dim3A_1105 = vector.broadcast %jit3A_1104 : f32 to vector<16xf32>
      %select_n3A_1106 = arith.select %gt3A_1103, %broadcast_in_dim3A_1105, %get3A_1067 : vector<16xi1>, vector<16xf32>
      %swap3A_1107 = arith.index_cast %add3A_1065 : i32 to index
      %swap3A_1108 = tpu.vector_load %arg5[%swap3A_1107] {strides = array<i32>} : memref<896xf32, #tpu.memory_space<vmem>>, vector<16xf32>,
      tpu.vector_store %arg5[%swap3A_1107], %select_n3A_1106 {strides = array<i32>} : memref<896xf32, #tpu.memory_space<vmem>>, vector<16xf32>,
      %gt3A_1109 = arith.cmpf ogt, %select_n3A_1106, %select_n3A_1057 : vector<16xf32>
      %select_n3A_1110 = arith.select %gt3A_1109, %select_n3A_1106, %select_n3A_1057 : vector<16xi1>, vector<16xf32>
      %broadcast_in_dim3A_1111 = vector.broadcast %scan3A_1061 : i32 to vector<16xi32>
      %select_n3A_1112 = arith.select %gt3A_1109, %broadcast_in_dim3A_1111, %select_n3A_1059 : vector<16xi1>, vector<16xi32>
      scf.yield %select_n3A_1110, %select_n3A_1112 : vector<16xf32>, vector<16xi32>
    }
    %scan3A_77 = arith.constant 22 : i32
    %scan3A_78 = arith.addi %scan3A_72, %scan3A_77 : i32
    %mul3A_79 = arith.constant 16 : i32
    %mul3A_80 = arith.muli %scan3A_78, %mul3A_79 : i32
    %add3A_81 = arith.constant 0 : i32
    %add3A_82 = arith.addi %add3A_81, %mul3A_80 : i32
    %get3A_83 = arith.index_cast %add3A_82 : i32 to index
    %get3A_84 = tpu.vector_load %arg5[%get3A_83] {strides = array<i32>} : memref<896xf32, #tpu.memory_space<vmem>>, vector<16xf32>,
    %get3A_85 = arith.index_cast %add3A_82 : i32 to index
    %get3A_86 = tpu.vector_load %arg7[%get3A_85] {strides = array<i32>} : memref<4528xf32, #tpu.memory_space<vmem>>, vector<16xf32>,
    %max3A = arith.maximumf %get3A_86, %gather3A : vector<16xf32>
    %add3A_87 = arith.constant 896 : i32
    %add3A_88 = arith.addi %add3A_87, %add3A_82 : i32
    %get3A_89 = arith.index_cast %add3A_88 : i32 to index
    %get3A_90 = tpu.vector_load %arg7[%get3A_89] {strides = array<i32>} : memref<4528xf32, #tpu.memory_space<vmem>>, vector<16xf32>,
    %max3A_91 = arith.maximumf %get3A_90, %gather3A_58 : vector<16xf32>
    %add3A_92 = arith.constant 1792 : i32
    %add3A_93 = arith.addi %add3A_92, %add3A_82 : i32
    %get3A_94 = arith.index_cast %add3A_93 : i32 to index
    %get3A_95 = tpu.vector_load %arg7[%get3A_94] {strides = array<i32>} : memref<4528xf32, #tpu.memory_space<vmem>>, vector<16xf32>,
    %min3A = arith.minimumf %get3A_95, %gather3A_62 : vector<16xf32>
    %add3A_96 = arith.constant 2688 : i32
    %add3A_97 = arith.addi %add3A_96, %add3A_82 : i32
    %get3A_98 = arith.index_cast %add3A_97 : i32 to index
    %get3A_99 = tpu.vector_load %arg7[%get3A_98] {strides = array<i32>} : memref<4528xf32, #tpu.memory_space<vmem>>, vector<16xf32>,
    %min3A_100 = arith.minimumf %get3A_99, %gather3A_66 : vector<16xf32>
    %sub3A = arith.subf %min3A, %max3A : vector<16xf32>
    %max3A_101 = arith.constant 0.000000e+00 : f32
    %max3A_102 = vector.broadcast %max3A_101 : f32 to vector<16xf32>
    %max3A_103 = arith.maximumf %sub3A, %max3A_102 : vector<16xf32>
    %sub3A_104 = arith.subf %min3A_100, %max3A_91 : vector<16xf32>
    %max3A_105 = arith.constant 0.000000e+00 : f32
    %max3A_106 = vector.broadcast %max3A_105 : f32 to vector<16xf32>
    %max3A_107 = arith.maximumf %sub3A_104, %max3A_106 : vector<16xf32>
    %mul3A_108 = arith.mulf %max3A_103, %max3A_107 : vector<16xf32>
    %mul3A_109 = arith.mulf %get3A_15, %mul3A_108 : vector<16xf32>
    %add3A_110 = arith.addf %mul3A_108, %mul3A_109 : vector<16xf32>
    %add3A_111 = arith.constant 3584 : i32
    %add3A_112 = arith.addi %add3A_111, %add3A_82 : i32
    %get3A_113 = arith.index_cast %add3A_112 : i32 to index
    %get3A_114 = tpu.vector_load %arg7[%get3A_113] {strides = array<i32>} : memref<4528xf32, #tpu.memory_space<vmem>>, vector<16xf32>,
    %mul3A_115 = arith.mulf %get3A_15, %get3A_114 : vector<16xf32>
    %add3A_116 = arith.addf %mul3A_115, %mul3A_71 : vector<16xf32>
    %gt3A = arith.cmpf ogt, %add3A_110, %add3A_116 : vector<16xf32>
    %jit3A_117 = arith.constant -1.000000e+30 : f32
    %broadcast_in_dim3A_118 = vector.broadcast %jit3A_117 : f32 to vector<16xf32>
    %select_n3A_119 = arith.select %gt3A, %broadcast_in_dim3A_118, %get3A_84 : vector<16xi1>, vector<16xf32>
    %swap3A = arith.index_cast %add3A_82 : i32 to index
    %swap3A_120 = tpu.vector_load %arg5[%swap3A] {strides = array<i32>} : memref<896xf32, #tpu.memory_space<vmem>>, vector<16xf32>,
    tpu.vector_store %arg5[%swap3A], %select_n3A_119 {strides = array<i32>} : memref<896xf32, #tpu.memory_space<vmem>>, vector<16xf32>,
    %gt3A_121 = arith.cmpf ogt, %select_n3A_119, %scan3A_76#0 : vector<16xf32>
    %select_n3A_122 = arith.select %gt3A_121, %select_n3A_119, %scan3A_76#0 : vector<16xi1>, vector<16xf32>
    %broadcast_in_dim3A_123 = vector.broadcast %scan3A_78 : i32 to vector<16xi32>
    %select_n3A_124 = arith.select %gt3A_121, %broadcast_in_dim3A_123, %scan3A_76#1 : vector<16xi1>, vector<16xi32>
    %scan3A_125 = arith.constant 23 : i32
    %reduce_max3A_126 = arith.constant true
    %reduce_max3A_127 = vector.broadcast %reduce_max3A_126 : i1 to vector<16xi1>
    %reduce_max3A_128 = tpu.scan <max>, %select_n3A_122 masked %reduce_max3A_127 : vector<16xf32>, vector<16xi1> -> vector<16xf32>
    %reduce_max3A_129 = vector.extract %reduce_max3A_128[15] : f32 from vector<16xf32>
    %mul3A_130 = arith.constant 16 : i32
    %mul3A_131 = vector.broadcast %mul3A_130 : i32 to vector<16xi32>
    %mul3A_132 = arith.muli %select_n3A_124, %mul3A_131 : vector<16xi32>
    %add3A_133 = arith.addi %mul3A_132, %iota3A : vector<16xi32>
    %eq3A_134 = vector.broadcast %reduce_max3A_129 : f32 to vector<16xf32>
    %eq3A_135 = arith.cmpf oeq, %select_n3A_122, %eq3A_134 : vector<16xf32>
    %jit3A_136 = arith.constant 1073741824 : i32
    %broadcast_in_dim3A_137 = vector.broadcast %jit3A_136 : i32 to vector<16xi32>
    %select_n3A_138 = arith.select %eq3A_135, %add3A_133, %broadcast_in_dim3A_137 : vector<16xi1>, vector<16xi32>
    %reduce_min3A_139 = arith.constant true
    %reduce_min3A_140 = vector.broadcast %reduce_min3A_139 : i1 to vector<16xi1>
    %reduce_min3A_141 = arith.constant -2147483648 : i32
    %reduce_min3A_142 = vector.broadcast %reduce_min3A_141 : i32 to vector<16xi32>
    %reduce_min3A_143 = arith.xori %select_n3A_138, %reduce_min3A_142 : vector<16xi32>
    %reduce_min3A_144 = tpu.scan <min>, %reduce_min3A_143 masked %reduce_min3A_140 : vector<16xi32>, vector<16xi1> -> vector<16xi32>
    %reduce_min3A_145 = arith.xori %reduce_min3A_144, %reduce_min3A_142 : vector<16xi32>
    %reduce_min3A_146 = vector.extract %reduce_min3A_145[15] : i32 from vector<16xi32>
    %eq3A_147 = arith.constant 1 : i32
    %eq3A_148 = vector.broadcast %eq3A_147 : i32 to vector<16xi32>
    %eq3A_149 = arith.cmpi eq, %iota3A, %eq3A_148 : vector<16xi32>
    %add3A_150 = arith.constant 0 : i32
    %add3A_151 = arith.addi %add3A_150, %reduce_min3A_146 : i32
    %convert_element_type3A_152 = arith.sitofp %add3A_151 : i32 to f32
    %broadcast_in_dim3A_153 = vector.broadcast %convert_element_type3A_152 : f32 to vector<16xf32>
    %select_n3A_154 = arith.select %eq3A_149, %broadcast_in_dim3A_153, %select_n3A_50 : vector<16xi1>, vector<16xf32>
    %eq3A_155 = arith.constant 9 : i32
    %eq3A_156 = vector.broadcast %eq3A_155 : i32 to vector<16xi32>
    %eq3A_157 = arith.cmpi eq, %iota3A, %eq3A_156 : vector<16xi32>
    %broadcast_in_dim3A_158 = vector.broadcast %reduce_max3A_129 : f32 to vector<16xf32>
    %select_n3A_159 = arith.select %eq3A_157, %broadcast_in_dim3A_158, %select_n3A_154 : vector<16xi1>, vector<16xf32>
    %get3A_160 = arith.constant 4496 : index
    %get3A_161 = tpu.vector_load %arg7[%get3A_160] {strides = array<i32>} : memref<4528xf32, #tpu.memory_space<vmem>>, vector<16xf32>,
    %get3A_162 = arith.constant 368 : index
    %get3A_163 = tpu.vector_load %arg5[%get3A_162] {strides = array<i32>} : memref<896xf32, #tpu.memory_space<vmem>>, vector<16xf32>,
    %scan3A_164 = arith.constant 1 : i32
    %scan3A_165 = arith.constant 14 : i32
    %scan3A_166 = arith.addi %scan3A_164, %scan3A_165 : i32
    %scan3A_167 = arith.constant 2 : i32
    %scan3A_168:2 = scf.for %scan3A_1006 = %scan3A_164 to %scan3A_166 step %scan3A_167 iter_args(%scan3A_1007 = %get3A_163, %scan3A_1008 = %broadcast_in_dim3A_12) -> (vector<16xf32>, vector<16xi32>)  : i32 {
      %mul3A_1009 = arith.constant 16 : i32
      %mul3A_1010 = arith.muli %scan3A_1006, %mul3A_1009 : i32
      %add3A_1011 = arith.constant 368 : i32
      %add3A_1012 = arith.addi %add3A_1011, %mul3A_1010 : i32
      %get3A_1013 = arith.index_cast %add3A_1012 : i32 to index
      %get3A_1014 = tpu.vector_load %arg5[%get3A_1013] {strides = array<i32>} : memref<896xf32, #tpu.memory_space<vmem>>, vector<16xf32>,
      %gt3A_1015 = arith.cmpf ogt, %get3A_1014, %scan3A_1007 : vector<16xf32>
      %select_n3A_1016 = arith.select %gt3A_1015, %get3A_1014, %scan3A_1007 : vector<16xi1>, vector<16xf32>
      %broadcast_in_dim3A_1017 = vector.broadcast %scan3A_1006 : i32 to vector<16xi32>
      %select_n3A_1018 = arith.select %gt3A_1015, %broadcast_in_dim3A_1017, %scan3A_1008 : vector<16xi1>, vector<16xi32>
      %scan3A_1019 = arith.constant 1 : i32
      %scan3A_1020 = arith.addi %scan3A_1006, %scan3A_1019 : i32
      %mul3A_1021 = arith.constant 16 : i32
      %mul3A_1022 = arith.muli %scan3A_1020, %mul3A_1021 : i32
      %add3A_1023 = arith.constant 368 : i32
      %add3A_1024 = arith.addi %add3A_1023, %mul3A_1022 : i32
      %get3A_1025 = arith.index_cast %add3A_1024 : i32 to index
      %get3A_1026 = tpu.vector_load %arg5[%get3A_1025] {strides = array<i32>} : memref<896xf32, #tpu.memory_space<vmem>>, vector<16xf32>,
      %gt3A_1027 = arith.cmpf ogt, %get3A_1026, %select_n3A_1016 : vector<16xf32>
      %select_n3A_1028 = arith.select %gt3A_1027, %get3A_1026, %select_n3A_1016 : vector<16xi1>, vector<16xf32>
      %broadcast_in_dim3A_1029 = vector.broadcast %scan3A_1020 : i32 to vector<16xi32>
      %select_n3A_1030 = arith.select %gt3A_1027, %broadcast_in_dim3A_1029, %select_n3A_1018 : vector<16xi1>, vector<16xi32>
      scf.yield %select_n3A_1028, %select_n3A_1030 : vector<16xf32>, vector<16xi32>
    }
    %scan3A_169 = arith.constant 14 : i32
    %scan3A_170 = arith.addi %scan3A_164, %scan3A_169 : i32
    %mul3A_171 = arith.constant 16 : i32
    %mul3A_172 = arith.muli %scan3A_170, %mul3A_171 : i32
    %add3A_173 = arith.constant 368 : i32
    %add3A_174 = arith.addi %add3A_173, %mul3A_172 : i32
    %get3A_175 = arith.index_cast %add3A_174 : i32 to index
    %get3A_176 = tpu.vector_load %arg5[%get3A_175] {strides = array<i32>} : memref<896xf32, #tpu.memory_space<vmem>>, vector<16xf32>,
    %gt3A_177 = arith.cmpf ogt, %get3A_176, %scan3A_168#0 : vector<16xf32>
    %select_n3A_178 = arith.select %gt3A_177, %get3A_176, %scan3A_168#0 : vector<16xi1>, vector<16xf32>
    %broadcast_in_dim3A_179 = vector.broadcast %scan3A_170 : i32 to vector<16xi32>
    %select_n3A_180 = arith.select %gt3A_177, %broadcast_in_dim3A_179, %scan3A_168#1 : vector<16xi1>, vector<16xi32>
    %scan3A_181 = arith.constant 15 : i32
    %reduce_max3A_182 = arith.constant true
    %reduce_max3A_183 = vector.broadcast %reduce_max3A_182 : i1 to vector<16xi1>
    %reduce_max3A_184 = tpu.scan <max>, %select_n3A_178 masked %reduce_max3A_183 : vector<16xf32>, vector<16xi1> -> vector<16xf32>
    %reduce_max3A_185 = vector.extract %reduce_max3A_184[15] : f32 from vector<16xf32>
    %mul3A_186 = arith.constant 16 : i32
    %mul3A_187 = vector.broadcast %mul3A_186 : i32 to vector<16xi32>
    %mul3A_188 = arith.muli %select_n3A_180, %mul3A_187 : vector<16xi32>
    %add3A_189 = arith.addi %mul3A_188, %iota3A : vector<16xi32>
    %eq3A_190 = vector.broadcast %reduce_max3A_185 : f32 to vector<16xf32>
    %eq3A_191 = arith.cmpf oeq, %select_n3A_178, %eq3A_190 : vector<16xf32>
    %jit3A_192 = arith.constant 1073741824 : i32
    %broadcast_in_dim3A_193 = vector.broadcast %jit3A_192 : i32 to vector<16xi32>
    %select_n3A_194 = arith.select %eq3A_191, %add3A_189, %broadcast_in_dim3A_193 : vector<16xi1>, vector<16xi32>
    %reduce_min3A_195 = arith.constant true
    %reduce_min3A_196 = vector.broadcast %reduce_min3A_195 : i1 to vector<16xi1>
    %reduce_min3A_197 = arith.constant -2147483648 : i32
    %reduce_min3A_198 = vector.broadcast %reduce_min3A_197 : i32 to vector<16xi32>
    %reduce_min3A_199 = arith.xori %select_n3A_194, %reduce_min3A_198 : vector<16xi32>
    %reduce_min3A_200 = tpu.scan <min>, %reduce_min3A_199 masked %reduce_min3A_196 : vector<16xi32>, vector<16xi1> -> vector<16xi32>
    %reduce_min3A_201 = arith.xori %reduce_min3A_200, %reduce_min3A_198 : vector<16xi32>
    %reduce_min3A_202 = vector.extract %reduce_min3A_201[15] : i32 from vector<16xi32>
    %eq3A_203 = arith.constant 2 : i32
    %eq3A_204 = vector.broadcast %eq3A_203 : i32 to vector<16xi32>
    %eq3A_205 = arith.cmpi eq, %iota3A, %eq3A_204 : vector<16xi32>
    %add3A_206 = arith.constant 361 : i32
    %add3A_207 = arith.addi %add3A_206, %reduce_min3A_202 : i32
    %convert_element_type3A_208 = arith.sitofp %add3A_207 : i32 to f32
    %broadcast_in_dim3A_209 = vector.broadcast %convert_element_type3A_208 : f32 to vector<16xf32>
    %select_n3A_210 = arith.select %eq3A_205, %broadcast_in_dim3A_209, %select_n3A_159 : vector<16xi1>, vector<16xf32>
    %eq3A_211 = arith.constant 10 : i32
    %eq3A_212 = vector.broadcast %eq3A_211 : i32 to vector<16xi32>
    %eq3A_213 = arith.cmpi eq, %iota3A, %eq3A_212 : vector<16xi32>
    %broadcast_in_dim3A_214 = vector.broadcast %reduce_max3A_185 : f32 to vector<16xf32>
    %select_n3A_215 = arith.select %eq3A_213, %broadcast_in_dim3A_214, %select_n3A_210 : vector<16xi1>, vector<16xf32>
    %add3A_216 = arith.constant 368 : i32
    %add3A_217 = arith.addi %add3A_216, %reduce_min3A_202 : i32
    %add3A_218 = vector.broadcast %add3A_217 : i32 to vector<16xi32>
    %add3A_219 = arith.addi %broadcast_in_dim3A_12, %add3A_218 : vector<16xi32>
    %gather3A_220 = tpu.vector_load_idx %arg7[%add3A_219] : memref<4528xf32, #tpu.memory_space<vmem>>[vector<16xi32>], vector<16xf32>,
    %add3A_221 = arith.constant 896 : i32
    %add3A_222 = vector.broadcast %add3A_221 : i32 to vector<16xi32>
    %add3A_223 = arith.addi %add3A_219, %add3A_222 : vector<16xi32>
    %gather3A_224 = tpu.vector_load_idx %arg7[%add3A_223] : memref<4528xf32, #tpu.memory_space<vmem>>[vector<16xi32>], vector<16xf32>,
    %add3A_225 = arith.constant 1792 : i32
    %add3A_226 = vector.broadcast %add3A_225 : i32 to vector<16xi32>
    %add3A_227 = arith.addi %add3A_219, %add3A_226 : vector<16xi32>
    %gather3A_228 = tpu.vector_load_idx %arg7[%add3A_227] : memref<4528xf32, #tpu.memory_space<vmem>>[vector<16xi32>], vector<16xf32>,
    %add3A_229 = arith.constant 2688 : i32
    %add3A_230 = vector.broadcast %add3A_229 : i32 to vector<16xi32>
    %add3A_231 = arith.addi %add3A_219, %add3A_230 : vector<16xi32>
    %gather3A_232 = tpu.vector_load_idx %arg7[%add3A_231] : memref<4528xf32, #tpu.memory_space<vmem>>[vector<16xi32>], vector<16xf32>,
    %add3A_233 = arith.constant 3584 : i32
    %add3A_234 = vector.broadcast %add3A_233 : i32 to vector<16xi32>
    %add3A_235 = arith.addi %add3A_219, %add3A_234 : vector<16xi32>
    %gather3A_236 = tpu.vector_load_idx %arg7[%add3A_235] : memref<4528xf32, #tpu.memory_space<vmem>>[vector<16xi32>], vector<16xf32>,
    %mul3A_237 = arith.mulf %get3A_161, %gather3A_236 : vector<16xf32>
    %scan3A_238 = arith.constant 0 : i32
    %scan3A_239 = arith.constant 16 : i32
    %scan3A_240 = arith.addi %scan3A_238, %scan3A_239 : i32
    %scan3A_241 = arith.constant 2 : i32
    %scan3A_242:2 = scf.for %scan3A_1006 = %scan3A_238 to %scan3A_240 step %scan3A_241 iter_args(%scan3A_1007 = %broadcast_in_dim3A_10, %scan3A_1008 = %broadcast_in_dim3A_12) -> (vector<16xf32>, vector<16xi32>)  : i32 {
      %mul3A_1009 = arith.constant 16 : i32
      %mul3A_1010 = arith.muli %scan3A_1006, %mul3A_1009 : i32
      %add3A_1011 = arith.constant 368 : i32
      %add3A_1012 = arith.addi %add3A_1011, %mul3A_1010 : i32
      %get3A_1013 = arith.index_cast %add3A_1012 : i32 to index
      %get3A_1014 = tpu.vector_load %arg5[%get3A_1013] {strides = array<i32>} : memref<896xf32, #tpu.memory_space<vmem>>, vector<16xf32>,
      %get3A_1015 = arith.index_cast %add3A_1012 : i32 to index
      %get3A_1016 = tpu.vector_load %arg7[%get3A_1015] {strides = array<i32>} : memref<4528xf32, #tpu.memory_space<vmem>>, vector<16xf32>,
      %max3A_1017 = arith.maximumf %get3A_1016, %gather3A_220 : vector<16xf32>
      %add3A_1018 = arith.constant 896 : i32
      %add3A_1019 = arith.addi %add3A_1018, %add3A_1012 : i32
      %get3A_1020 = arith.index_cast %add3A_1019 : i32 to index
      %get3A_1021 = tpu.vector_load %arg7[%get3A_1020] {strides = array<i32>} : memref<4528xf32, #tpu.memory_space<vmem>>, vector<16xf32>,
      %max3A_1022 = arith.maximumf %get3A_1021, %gather3A_224 : vector<16xf32>
      %add3A_1023 = arith.constant 1792 : i32
      %add3A_1024 = arith.addi %add3A_1023, %add3A_1012 : i32
      %get3A_1025 = arith.index_cast %add3A_1024 : i32 to index
      %get3A_1026 = tpu.vector_load %arg7[%get3A_1025] {strides = array<i32>} : memref<4528xf32, #tpu.memory_space<vmem>>, vector<16xf32>,
      %min3A_1027 = arith.minimumf %get3A_1026, %gather3A_228 : vector<16xf32>
      %add3A_1028 = arith.constant 2688 : i32
      %add3A_1029 = arith.addi %add3A_1028, %add3A_1012 : i32
      %get3A_1030 = arith.index_cast %add3A_1029 : i32 to index
      %get3A_1031 = tpu.vector_load %arg7[%get3A_1030] {strides = array<i32>} : memref<4528xf32, #tpu.memory_space<vmem>>, vector<16xf32>,
      %min3A_1032 = arith.minimumf %get3A_1031, %gather3A_232 : vector<16xf32>
      %sub3A_1033 = arith.subf %min3A_1027, %max3A_1017 : vector<16xf32>
      %max3A_1034 = arith.constant 0.000000e+00 : f32
      %max3A_1035 = vector.broadcast %max3A_1034 : f32 to vector<16xf32>
      %max3A_1036 = arith.maximumf %sub3A_1033, %max3A_1035 : vector<16xf32>
      %sub3A_1037 = arith.subf %min3A_1032, %max3A_1022 : vector<16xf32>
      %max3A_1038 = arith.constant 0.000000e+00 : f32
      %max3A_1039 = vector.broadcast %max3A_1038 : f32 to vector<16xf32>
      %max3A_1040 = arith.maximumf %sub3A_1037, %max3A_1039 : vector<16xf32>
      %mul3A_1041 = arith.mulf %max3A_1036, %max3A_1040 : vector<16xf32>
      %mul3A_1042 = arith.mulf %get3A_161, %mul3A_1041 : vector<16xf32>
      %add3A_1043 = arith.addf %mul3A_1041, %mul3A_1042 : vector<16xf32>
      %add3A_1044 = arith.constant 3584 : i32
      %add3A_1045 = arith.addi %add3A_1044, %add3A_1012 : i32
      %get3A_1046 = arith.index_cast %add3A_1045 : i32 to index
      %get3A_1047 = tpu.vector_load %arg7[%get3A_1046] {strides = array<i32>} : memref<4528xf32, #tpu.memory_space<vmem>>, vector<16xf32>,
      %mul3A_1048 = arith.mulf %get3A_161, %get3A_1047 : vector<16xf32>
      %add3A_1049 = arith.addf %mul3A_1048, %mul3A_237 : vector<16xf32>
      %gt3A_1050 = arith.cmpf ogt, %add3A_1043, %add3A_1049 : vector<16xf32>
      %jit3A_1051 = arith.constant -1.000000e+30 : f32
      %broadcast_in_dim3A_1052 = vector.broadcast %jit3A_1051 : f32 to vector<16xf32>
      %select_n3A_1053 = arith.select %gt3A_1050, %broadcast_in_dim3A_1052, %get3A_1014 : vector<16xi1>, vector<16xf32>
      %swap3A_1054 = arith.index_cast %add3A_1012 : i32 to index
      %swap3A_1055 = tpu.vector_load %arg5[%swap3A_1054] {strides = array<i32>} : memref<896xf32, #tpu.memory_space<vmem>>, vector<16xf32>,
      tpu.vector_store %arg5[%swap3A_1054], %select_n3A_1053 {strides = array<i32>} : memref<896xf32, #tpu.memory_space<vmem>>, vector<16xf32>,
      %gt3A_1056 = arith.cmpf ogt, %select_n3A_1053, %scan3A_1007 : vector<16xf32>
      %select_n3A_1057 = arith.select %gt3A_1056, %select_n3A_1053, %scan3A_1007 : vector<16xi1>, vector<16xf32>
      %broadcast_in_dim3A_1058 = vector.broadcast %scan3A_1006 : i32 to vector<16xi32>
      %select_n3A_1059 = arith.select %gt3A_1056, %broadcast_in_dim3A_1058, %scan3A_1008 : vector<16xi1>, vector<16xi32>
      %scan3A_1060 = arith.constant 1 : i32
      %scan3A_1061 = arith.addi %scan3A_1006, %scan3A_1060 : i32
      %mul3A_1062 = arith.constant 16 : i32
      %mul3A_1063 = arith.muli %scan3A_1061, %mul3A_1062 : i32
      %add3A_1064 = arith.constant 368 : i32
      %add3A_1065 = arith.addi %add3A_1064, %mul3A_1063 : i32
      %get3A_1066 = arith.index_cast %add3A_1065 : i32 to index
      %get3A_1067 = tpu.vector_load %arg5[%get3A_1066] {strides = array<i32>} : memref<896xf32, #tpu.memory_space<vmem>>, vector<16xf32>,
      %get3A_1068 = arith.index_cast %add3A_1065 : i32 to index
      %get3A_1069 = tpu.vector_load %arg7[%get3A_1068] {strides = array<i32>} : memref<4528xf32, #tpu.memory_space<vmem>>, vector<16xf32>,
      %max3A_1070 = arith.maximumf %get3A_1069, %gather3A_220 : vector<16xf32>
      %add3A_1071 = arith.constant 896 : i32
      %add3A_1072 = arith.addi %add3A_1071, %add3A_1065 : i32
      %get3A_1073 = arith.index_cast %add3A_1072 : i32 to index
      %get3A_1074 = tpu.vector_load %arg7[%get3A_1073] {strides = array<i32>} : memref<4528xf32, #tpu.memory_space<vmem>>, vector<16xf32>,
      %max3A_1075 = arith.maximumf %get3A_1074, %gather3A_224 : vector<16xf32>
      %add3A_1076 = arith.constant 1792 : i32
      %add3A_1077 = arith.addi %add3A_1076, %add3A_1065 : i32
      %get3A_1078 = arith.index_cast %add3A_1077 : i32 to index
      %get3A_1079 = tpu.vector_load %arg7[%get3A_1078] {strides = array<i32>} : memref<4528xf32, #tpu.memory_space<vmem>>, vector<16xf32>,
      %min3A_1080 = arith.minimumf %get3A_1079, %gather3A_228 : vector<16xf32>
      %add3A_1081 = arith.constant 2688 : i32
      %add3A_1082 = arith.addi %add3A_1081, %add3A_1065 : i32
      %get3A_1083 = arith.index_cast %add3A_1082 : i32 to index
      %get3A_1084 = tpu.vector_load %arg7[%get3A_1083] {strides = array<i32>} : memref<4528xf32, #tpu.memory_space<vmem>>, vector<16xf32>,
      %min3A_1085 = arith.minimumf %get3A_1084, %gather3A_232 : vector<16xf32>
      %sub3A_1086 = arith.subf %min3A_1080, %max3A_1070 : vector<16xf32>
      %max3A_1087 = arith.constant 0.000000e+00 : f32
      %max3A_1088 = vector.broadcast %max3A_1087 : f32 to vector<16xf32>
      %max3A_1089 = arith.maximumf %sub3A_1086, %max3A_1088 : vector<16xf32>
      %sub3A_1090 = arith.subf %min3A_1085, %max3A_1075 : vector<16xf32>
      %max3A_1091 = arith.constant 0.000000e+00 : f32
      %max3A_1092 = vector.broadcast %max3A_1091 : f32 to vector<16xf32>
      %max3A_1093 = arith.maximumf %sub3A_1090, %max3A_1092 : vector<16xf32>
      %mul3A_1094 = arith.mulf %max3A_1089, %max3A_1093 : vector<16xf32>
      %mul3A_1095 = arith.mulf %get3A_161, %mul3A_1094 : vector<16xf32>
      %add3A_1096 = arith.addf %mul3A_1094, %mul3A_1095 : vector<16xf32>
      %add3A_1097 = arith.constant 3584 : i32
      %add3A_1098 = arith.addi %add3A_1097, %add3A_1065 : i32
      %get3A_1099 = arith.index_cast %add3A_1098 : i32 to index
      %get3A_1100 = tpu.vector_load %arg7[%get3A_1099] {strides = array<i32>} : memref<4528xf32, #tpu.memory_space<vmem>>, vector<16xf32>,
      %mul3A_1101 = arith.mulf %get3A_161, %get3A_1100 : vector<16xf32>
      %add3A_1102 = arith.addf %mul3A_1101, %mul3A_237 : vector<16xf32>
      %gt3A_1103 = arith.cmpf ogt, %add3A_1096, %add3A_1102 : vector<16xf32>
      %jit3A_1104 = arith.constant -1.000000e+30 : f32
      %broadcast_in_dim3A_1105 = vector.broadcast %jit3A_1104 : f32 to vector<16xf32>
      %select_n3A_1106 = arith.select %gt3A_1103, %broadcast_in_dim3A_1105, %get3A_1067 : vector<16xi1>, vector<16xf32>
      %swap3A_1107 = arith.index_cast %add3A_1065 : i32 to index
      %swap3A_1108 = tpu.vector_load %arg5[%swap3A_1107] {strides = array<i32>} : memref<896xf32, #tpu.memory_space<vmem>>, vector<16xf32>,
      tpu.vector_store %arg5[%swap3A_1107], %select_n3A_1106 {strides = array<i32>} : memref<896xf32, #tpu.memory_space<vmem>>, vector<16xf32>,
      %gt3A_1109 = arith.cmpf ogt, %select_n3A_1106, %select_n3A_1057 : vector<16xf32>
      %select_n3A_1110 = arith.select %gt3A_1109, %select_n3A_1106, %select_n3A_1057 : vector<16xi1>, vector<16xf32>
      %broadcast_in_dim3A_1111 = vector.broadcast %scan3A_1061 : i32 to vector<16xi32>
      %select_n3A_1112 = arith.select %gt3A_1109, %broadcast_in_dim3A_1111, %select_n3A_1059 : vector<16xi1>, vector<16xi32>
      scf.yield %select_n3A_1110, %select_n3A_1112 : vector<16xf32>, vector<16xi32>
    }
    %scan3A_243 = arith.constant 16 : i32
    %reduce_max3A_244 = arith.constant true
    %reduce_max3A_245 = vector.broadcast %reduce_max3A_244 : i1 to vector<16xi1>
    %reduce_max3A_246 = tpu.scan <max>, %scan3A_242#0 masked %reduce_max3A_245 : vector<16xf32>, vector<16xi1> -> vector<16xf32>
    %reduce_max3A_247 = vector.extract %reduce_max3A_246[15] : f32 from vector<16xf32>
    %mul3A_248 = arith.constant 16 : i32
    %mul3A_249 = vector.broadcast %mul3A_248 : i32 to vector<16xi32>
    %mul3A_250 = arith.muli %scan3A_242#1, %mul3A_249 : vector<16xi32>
    %add3A_251 = arith.addi %mul3A_250, %iota3A : vector<16xi32>
    %eq3A_252 = vector.broadcast %reduce_max3A_247 : f32 to vector<16xf32>
    %eq3A_253 = arith.cmpf oeq, %scan3A_242#0, %eq3A_252 : vector<16xf32>
    %jit3A_254 = arith.constant 1073741824 : i32
    %broadcast_in_dim3A_255 = vector.broadcast %jit3A_254 : i32 to vector<16xi32>
    %select_n3A_256 = arith.select %eq3A_253, %add3A_251, %broadcast_in_dim3A_255 : vector<16xi1>, vector<16xi32>
    %reduce_min3A_257 = arith.constant true
    %reduce_min3A_258 = vector.broadcast %reduce_min3A_257 : i1 to vector<16xi1>
    %reduce_min3A_259 = arith.constant -2147483648 : i32
    %reduce_min3A_260 = vector.broadcast %reduce_min3A_259 : i32 to vector<16xi32>
    %reduce_min3A_261 = arith.xori %select_n3A_256, %reduce_min3A_260 : vector<16xi32>
    %reduce_min3A_262 = tpu.scan <min>, %reduce_min3A_261 masked %reduce_min3A_258 : vector<16xi32>, vector<16xi1> -> vector<16xi32>
    %reduce_min3A_263 = arith.xori %reduce_min3A_262, %reduce_min3A_260 : vector<16xi32>
    %reduce_min3A_264 = vector.extract %reduce_min3A_263[15] : i32 from vector<16xi32>
    %eq3A_265 = arith.constant 3 : i32
    %eq3A_266 = vector.broadcast %eq3A_265 : i32 to vector<16xi32>
    %eq3A_267 = arith.cmpi eq, %iota3A, %eq3A_266 : vector<16xi32>
    %add3A_268 = arith.constant 361 : i32
    %add3A_269 = arith.addi %add3A_268, %reduce_min3A_264 : i32
    %convert_element_type3A_270 = arith.sitofp %add3A_269 : i32 to f32
    %broadcast_in_dim3A_271 = vector.broadcast %convert_element_type3A_270 : f32 to vector<16xf32>
    %select_n3A_272 = arith.select %eq3A_267, %broadcast_in_dim3A_271, %select_n3A_215 : vector<16xi1>, vector<16xf32>
    %eq3A_273 = arith.constant 11 : i32
    %eq3A_274 = vector.broadcast %eq3A_273 : i32 to vector<16xi32>
    %eq3A_275 = arith.cmpi eq, %iota3A, %eq3A_274 : vector<16xi32>
    %broadcast_in_dim3A_276 = vector.broadcast %reduce_max3A_247 : f32 to vector<16xf32>
    %select_n3A_277 = arith.select %eq3A_275, %broadcast_in_dim3A_276, %select_n3A_272 : vector<16xi1>, vector<16xf32>
    %add3A_278 = arith.constant 368 : i32
    %add3A_279 = arith.addi %add3A_278, %reduce_min3A_264 : i32
    %add3A_280 = vector.broadcast %add3A_279 : i32 to vector<16xi32>
    %add3A_281 = arith.addi %broadcast_in_dim3A_12, %add3A_280 : vector<16xi32>
    %gather3A_282 = tpu.vector_load_idx %arg7[%add3A_281] : memref<4528xf32, #tpu.memory_space<vmem>>[vector<16xi32>], vector<16xf32>,
    %add3A_283 = arith.constant 896 : i32
    %add3A_284 = vector.broadcast %add3A_283 : i32 to vector<16xi32>
    %add3A_285 = arith.addi %add3A_281, %add3A_284 : vector<16xi32>
    %gather3A_286 = tpu.vector_load_idx %arg7[%add3A_285] : memref<4528xf32, #tpu.memory_space<vmem>>[vector<16xi32>], vector<16xf32>,
    %add3A_287 = arith.constant 1792 : i32
    %add3A_288 = vector.broadcast %add3A_287 : i32 to vector<16xi32>
    %add3A_289 = arith.addi %add3A_281, %add3A_288 : vector<16xi32>
    %gather3A_290 = tpu.vector_load_idx %arg7[%add3A_289] : memref<4528xf32, #tpu.memory_space<vmem>>[vector<16xi32>], vector<16xf32>,
    %add3A_291 = arith.constant 2688 : i32
    %add3A_292 = vector.broadcast %add3A_291 : i32 to vector<16xi32>
    %add3A_293 = arith.addi %add3A_281, %add3A_292 : vector<16xi32>
    %gather3A_294 = tpu.vector_load_idx %arg7[%add3A_293] : memref<4528xf32, #tpu.memory_space<vmem>>[vector<16xi32>], vector<16xf32>,
    %add3A_295 = arith.constant 3584 : i32
    %add3A_296 = vector.broadcast %add3A_295 : i32 to vector<16xi32>
    %add3A_297 = arith.addi %add3A_281, %add3A_296 : vector<16xi32>
    %gather3A_298 = tpu.vector_load_idx %arg7[%add3A_297] : memref<4528xf32, #tpu.memory_space<vmem>>[vector<16xi32>], vector<16xf32>,
    %mul3A_299 = arith.mulf %get3A_161, %gather3A_298 : vector<16xf32>
    %scan3A_300 = arith.constant 0 : i32
    %scan3A_301 = arith.constant 16 : i32
    %scan3A_302 = arith.addi %scan3A_300, %scan3A_301 : i32
    %scan3A_303 = arith.constant 2 : i32
    %scan3A_304:2 = scf.for %scan3A_1006 = %scan3A_300 to %scan3A_302 step %scan3A_303 iter_args(%scan3A_1007 = %broadcast_in_dim3A_10, %scan3A_1008 = %broadcast_in_dim3A_12) -> (vector<16xf32>, vector<16xi32>)  : i32 {
      %mul3A_1009 = arith.constant 16 : i32
      %mul3A_1010 = arith.muli %scan3A_1006, %mul3A_1009 : i32
      %add3A_1011 = arith.constant 368 : i32
      %add3A_1012 = arith.addi %add3A_1011, %mul3A_1010 : i32
      %get3A_1013 = arith.index_cast %add3A_1012 : i32 to index
      %get3A_1014 = tpu.vector_load %arg5[%get3A_1013] {strides = array<i32>} : memref<896xf32, #tpu.memory_space<vmem>>, vector<16xf32>,
      %get3A_1015 = arith.index_cast %add3A_1012 : i32 to index
      %get3A_1016 = tpu.vector_load %arg7[%get3A_1015] {strides = array<i32>} : memref<4528xf32, #tpu.memory_space<vmem>>, vector<16xf32>,
      %max3A_1017 = arith.maximumf %get3A_1016, %gather3A_282 : vector<16xf32>
      %add3A_1018 = arith.constant 896 : i32
      %add3A_1019 = arith.addi %add3A_1018, %add3A_1012 : i32
      %get3A_1020 = arith.index_cast %add3A_1019 : i32 to index
      %get3A_1021 = tpu.vector_load %arg7[%get3A_1020] {strides = array<i32>} : memref<4528xf32, #tpu.memory_space<vmem>>, vector<16xf32>,
      %max3A_1022 = arith.maximumf %get3A_1021, %gather3A_286 : vector<16xf32>
      %add3A_1023 = arith.constant 1792 : i32
      %add3A_1024 = arith.addi %add3A_1023, %add3A_1012 : i32
      %get3A_1025 = arith.index_cast %add3A_1024 : i32 to index
      %get3A_1026 = tpu.vector_load %arg7[%get3A_1025] {strides = array<i32>} : memref<4528xf32, #tpu.memory_space<vmem>>, vector<16xf32>,
      %min3A_1027 = arith.minimumf %get3A_1026, %gather3A_290 : vector<16xf32>
      %add3A_1028 = arith.constant 2688 : i32
      %add3A_1029 = arith.addi %add3A_1028, %add3A_1012 : i32
      %get3A_1030 = arith.index_cast %add3A_1029 : i32 to index
      %get3A_1031 = tpu.vector_load %arg7[%get3A_1030] {strides = array<i32>} : memref<4528xf32, #tpu.memory_space<vmem>>, vector<16xf32>,
      %min3A_1032 = arith.minimumf %get3A_1031, %gather3A_294 : vector<16xf32>
      %sub3A_1033 = arith.subf %min3A_1027, %max3A_1017 : vector<16xf32>
      %max3A_1034 = arith.constant 0.000000e+00 : f32
      %max3A_1035 = vector.broadcast %max3A_1034 : f32 to vector<16xf32>
      %max3A_1036 = arith.maximumf %sub3A_1033, %max3A_1035 : vector<16xf32>
      %sub3A_1037 = arith.subf %min3A_1032, %max3A_1022 : vector<16xf32>
      %max3A_1038 = arith.constant 0.000000e+00 : f32
      %max3A_1039 = vector.broadcast %max3A_1038 : f32 to vector<16xf32>
      %max3A_1040 = arith.maximumf %sub3A_1037, %max3A_1039 : vector<16xf32>
      %mul3A_1041 = arith.mulf %max3A_1036, %max3A_1040 : vector<16xf32>
      %mul3A_1042 = arith.mulf %get3A_161, %mul3A_1041 : vector<16xf32>
      %add3A_1043 = arith.addf %mul3A_1041, %mul3A_1042 : vector<16xf32>
      %add3A_1044 = arith.constant 3584 : i32
      %add3A_1045 = arith.addi %add3A_1044, %add3A_1012 : i32
      %get3A_1046 = arith.index_cast %add3A_1045 : i32 to index
      %get3A_1047 = tpu.vector_load %arg7[%get3A_1046] {strides = array<i32>} : memref<4528xf32, #tpu.memory_space<vmem>>, vector<16xf32>,
      %mul3A_1048 = arith.mulf %get3A_161, %get3A_1047 : vector<16xf32>
      %add3A_1049 = arith.addf %mul3A_1048, %mul3A_299 : vector<16xf32>
      %gt3A_1050 = arith.cmpf ogt, %add3A_1043, %add3A_1049 : vector<16xf32>
      %jit3A_1051 = arith.constant -1.000000e+30 : f32
      %broadcast_in_dim3A_1052 = vector.broadcast %jit3A_1051 : f32 to vector<16xf32>
      %select_n3A_1053 = arith.select %gt3A_1050, %broadcast_in_dim3A_1052, %get3A_1014 : vector<16xi1>, vector<16xf32>
      %swap3A_1054 = arith.index_cast %add3A_1012 : i32 to index
      %swap3A_1055 = tpu.vector_load %arg5[%swap3A_1054] {strides = array<i32>} : memref<896xf32, #tpu.memory_space<vmem>>, vector<16xf32>,
      tpu.vector_store %arg5[%swap3A_1054], %select_n3A_1053 {strides = array<i32>} : memref<896xf32, #tpu.memory_space<vmem>>, vector<16xf32>,
      %gt3A_1056 = arith.cmpf ogt, %select_n3A_1053, %scan3A_1007 : vector<16xf32>
      %select_n3A_1057 = arith.select %gt3A_1056, %select_n3A_1053, %scan3A_1007 : vector<16xi1>, vector<16xf32>
      %broadcast_in_dim3A_1058 = vector.broadcast %scan3A_1006 : i32 to vector<16xi32>
      %select_n3A_1059 = arith.select %gt3A_1056, %broadcast_in_dim3A_1058, %scan3A_1008 : vector<16xi1>, vector<16xi32>
      %scan3A_1060 = arith.constant 1 : i32
      %scan3A_1061 = arith.addi %scan3A_1006, %scan3A_1060 : i32
      %mul3A_1062 = arith.constant 16 : i32
      %mul3A_1063 = arith.muli %scan3A_1061, %mul3A_1062 : i32
      %add3A_1064 = arith.constant 368 : i32
      %add3A_1065 = arith.addi %add3A_1064, %mul3A_1063 : i32
      %get3A_1066 = arith.index_cast %add3A_1065 : i32 to index
      %get3A_1067 = tpu.vector_load %arg5[%get3A_1066] {strides = array<i32>} : memref<896xf32, #tpu.memory_space<vmem>>, vector<16xf32>,
      %get3A_1068 = arith.index_cast %add3A_1065 : i32 to index
      %get3A_1069 = tpu.vector_load %arg7[%get3A_1068] {strides = array<i32>} : memref<4528xf32, #tpu.memory_space<vmem>>, vector<16xf32>,
      %max3A_1070 = arith.maximumf %get3A_1069, %gather3A_282 : vector<16xf32>
      %add3A_1071 = arith.constant 896 : i32
      %add3A_1072 = arith.addi %add3A_1071, %add3A_1065 : i32
      %get3A_1073 = arith.index_cast %add3A_1072 : i32 to index
      %get3A_1074 = tpu.vector_load %arg7[%get3A_1073] {strides = array<i32>} : memref<4528xf32, #tpu.memory_space<vmem>>, vector<16xf32>,
      %max3A_1075 = arith.maximumf %get3A_1074, %gather3A_286 : vector<16xf32>
      %add3A_1076 = arith.constant 1792 : i32
      %add3A_1077 = arith.addi %add3A_1076, %add3A_1065 : i32
      %get3A_1078 = arith.index_cast %add3A_1077 : i32 to index
      %get3A_1079 = tpu.vector_load %arg7[%get3A_1078] {strides = array<i32>} : memref<4528xf32, #tpu.memory_space<vmem>>, vector<16xf32>,
      %min3A_1080 = arith.minimumf %get3A_1079, %gather3A_290 : vector<16xf32>
      %add3A_1081 = arith.constant 2688 : i32
      %add3A_1082 = arith.addi %add3A_1081, %add3A_1065 : i32
      %get3A_1083 = arith.index_cast %add3A_1082 : i32 to index
      %get3A_1084 = tpu.vector_load %arg7[%get3A_1083] {strides = array<i32>} : memref<4528xf32, #tpu.memory_space<vmem>>, vector<16xf32>,
      %min3A_1085 = arith.minimumf %get3A_1084, %gather3A_294 : vector<16xf32>
      %sub3A_1086 = arith.subf %min3A_1080, %max3A_1070 : vector<16xf32>
      %max3A_1087 = arith.constant 0.000000e+00 : f32
      %max3A_1088 = vector.broadcast %max3A_1087 : f32 to vector<16xf32>
      %max3A_1089 = arith.maximumf %sub3A_1086, %max3A_1088 : vector<16xf32>
      %sub3A_1090 = arith.subf %min3A_1085, %max3A_1075 : vector<16xf32>
      %max3A_1091 = arith.constant 0.000000e+00 : f32
      %max3A_1092 = vector.broadcast %max3A_1091 : f32 to vector<16xf32>
      %max3A_1093 = arith.maximumf %sub3A_1090, %max3A_1092 : vector<16xf32>
      %mul3A_1094 = arith.mulf %max3A_1089, %max3A_1093 : vector<16xf32>
      %mul3A_1095 = arith.mulf %get3A_161, %mul3A_1094 : vector<16xf32>
      %add3A_1096 = arith.addf %mul3A_1094, %mul3A_1095 : vector<16xf32>
      %add3A_1097 = arith.constant 3584 : i32
      %add3A_1098 = arith.addi %add3A_1097, %add3A_1065 : i32
      %get3A_1099 = arith.index_cast %add3A_1098 : i32 to index
      %get3A_1100 = tpu.vector_load %arg7[%get3A_1099] {strides = array<i32>} : memref<4528xf32, #tpu.memory_space<vmem>>, vector<16xf32>,
      %mul3A_1101 = arith.mulf %get3A_161, %get3A_1100 : vector<16xf32>
      %add3A_1102 = arith.addf %mul3A_1101, %mul3A_299 : vector<16xf32>
      %gt3A_1103 = arith.cmpf ogt, %add3A_1096, %add3A_1102 : vector<16xf32>
      %jit3A_1104 = arith.constant -1.000000e+30 : f32
      %broadcast_in_dim3A_1105 = vector.broadcast %jit3A_1104 : f32 to vector<16xf32>
      %select_n3A_1106 = arith.select %gt3A_1103, %broadcast_in_dim3A_1105, %get3A_1067 : vector<16xi1>, vector<16xf32>
      %swap3A_1107 = arith.index_cast %add3A_1065 : i32 to index
      %swap3A_1108 = tpu.vector_load %arg5[%swap3A_1107] {strides = array<i32>} : memref<896xf32, #tpu.memory_space<vmem>>, vector<16xf32>,
      tpu.vector_store %arg5[%swap3A_1107], %select_n3A_1106 {strides = array<i32>} : memref<896xf32, #tpu.memory_space<vmem>>, vector<16xf32>,
      %gt3A_1109 = arith.cmpf ogt, %select_n3A_1106, %select_n3A_1057 : vector<16xf32>
      %select_n3A_1110 = arith.select %gt3A_1109, %select_n3A_1106, %select_n3A_1057 : vector<16xi1>, vector<16xf32>
      %broadcast_in_dim3A_1111 = vector.broadcast %scan3A_1061 : i32 to vector<16xi32>
      %select_n3A_1112 = arith.select %gt3A_1109, %broadcast_in_dim3A_1111, %select_n3A_1059 : vector<16xi1>, vector<16xi32>
      scf.yield %select_n3A_1110, %select_n3A_1112 : vector<16xf32>, vector<16xi32>
    }
    %scan3A_305 = arith.constant 16 : i32
    %reduce_max3A_306 = arith.constant true
    %reduce_max3A_307 = vector.broadcast %reduce_max3A_306 : i1 to vector<16xi1>
    %reduce_max3A_308 = tpu.scan <max>, %scan3A_304#0 masked %reduce_max3A_307 : vector<16xf32>, vector<16xi1> -> vector<16xf32>
    %reduce_max3A_309 = vector.extract %reduce_max3A_308[15] : f32 from vector<16xf32>
    %mul3A_310 = arith.constant 16 : i32
    %mul3A_311 = vector.broadcast %mul3A_310 : i32 to vector<16xi32>
    %mul3A_312 = arith.muli %scan3A_304#1, %mul3A_311 : vector<16xi32>
    %add3A_313 = arith.addi %mul3A_312, %iota3A : vector<16xi32>
    %eq3A_314 = vector.broadcast %reduce_max3A_309 : f32 to vector<16xf32>
    %eq3A_315 = arith.cmpf oeq, %scan3A_304#0, %eq3A_314 : vector<16xf32>
    %jit3A_316 = arith.constant 1073741824 : i32
    %broadcast_in_dim3A_317 = vector.broadcast %jit3A_316 : i32 to vector<16xi32>
    %select_n3A_318 = arith.select %eq3A_315, %add3A_313, %broadcast_in_dim3A_317 : vector<16xi1>, vector<16xi32>
    %reduce_min3A_319 = arith.constant true
    %reduce_min3A_320 = vector.broadcast %reduce_min3A_319 : i1 to vector<16xi1>
    %reduce_min3A_321 = arith.constant -2147483648 : i32
    %reduce_min3A_322 = vector.broadcast %reduce_min3A_321 : i32 to vector<16xi32>
    %reduce_min3A_323 = arith.xori %select_n3A_318, %reduce_min3A_322 : vector<16xi32>
    %reduce_min3A_324 = tpu.scan <min>, %reduce_min3A_323 masked %reduce_min3A_320 : vector<16xi32>, vector<16xi1> -> vector<16xi32>
    %reduce_min3A_325 = arith.xori %reduce_min3A_324, %reduce_min3A_322 : vector<16xi32>
    %reduce_min3A_326 = vector.extract %reduce_min3A_325[15] : i32 from vector<16xi32>
    %eq3A_327 = arith.constant 4 : i32
    %eq3A_328 = vector.broadcast %eq3A_327 : i32 to vector<16xi32>
    %eq3A_329 = arith.cmpi eq, %iota3A, %eq3A_328 : vector<16xi32>
    %add3A_330 = arith.constant 361 : i32
    %add3A_331 = arith.addi %add3A_330, %reduce_min3A_326 : i32
    %convert_element_type3A_332 = arith.sitofp %add3A_331 : i32 to f32
    %broadcast_in_dim3A_333 = vector.broadcast %convert_element_type3A_332 : f32 to vector<16xf32>
    %select_n3A_334 = arith.select %eq3A_329, %broadcast_in_dim3A_333, %select_n3A_277 : vector<16xi1>, vector<16xf32>
    %eq3A_335 = arith.constant 12 : i32
    %eq3A_336 = vector.broadcast %eq3A_335 : i32 to vector<16xi32>
    %eq3A_337 = arith.cmpi eq, %iota3A, %eq3A_336 : vector<16xi32>
    %broadcast_in_dim3A_338 = vector.broadcast %reduce_max3A_309 : f32 to vector<16xf32>
    %select_n3A_339 = arith.select %eq3A_337, %broadcast_in_dim3A_338, %select_n3A_334 : vector<16xi1>, vector<16xf32>
    %get3A_340 = arith.constant 4512 : index
    %get3A_341 = tpu.vector_load %arg7[%get3A_340] {strides = array<i32>} : memref<4528xf32, #tpu.memory_space<vmem>>, vector<16xf32>,
    %get3A_342 = arith.constant 624 : index
    %get3A_343 = tpu.vector_load %arg5[%get3A_342] {strides = array<i32>} : memref<896xf32, #tpu.memory_space<vmem>>, vector<16xf32>,
    %scan3A_344 = arith.constant 1 : i32
    %scan3A_345 = arith.constant 16 : i32
    %scan3A_346 = arith.addi %scan3A_344, %scan3A_345 : i32
    %scan3A_347 = arith.constant 2 : i32
    %scan3A_348:2 = scf.for %scan3A_1006 = %scan3A_344 to %scan3A_346 step %scan3A_347 iter_args(%scan3A_1007 = %get3A_343, %scan3A_1008 = %broadcast_in_dim3A_12) -> (vector<16xf32>, vector<16xi32>)  : i32 {
      %mul3A_1009 = arith.constant 16 : i32
      %mul3A_1010 = arith.muli %scan3A_1006, %mul3A_1009 : i32
      %add3A_1011 = arith.constant 624 : i32
      %add3A_1012 = arith.addi %add3A_1011, %mul3A_1010 : i32
      %get3A_1013 = arith.index_cast %add3A_1012 : i32 to index
      %get3A_1014 = tpu.vector_load %arg5[%get3A_1013] {strides = array<i32>} : memref<896xf32, #tpu.memory_space<vmem>>, vector<16xf32>,
      %gt3A_1015 = arith.cmpf ogt, %get3A_1014, %scan3A_1007 : vector<16xf32>
      %select_n3A_1016 = arith.select %gt3A_1015, %get3A_1014, %scan3A_1007 : vector<16xi1>, vector<16xf32>
      %broadcast_in_dim3A_1017 = vector.broadcast %scan3A_1006 : i32 to vector<16xi32>
      %select_n3A_1018 = arith.select %gt3A_1015, %broadcast_in_dim3A_1017, %scan3A_1008 : vector<16xi1>, vector<16xi32>
      %scan3A_1019 = arith.constant 1 : i32
      %scan3A_1020 = arith.addi %scan3A_1006, %scan3A_1019 : i32
      %mul3A_1021 = arith.constant 16 : i32
      %mul3A_1022 = arith.muli %scan3A_1020, %mul3A_1021 : i32
      %add3A_1023 = arith.constant 624 : i32
      %add3A_1024 = arith.addi %add3A_1023, %mul3A_1022 : i32
      %get3A_1025 = arith.index_cast %add3A_1024 : i32 to index
      %get3A_1026 = tpu.vector_load %arg5[%get3A_1025] {strides = array<i32>} : memref<896xf32, #tpu.memory_space<vmem>>, vector<16xf32>,
      %gt3A_1027 = arith.cmpf ogt, %get3A_1026, %select_n3A_1016 : vector<16xf32>
      %select_n3A_1028 = arith.select %gt3A_1027, %get3A_1026, %select_n3A_1016 : vector<16xi1>, vector<16xf32>
      %broadcast_in_dim3A_1029 = vector.broadcast %scan3A_1020 : i32 to vector<16xi32>
      %select_n3A_1030 = arith.select %gt3A_1027, %broadcast_in_dim3A_1029, %select_n3A_1018 : vector<16xi1>, vector<16xi32>
      scf.yield %select_n3A_1028, %select_n3A_1030 : vector<16xf32>, vector<16xi32>
    }
    %scan3A_349 = arith.constant 16 : i32
    %reduce_max3A_350 = arith.constant true
    %reduce_max3A_351 = vector.broadcast %reduce_max3A_350 : i1 to vector<16xi1>
    %reduce_max3A_352 = tpu.scan <max>, %scan3A_348#0 masked %reduce_max3A_351 : vector<16xf32>, vector<16xi1> -> vector<16xf32>
    %reduce_max3A_353 = vector.extract %reduce_max3A_352[15] : f32 from vector<16xf32>
    %mul3A_354 = arith.constant 16 : i32
    %mul3A_355 = vector.broadcast %mul3A_354 : i32 to vector<16xi32>
    %mul3A_356 = arith.muli %scan3A_348#1, %mul3A_355 : vector<16xi32>
    %add3A_357 = arith.addi %mul3A_356, %iota3A : vector<16xi32>
    %eq3A_358 = vector.broadcast %reduce_max3A_353 : f32 to vector<16xf32>
    %eq3A_359 = arith.cmpf oeq, %scan3A_348#0, %eq3A_358 : vector<16xf32>
    %jit3A_360 = arith.constant 1073741824 : i32
    %broadcast_in_dim3A_361 = vector.broadcast %jit3A_360 : i32 to vector<16xi32>
    %select_n3A_362 = arith.select %eq3A_359, %add3A_357, %broadcast_in_dim3A_361 : vector<16xi1>, vector<16xi32>
    %reduce_min3A_363 = arith.constant true
    %reduce_min3A_364 = vector.broadcast %reduce_min3A_363 : i1 to vector<16xi1>
    %reduce_min3A_365 = arith.constant -2147483648 : i32
    %reduce_min3A_366 = vector.broadcast %reduce_min3A_365 : i32 to vector<16xi32>
    %reduce_min3A_367 = arith.xori %select_n3A_362, %reduce_min3A_366 : vector<16xi32>
    %reduce_min3A_368 = tpu.scan <min>, %reduce_min3A_367 masked %reduce_min3A_364 : vector<16xi32>, vector<16xi1> -> vector<16xi32>
    %reduce_min3A_369 = arith.xori %reduce_min3A_368, %reduce_min3A_366 : vector<16xi32>
    %reduce_min3A_370 = vector.extract %reduce_min3A_369[15] : i32 from vector<16xi32>
    %eq3A_371 = arith.constant 5 : i32
    %eq3A_372 = vector.broadcast %eq3A_371 : i32 to vector<16xi32>
    %eq3A_373 = arith.cmpi eq, %iota3A, %eq3A_372 : vector<16xi32>
    %add3A_374 = arith.constant 602 : i32
    %add3A_375 = arith.addi %add3A_374, %reduce_min3A_370 : i32
    %convert_element_type3A_376 = arith.sitofp %add3A_375 : i32 to f32
    %broadcast_in_dim3A_377 = vector.broadcast %convert_element_type3A_376 : f32 to vector<16xf32>
    %select_n3A_378 = arith.select %eq3A_373, %broadcast_in_dim3A_377, %select_n3A_339 : vector<16xi1>, vector<16xf32>
    %eq3A_379 = arith.constant 13 : i32
    %eq3A_380 = vector.broadcast %eq3A_379 : i32 to vector<16xi32>
    %eq3A_381 = arith.cmpi eq, %iota3A, %eq3A_380 : vector<16xi32>
    %broadcast_in_dim3A_382 = vector.broadcast %reduce_max3A_353 : f32 to vector<16xf32>
    %select_n3A_383 = arith.select %eq3A_381, %broadcast_in_dim3A_382, %select_n3A_378 : vector<16xi1>, vector<16xf32>
    %add3A_384 = arith.constant 624 : i32
    %add3A_385 = arith.addi %add3A_384, %reduce_min3A_370 : i32
    %add3A_386 = vector.broadcast %add3A_385 : i32 to vector<16xi32>
    %add3A_387 = arith.addi %broadcast_in_dim3A_12, %add3A_386 : vector<16xi32>
    %gather3A_388 = tpu.vector_load_idx %arg7[%add3A_387] : memref<4528xf32, #tpu.memory_space<vmem>>[vector<16xi32>], vector<16xf32>,
    %add3A_389 = arith.constant 896 : i32
    %add3A_390 = vector.broadcast %add3A_389 : i32 to vector<16xi32>
    %add3A_391 = arith.addi %add3A_387, %add3A_390 : vector<16xi32>
    %gather3A_392 = tpu.vector_load_idx %arg7[%add3A_391] : memref<4528xf32, #tpu.memory_space<vmem>>[vector<16xi32>], vector<16xf32>,
    %add3A_393 = arith.constant 1792 : i32
    %add3A_394 = vector.broadcast %add3A_393 : i32 to vector<16xi32>
    %add3A_395 = arith.addi %add3A_387, %add3A_394 : vector<16xi32>
    %gather3A_396 = tpu.vector_load_idx %arg7[%add3A_395] : memref<4528xf32, #tpu.memory_space<vmem>>[vector<16xi32>], vector<16xf32>,
    %add3A_397 = arith.constant 2688 : i32
    %add3A_398 = vector.broadcast %add3A_397 : i32 to vector<16xi32>
    %add3A_399 = arith.addi %add3A_387, %add3A_398 : vector<16xi32>
    %gather3A_400 = tpu.vector_load_idx %arg7[%add3A_399] : memref<4528xf32, #tpu.memory_space<vmem>>[vector<16xi32>], vector<16xf32>,
    %add3A_401 = arith.constant 3584 : i32
    %add3A_402 = vector.broadcast %add3A_401 : i32 to vector<16xi32>
    %add3A_403 = arith.addi %add3A_387, %add3A_402 : vector<16xi32>
    %gather3A_404 = tpu.vector_load_idx %arg7[%add3A_403] : memref<4528xf32, #tpu.memory_space<vmem>>[vector<16xi32>], vector<16xf32>,
    %mul3A_405 = arith.mulf %get3A_341, %gather3A_404 : vector<16xf32>
    %scan3A_406 = arith.constant 0 : i32
    %scan3A_407 = arith.constant 16 : i32
    %scan3A_408 = arith.addi %scan3A_406, %scan3A_407 : i32
    %scan3A_409 = arith.constant 2 : i32
    %scan3A_410:2 = scf.for %scan3A_1006 = %scan3A_406 to %scan3A_408 step %scan3A_409 iter_args(%scan3A_1007 = %broadcast_in_dim3A_10, %scan3A_1008 = %broadcast_in_dim3A_12) -> (vector<16xf32>, vector<16xi32>)  : i32 {
      %mul3A_1009 = arith.constant 16 : i32
      %mul3A_1010 = arith.muli %scan3A_1006, %mul3A_1009 : i32
      %add3A_1011 = arith.constant 624 : i32
      %add3A_1012 = arith.addi %add3A_1011, %mul3A_1010 : i32
      %get3A_1013 = arith.index_cast %add3A_1012 : i32 to index
      %get3A_1014 = tpu.vector_load %arg5[%get3A_1013] {strides = array<i32>} : memref<896xf32, #tpu.memory_space<vmem>>, vector<16xf32>,
      %get3A_1015 = arith.index_cast %add3A_1012 : i32 to index
      %get3A_1016 = tpu.vector_load %arg7[%get3A_1015] {strides = array<i32>} : memref<4528xf32, #tpu.memory_space<vmem>>, vector<16xf32>,
      %max3A_1017 = arith.maximumf %get3A_1016, %gather3A_388 : vector<16xf32>
      %add3A_1018 = arith.constant 896 : i32
      %add3A_1019 = arith.addi %add3A_1018, %add3A_1012 : i32
      %get3A_1020 = arith.index_cast %add3A_1019 : i32 to index
      %get3A_1021 = tpu.vector_load %arg7[%get3A_1020] {strides = array<i32>} : memref<4528xf32, #tpu.memory_space<vmem>>, vector<16xf32>,
      %max3A_1022 = arith.maximumf %get3A_1021, %gather3A_392 : vector<16xf32>
      %add3A_1023 = arith.constant 1792 : i32
      %add3A_1024 = arith.addi %add3A_1023, %add3A_1012 : i32
      %get3A_1025 = arith.index_cast %add3A_1024 : i32 to index
      %get3A_1026 = tpu.vector_load %arg7[%get3A_1025] {strides = array<i32>} : memref<4528xf32, #tpu.memory_space<vmem>>, vector<16xf32>,
      %min3A_1027 = arith.minimumf %get3A_1026, %gather3A_396 : vector<16xf32>
      %add3A_1028 = arith.constant 2688 : i32
      %add3A_1029 = arith.addi %add3A_1028, %add3A_1012 : i32
      %get3A_1030 = arith.index_cast %add3A_1029 : i32 to index
      %get3A_1031 = tpu.vector_load %arg7[%get3A_1030] {strides = array<i32>} : memref<4528xf32, #tpu.memory_space<vmem>>, vector<16xf32>,
      %min3A_1032 = arith.minimumf %get3A_1031, %gather3A_400 : vector<16xf32>
      %sub3A_1033 = arith.subf %min3A_1027, %max3A_1017 : vector<16xf32>
      %max3A_1034 = arith.constant 0.000000e+00 : f32
      %max3A_1035 = vector.broadcast %max3A_1034 : f32 to vector<16xf32>
      %max3A_1036 = arith.maximumf %sub3A_1033, %max3A_1035 : vector<16xf32>
      %sub3A_1037 = arith.subf %min3A_1032, %max3A_1022 : vector<16xf32>
      %max3A_1038 = arith.constant 0.000000e+00 : f32
      %max3A_1039 = vector.broadcast %max3A_1038 : f32 to vector<16xf32>
      %max3A_1040 = arith.maximumf %sub3A_1037, %max3A_1039 : vector<16xf32>
      %mul3A_1041 = arith.mulf %max3A_1036, %max3A_1040 : vector<16xf32>
      %mul3A_1042 = arith.mulf %get3A_341, %mul3A_1041 : vector<16xf32>
      %add3A_1043 = arith.addf %mul3A_1041, %mul3A_1042 : vector<16xf32>
      %add3A_1044 = arith.constant 3584 : i32
      %add3A_1045 = arith.addi %add3A_1044, %add3A_1012 : i32
      %get3A_1046 = arith.index_cast %add3A_1045 : i32 to index
      %get3A_1047 = tpu.vector_load %arg7[%get3A_1046] {strides = array<i32>} : memref<4528xf32, #tpu.memory_space<vmem>>, vector<16xf32>,
      %mul3A_1048 = arith.mulf %get3A_341, %get3A_1047 : vector<16xf32>
      %add3A_1049 = arith.addf %mul3A_1048, %mul3A_405 : vector<16xf32>
      %gt3A_1050 = arith.cmpf ogt, %add3A_1043, %add3A_1049 : vector<16xf32>
      %jit3A_1051 = arith.constant -1.000000e+30 : f32
      %broadcast_in_dim3A_1052 = vector.broadcast %jit3A_1051 : f32 to vector<16xf32>
      %select_n3A_1053 = arith.select %gt3A_1050, %broadcast_in_dim3A_1052, %get3A_1014 : vector<16xi1>, vector<16xf32>
      %swap3A_1054 = arith.index_cast %add3A_1012 : i32 to index
      %swap3A_1055 = tpu.vector_load %arg5[%swap3A_1054] {strides = array<i32>} : memref<896xf32, #tpu.memory_space<vmem>>, vector<16xf32>,
      tpu.vector_store %arg5[%swap3A_1054], %select_n3A_1053 {strides = array<i32>} : memref<896xf32, #tpu.memory_space<vmem>>, vector<16xf32>,
      %gt3A_1056 = arith.cmpf ogt, %select_n3A_1053, %scan3A_1007 : vector<16xf32>
      %select_n3A_1057 = arith.select %gt3A_1056, %select_n3A_1053, %scan3A_1007 : vector<16xi1>, vector<16xf32>
      %broadcast_in_dim3A_1058 = vector.broadcast %scan3A_1006 : i32 to vector<16xi32>
      %select_n3A_1059 = arith.select %gt3A_1056, %broadcast_in_dim3A_1058, %scan3A_1008 : vector<16xi1>, vector<16xi32>
      %scan3A_1060 = arith.constant 1 : i32
      %scan3A_1061 = arith.addi %scan3A_1006, %scan3A_1060 : i32
      %mul3A_1062 = arith.constant 16 : i32
      %mul3A_1063 = arith.muli %scan3A_1061, %mul3A_1062 : i32
      %add3A_1064 = arith.constant 624 : i32
      %add3A_1065 = arith.addi %add3A_1064, %mul3A_1063 : i32
      %get3A_1066 = arith.index_cast %add3A_1065 : i32 to index
      %get3A_1067 = tpu.vector_load %arg5[%get3A_1066] {strides = array<i32>} : memref<896xf32, #tpu.memory_space<vmem>>, vector<16xf32>,
      %get3A_1068 = arith.index_cast %add3A_1065 : i32 to index
      %get3A_1069 = tpu.vector_load %arg7[%get3A_1068] {strides = array<i32>} : memref<4528xf32, #tpu.memory_space<vmem>>, vector<16xf32>,
      %max3A_1070 = arith.maximumf %get3A_1069, %gather3A_388 : vector<16xf32>
      %add3A_1071 = arith.constant 896 : i32
      %add3A_1072 = arith.addi %add3A_1071, %add3A_1065 : i32
      %get3A_1073 = arith.index_cast %add3A_1072 : i32 to index
      %get3A_1074 = tpu.vector_load %arg7[%get3A_1073] {strides = array<i32>} : memref<4528xf32, #tpu.memory_space<vmem>>, vector<16xf32>,
      %max3A_1075 = arith.maximumf %get3A_1074, %gather3A_392 : vector<16xf32>
      %add3A_1076 = arith.constant 1792 : i32
      %add3A_1077 = arith.addi %add3A_1076, %add3A_1065 : i32
      %get3A_1078 = arith.index_cast %add3A_1077 : i32 to index
      %get3A_1079 = tpu.vector_load %arg7[%get3A_1078] {strides = array<i32>} : memref<4528xf32, #tpu.memory_space<vmem>>, vector<16xf32>,
      %min3A_1080 = arith.minimumf %get3A_1079, %gather3A_396 : vector<16xf32>
      %add3A_1081 = arith.constant 2688 : i32
      %add3A_1082 = arith.addi %add3A_1081, %add3A_1065 : i32
      %get3A_1083 = arith.index_cast %add3A_1082 : i32 to index
      %get3A_1084 = tpu.vector_load %arg7[%get3A_1083] {strides = array<i32>} : memref<4528xf32, #tpu.memory_space<vmem>>, vector<16xf32>,
      %min3A_1085 = arith.minimumf %get3A_1084, %gather3A_400 : vector<16xf32>
      %sub3A_1086 = arith.subf %min3A_1080, %max3A_1070 : vector<16xf32>
      %max3A_1087 = arith.constant 0.000000e+00 : f32
      %max3A_1088 = vector.broadcast %max3A_1087 : f32 to vector<16xf32>
      %max3A_1089 = arith.maximumf %sub3A_1086, %max3A_1088 : vector<16xf32>
      %sub3A_1090 = arith.subf %min3A_1085, %max3A_1075 : vector<16xf32>
      %max3A_1091 = arith.constant 0.000000e+00 : f32
      %max3A_1092 = vector.broadcast %max3A_1091 : f32 to vector<16xf32>
      %max3A_1093 = arith.maximumf %sub3A_1090, %max3A_1092 : vector<16xf32>
      %mul3A_1094 = arith.mulf %max3A_1089, %max3A_1093 : vector<16xf32>
      %mul3A_1095 = arith.mulf %get3A_341, %mul3A_1094 : vector<16xf32>
      %add3A_1096 = arith.addf %mul3A_1094, %mul3A_1095 : vector<16xf32>
      %add3A_1097 = arith.constant 3584 : i32
      %add3A_1098 = arith.addi %add3A_1097, %add3A_1065 : i32
      %get3A_1099 = arith.index_cast %add3A_1098 : i32 to index
      %get3A_1100 = tpu.vector_load %arg7[%get3A_1099] {strides = array<i32>} : memref<4528xf32, #tpu.memory_space<vmem>>, vector<16xf32>,
      %mul3A_1101 = arith.mulf %get3A_341, %get3A_1100 : vector<16xf32>
      %add3A_1102 = arith.addf %mul3A_1101, %mul3A_405 : vector<16xf32>
      %gt3A_1103 = arith.cmpf ogt, %add3A_1096, %add3A_1102 : vector<16xf32>
      %jit3A_1104 = arith.constant -1.000000e+30 : f32
      %broadcast_in_dim3A_1105 = vector.broadcast %jit3A_1104 : f32 to vector<16xf32>
      %select_n3A_1106 = arith.select %gt3A_1103, %broadcast_in_dim3A_1105, %get3A_1067 : vector<16xi1>, vector<16xf32>
      %swap3A_1107 = arith.index_cast %add3A_1065 : i32 to index
      %swap3A_1108 = tpu.vector_load %arg5[%swap3A_1107] {strides = array<i32>} : memref<896xf32, #tpu.memory_space<vmem>>, vector<16xf32>,
      tpu.vector_store %arg5[%swap3A_1107], %select_n3A_1106 {strides = array<i32>} : memref<896xf32, #tpu.memory_space<vmem>>, vector<16xf32>,
      %gt3A_1109 = arith.cmpf ogt, %select_n3A_1106, %select_n3A_1057 : vector<16xf32>
      %select_n3A_1110 = arith.select %gt3A_1109, %select_n3A_1106, %select_n3A_1057 : vector<16xi1>, vector<16xf32>
      %broadcast_in_dim3A_1111 = vector.broadcast %scan3A_1061 : i32 to vector<16xi32>
      %select_n3A_1112 = arith.select %gt3A_1109, %broadcast_in_dim3A_1111, %select_n3A_1059 : vector<16xi1>, vector<16xi32>
      scf.yield %select_n3A_1110, %select_n3A_1112 : vector<16xf32>, vector<16xi32>
    }
    %scan3A_411 = arith.constant 16 : i32
    %scan3A_412 = arith.addi %scan3A_406, %scan3A_411 : i32
    %mul3A_413 = arith.constant 16 : i32
    %mul3A_414 = arith.muli %scan3A_412, %mul3A_413 : i32
    %add3A_415 = arith.constant 624 : i32
    %add3A_416 = arith.addi %add3A_415, %mul3A_414 : i32
    %get3A_417 = arith.index_cast %add3A_416 : i32 to index
    %get3A_418 = tpu.vector_load %arg5[%get3A_417] {strides = array<i32>} : memref<896xf32, #tpu.memory_space<vmem>>, vector<16xf32>,
    %get3A_419 = arith.index_cast %add3A_416 : i32 to index
    %get3A_420 = tpu.vector_load %arg7[%get3A_419] {strides = array<i32>} : memref<4528xf32, #tpu.memory_space<vmem>>, vector<16xf32>,
    %max3A_421 = arith.maximumf %get3A_420, %gather3A_388 : vector<16xf32>
    %add3A_422 = arith.constant 896 : i32
    %add3A_423 = arith.addi %add3A_422, %add3A_416 : i32
    %get3A_424 = arith.index_cast %add3A_423 : i32 to index
    %get3A_425 = tpu.vector_load %arg7[%get3A_424] {strides = array<i32>} : memref<4528xf32, #tpu.memory_space<vmem>>, vector<16xf32>,
    %max3A_426 = arith.maximumf %get3A_425, %gather3A_392 : vector<16xf32>
    %add3A_427 = arith.constant 1792 : i32
    %add3A_428 = arith.addi %add3A_427, %add3A_416 : i32
    %get3A_429 = arith.index_cast %add3A_428 : i32 to index
    %get3A_430 = tpu.vector_load %arg7[%get3A_429] {strides = array<i32>} : memref<4528xf32, #tpu.memory_space<vmem>>, vector<16xf32>,
    %min3A_431 = arith.minimumf %get3A_430, %gather3A_396 : vector<16xf32>
    %add3A_432 = arith.constant 2688 : i32
    %add3A_433 = arith.addi %add3A_432, %add3A_416 : i32
    %get3A_434 = arith.index_cast %add3A_433 : i32 to index
    %get3A_435 = tpu.vector_load %arg7[%get3A_434] {strides = array<i32>} : memref<4528xf32, #tpu.memory_space<vmem>>, vector<16xf32>,
    %min3A_436 = arith.minimumf %get3A_435, %gather3A_400 : vector<16xf32>
    %sub3A_437 = arith.subf %min3A_431, %max3A_421 : vector<16xf32>
    %max3A_438 = arith.constant 0.000000e+00 : f32
    %max3A_439 = vector.broadcast %max3A_438 : f32 to vector<16xf32>
    %max3A_440 = arith.maximumf %sub3A_437, %max3A_439 : vector<16xf32>
    %sub3A_441 = arith.subf %min3A_436, %max3A_426 : vector<16xf32>
    %max3A_442 = arith.constant 0.000000e+00 : f32
    %max3A_443 = vector.broadcast %max3A_442 : f32 to vector<16xf32>
    %max3A_444 = arith.maximumf %sub3A_441, %max3A_443 : vector<16xf32>
    %mul3A_445 = arith.mulf %max3A_440, %max3A_444 : vector<16xf32>
    %mul3A_446 = arith.mulf %get3A_341, %mul3A_445 : vector<16xf32>
    %add3A_447 = arith.addf %mul3A_445, %mul3A_446 : vector<16xf32>
    %add3A_448 = arith.constant 3584 : i32
    %add3A_449 = arith.addi %add3A_448, %add3A_416 : i32
    %get3A_450 = arith.index_cast %add3A_449 : i32 to index
    %get3A_451 = tpu.vector_load %arg7[%get3A_450] {strides = array<i32>} : memref<4528xf32, #tpu.memory_space<vmem>>, vector<16xf32>,
    %mul3A_452 = arith.mulf %get3A_341, %get3A_451 : vector<16xf32>
    %add3A_453 = arith.addf %mul3A_452, %mul3A_405 : vector<16xf32>
    %gt3A_454 = arith.cmpf ogt, %add3A_447, %add3A_453 : vector<16xf32>
    %jit3A_455 = arith.constant -1.000000e+30 : f32
    %broadcast_in_dim3A_456 = vector.broadcast %jit3A_455 : f32 to vector<16xf32>
    %select_n3A_457 = arith.select %gt3A_454, %broadcast_in_dim3A_456, %get3A_418 : vector<16xi1>, vector<16xf32>
    %swap3A_458 = arith.index_cast %add3A_416 : i32 to index
    %swap3A_459 = tpu.vector_load %arg5[%swap3A_458] {strides = array<i32>} : memref<896xf32, #tpu.memory_space<vmem>>, vector<16xf32>,
    tpu.vector_store %arg5[%swap3A_458], %select_n3A_457 {strides = array<i32>} : memref<896xf32, #tpu.memory_space<vmem>>, vector<16xf32>,
    %gt3A_460 = arith.cmpf ogt, %select_n3A_457, %scan3A_410#0 : vector<16xf32>
    %select_n3A_461 = arith.select %gt3A_460, %select_n3A_457, %scan3A_410#0 : vector<16xi1>, vector<16xf32>
    %broadcast_in_dim3A_462 = vector.broadcast %scan3A_412 : i32 to vector<16xi32>
    %select_n3A_463 = arith.select %gt3A_460, %broadcast_in_dim3A_462, %scan3A_410#1 : vector<16xi1>, vector<16xi32>
    %scan3A_464 = arith.constant 17 : i32
    %reduce_max3A_465 = arith.constant true
    %reduce_max3A_466 = vector.broadcast %reduce_max3A_465 : i1 to vector<16xi1>
    %reduce_max3A_467 = tpu.scan <max>, %select_n3A_461 masked %reduce_max3A_466 : vector<16xf32>, vector<16xi1> -> vector<16xf32>
    %reduce_max3A_468 = vector.extract %reduce_max3A_467[15] : f32 from vector<16xf32>
    %mul3A_469 = arith.constant 16 : i32
    %mul3A_470 = vector.broadcast %mul3A_469 : i32 to vector<16xi32>
    %mul3A_471 = arith.muli %select_n3A_463, %mul3A_470 : vector<16xi32>
    %add3A_472 = arith.addi %mul3A_471, %iota3A : vector<16xi32>
    %eq3A_473 = vector.broadcast %reduce_max3A_468 : f32 to vector<16xf32>
    %eq3A_474 = arith.cmpf oeq, %select_n3A_461, %eq3A_473 : vector<16xf32>
    %jit3A_475 = arith.constant 1073741824 : i32
    %broadcast_in_dim3A_476 = vector.broadcast %jit3A_475 : i32 to vector<16xi32>
    %select_n3A_477 = arith.select %eq3A_474, %add3A_472, %broadcast_in_dim3A_476 : vector<16xi1>, vector<16xi32>
    %reduce_min3A_478 = arith.constant true
    %reduce_min3A_479 = vector.broadcast %reduce_min3A_478 : i1 to vector<16xi1>
    %reduce_min3A_480 = arith.constant -2147483648 : i32
    %reduce_min3A_481 = vector.broadcast %reduce_min3A_480 : i32 to vector<16xi32>
    %reduce_min3A_482 = arith.xori %select_n3A_477, %reduce_min3A_481 : vector<16xi32>
    %reduce_min3A_483 = tpu.scan <min>, %reduce_min3A_482 masked %reduce_min3A_479 : vector<16xi32>, vector<16xi1> -> vector<16xi32>
    %reduce_min3A_484 = arith.xori %reduce_min3A_483, %reduce_min3A_481 : vector<16xi32>
    %reduce_min3A_485 = vector.extract %reduce_min3A_484[15] : i32 from vector<16xi32>
    %eq3A_486 = arith.constant 6 : i32
    %eq3A_487 = vector.broadcast %eq3A_486 : i32 to vector<16xi32>
    %eq3A_488 = arith.cmpi eq, %iota3A, %eq3A_487 : vector<16xi32>
    %add3A_489 = arith.constant 602 : i32
    %add3A_490 = arith.addi %add3A_489, %reduce_min3A_485 : i32
    %convert_element_type3A_491 = arith.sitofp %add3A_490 : i32 to f32
    %broadcast_in_dim3A_492 = vector.broadcast %convert_element_type3A_491 : f32 to vector<16xf32>
    %select_n3A_493 = arith.select %eq3A_488, %broadcast_in_dim3A_492, %select_n3A_383 : vector<16xi1>, vector<16xf32>
    %eq3A_494 = arith.constant 14 : i32
    %eq3A_495 = vector.broadcast %eq3A_494 : i32 to vector<16xi32>
    %eq3A_496 = arith.cmpi eq, %iota3A, %eq3A_495 : vector<16xi32>
    %broadcast_in_dim3A_497 = vector.broadcast %reduce_max3A_468 : f32 to vector<16xf32>
    %select_n3A_498 = arith.select %eq3A_496, %broadcast_in_dim3A_497, %select_n3A_493 : vector<16xi1>, vector<16xf32>
    %swap3A_499 = arith.constant 0 : index
    %swap3A_500 = tpu.vector_load %arg8[%swap3A_499] {strides = array<i32>} : memref<32xf32, #tpu.memory_space<vmem>>, vector<16xf32>,
    tpu.vector_store %arg8[%swap3A_499], %select_n3A_498 {strides = array<i32>} : memref<32xf32, #tpu.memory_space<vmem>>, vector<16xf32>,
    %dma_wait3A = tpu.memref_slice %arg2[%mul3A_6] : memref<57344xf32, #tpu.memory_space<hbm>> -> memref<896xf32, #tpu.memory_space<hbm>>
    %dma_wait3A_501 = tpu.memref_slice %arg2[%mul3A_6] : memref<57344xf32, #tpu.memory_space<hbm>> -> memref<896xf32, #tpu.memory_space<hbm>>
    tpu.wait_dma2 semaphore(%arg9 : memref<!tpu.dma_semaphore, #tpu.memory_space<semaphore_mem>>) src(%dma_wait3A_501 : memref<896xf32, #tpu.memory_space<hbm>>) dst(%arg6 : memref<896xf32, #tpu.memory_space<vmem>>)
    %broadcast_in_dim3A_502 = arith.constant 0.000000e+00 : f32
    %broadcast_in_dim3A_503 = vector.broadcast %broadcast_in_dim3A_502 : f32 to vector<16xf32>
    %get3A_504 = arith.constant 4480 : index
    %get3A_505 = tpu.vector_load %arg7[%get3A_504] {strides = array<i32>} : memref<4528xf32, #tpu.memory_space<vmem>>, vector<16xf32>,
    %get3A_506 = arith.constant 0 : index
    %get3A_507 = tpu.vector_load %arg6[%get3A_506] {strides = array<i32>} : memref<896xf32, #tpu.memory_space<vmem>>, vector<16xf32>,
    %scan3A_508 = arith.constant 1 : i32
    %scan3A_509 = arith.constant 22 : i32
    %scan3A_510 = arith.addi %scan3A_508, %scan3A_509 : i32
    %scan3A_511 = arith.constant 2 : i32
    %scan3A_512:2 = scf.for %scan3A_1006 = %scan3A_508 to %scan3A_510 step %scan3A_511 iter_args(%scan3A_1007 = %get3A_507, %scan3A_1008 = %broadcast_in_dim3A_12) -> (vector<16xf32>, vector<16xi32>)  : i32 {
      %mul3A_1009 = arith.constant 16 : i32
      %mul3A_1010 = arith.muli %scan3A_1006, %mul3A_1009 : i32
      %add3A_1011 = arith.constant 0 : i32
      %add3A_1012 = arith.addi %add3A_1011, %mul3A_1010 : i32
      %get3A_1013 = arith.index_cast %add3A_1012 : i32 to index
      %get3A_1014 = tpu.vector_load %arg6[%get3A_1013] {strides = array<i32>} : memref<896xf32, #tpu.memory_space<vmem>>, vector<16xf32>,
      %gt3A_1015 = arith.cmpf ogt, %get3A_1014, %scan3A_1007 : vector<16xf32>
      %select_n3A_1016 = arith.select %gt3A_1015, %get3A_1014, %scan3A_1007 : vector<16xi1>, vector<16xf32>
      %broadcast_in_dim3A_1017 = vector.broadcast %scan3A_1006 : i32 to vector<16xi32>
      %select_n3A_1018 = arith.select %gt3A_1015, %broadcast_in_dim3A_1017, %scan3A_1008 : vector<16xi1>, vector<16xi32>
      %scan3A_1019 = arith.constant 1 : i32
      %scan3A_1020 = arith.addi %scan3A_1006, %scan3A_1019 : i32
      %mul3A_1021 = arith.constant 16 : i32
      %mul3A_1022 = arith.muli %scan3A_1020, %mul3A_1021 : i32
      %add3A_1023 = arith.constant 0 : i32
      %add3A_1024 = arith.addi %add3A_1023, %mul3A_1022 : i32
      %get3A_1025 = arith.index_cast %add3A_1024 : i32 to index
      %get3A_1026 = tpu.vector_load %arg6[%get3A_1025] {strides = array<i32>} : memref<896xf32, #tpu.memory_space<vmem>>, vector<16xf32>,
      %gt3A_1027 = arith.cmpf ogt, %get3A_1026, %select_n3A_1016 : vector<16xf32>
      %select_n3A_1028 = arith.select %gt3A_1027, %get3A_1026, %select_n3A_1016 : vector<16xi1>, vector<16xf32>
      %broadcast_in_dim3A_1029 = vector.broadcast %scan3A_1020 : i32 to vector<16xi32>
      %select_n3A_1030 = arith.select %gt3A_1027, %broadcast_in_dim3A_1029, %select_n3A_1018 : vector<16xi1>, vector<16xi32>
      scf.yield %select_n3A_1028, %select_n3A_1030 : vector<16xf32>, vector<16xi32>
    }
    %scan3A_513 = arith.constant 22 : i32
    %reduce_max3A_514 = arith.constant true
    %reduce_max3A_515 = vector.broadcast %reduce_max3A_514 : i1 to vector<16xi1>
    %reduce_max3A_516 = tpu.scan <max>, %scan3A_512#0 masked %reduce_max3A_515 : vector<16xf32>, vector<16xi1> -> vector<16xf32>
    %reduce_max3A_517 = vector.extract %reduce_max3A_516[15] : f32 from vector<16xf32>
    %mul3A_518 = arith.constant 16 : i32
    %mul3A_519 = vector.broadcast %mul3A_518 : i32 to vector<16xi32>
    %mul3A_520 = arith.muli %scan3A_512#1, %mul3A_519 : vector<16xi32>
    %add3A_521 = arith.addi %mul3A_520, %iota3A : vector<16xi32>
    %eq3A_522 = vector.broadcast %reduce_max3A_517 : f32 to vector<16xf32>
    %eq3A_523 = arith.cmpf oeq, %scan3A_512#0, %eq3A_522 : vector<16xf32>
    %jit3A_524 = arith.constant 1073741824 : i32
    %broadcast_in_dim3A_525 = vector.broadcast %jit3A_524 : i32 to vector<16xi32>
    %select_n3A_526 = arith.select %eq3A_523, %add3A_521, %broadcast_in_dim3A_525 : vector<16xi1>, vector<16xi32>
    %reduce_min3A_527 = arith.constant true
    %reduce_min3A_528 = vector.broadcast %reduce_min3A_527 : i1 to vector<16xi1>
    %reduce_min3A_529 = arith.constant -2147483648 : i32
    %reduce_min3A_530 = vector.broadcast %reduce_min3A_529 : i32 to vector<16xi32>
    %reduce_min3A_531 = arith.xori %select_n3A_526, %reduce_min3A_530 : vector<16xi32>
    %reduce_min3A_532 = tpu.scan <min>, %reduce_min3A_531 masked %reduce_min3A_528 : vector<16xi32>, vector<16xi1> -> vector<16xi32>
    %reduce_min3A_533 = arith.xori %reduce_min3A_532, %reduce_min3A_530 : vector<16xi32>
    %reduce_min3A_534 = vector.extract %reduce_min3A_533[15] : i32 from vector<16xi32>
    %eq3A_535 = arith.constant 0 : i32
    %eq3A_536 = vector.broadcast %eq3A_535 : i32 to vector<16xi32>
    %eq3A_537 = arith.cmpi eq, %iota3A, %eq3A_536 : vector<16xi32>
    %add3A_538 = arith.constant 0 : i32
    %add3A_539 = arith.addi %add3A_538, %reduce_min3A_534 : i32
    %convert_element_type3A_540 = arith.sitofp %add3A_539 : i32 to f32
    %broadcast_in_dim3A_541 = vector.broadcast %convert_element_type3A_540 : f32 to vector<16xf32>
    %select_n3A_542 = arith.select %eq3A_537, %broadcast_in_dim3A_541, %broadcast_in_dim3A_503 : vector<16xi1>, vector<16xf32>
    %eq3A_543 = arith.constant 8 : i32
    %eq3A_544 = vector.broadcast %eq3A_543 : i32 to vector<16xi32>
    %eq3A_545 = arith.cmpi eq, %iota3A, %eq3A_544 : vector<16xi32>
    %broadcast_in_dim3A_546 = vector.broadcast %reduce_max3A_517 : f32 to vector<16xf32>
    %select_n3A_547 = arith.select %eq3A_545, %broadcast_in_dim3A_546, %select_n3A_542 : vector<16xi1>, vector<16xf32>
    %add3A_548 = arith.constant 0 : i32
    %add3A_549 = arith.addi %add3A_548, %reduce_min3A_534 : i32
    %add3A_550 = vector.broadcast %add3A_549 : i32 to vector<16xi32>
    %add3A_551 = arith.addi %broadcast_in_dim3A_12, %add3A_550 : vector<16xi32>
    %gather3A_552 = tpu.vector_load_idx %arg7[%add3A_551] : memref<4528xf32, #tpu.memory_space<vmem>>[vector<16xi32>], vector<16xf32>,
    %add3A_553 = arith.constant 896 : i32
    %add3A_554 = vector.broadcast %add3A_553 : i32 to vector<16xi32>
    %add3A_555 = arith.addi %add3A_551, %add3A_554 : vector<16xi32>
    %gather3A_556 = tpu.vector_load_idx %arg7[%add3A_555] : memref<4528xf32, #tpu.memory_space<vmem>>[vector<16xi32>], vector<16xf32>,
    %add3A_557 = arith.constant 1792 : i32
    %add3A_558 = vector.broadcast %add3A_557 : i32 to vector<16xi32>
    %add3A_559 = arith.addi %add3A_551, %add3A_558 : vector<16xi32>
    %gather3A_560 = tpu.vector_load_idx %arg7[%add3A_559] : memref<4528xf32, #tpu.memory_space<vmem>>[vector<16xi32>], vector<16xf32>,
    %add3A_561 = arith.constant 2688 : i32
    %add3A_562 = vector.broadcast %add3A_561 : i32 to vector<16xi32>
    %add3A_563 = arith.addi %add3A_551, %add3A_562 : vector<16xi32>
    %gather3A_564 = tpu.vector_load_idx %arg7[%add3A_563] : memref<4528xf32, #tpu.memory_space<vmem>>[vector<16xi32>], vector<16xf32>,
    %add3A_565 = arith.constant 3584 : i32
    %add3A_566 = vector.broadcast %add3A_565 : i32 to vector<16xi32>
    %add3A_567 = arith.addi %add3A_551, %add3A_566 : vector<16xi32>
    %gather3A_568 = tpu.vector_load_idx %arg7[%add3A_567] : memref<4528xf32, #tpu.memory_space<vmem>>[vector<16xi32>], vector<16xf32>,
    %mul3A_569 = arith.mulf %get3A_505, %gather3A_568 : vector<16xf32>
    %scan3A_570 = arith.constant 0 : i32
    %scan3A_571 = arith.constant 22 : i32
    %scan3A_572 = arith.addi %scan3A_570, %scan3A_571 : i32
    %scan3A_573 = arith.constant 2 : i32
    %scan3A_574:2 = scf.for %scan3A_1006 = %scan3A_570 to %scan3A_572 step %scan3A_573 iter_args(%scan3A_1007 = %broadcast_in_dim3A_10, %scan3A_1008 = %broadcast_in_dim3A_12) -> (vector<16xf32>, vector<16xi32>)  : i32 {
      %mul3A_1009 = arith.constant 16 : i32
      %mul3A_1010 = arith.muli %scan3A_1006, %mul3A_1009 : i32
      %add3A_1011 = arith.constant 0 : i32
      %add3A_1012 = arith.addi %add3A_1011, %mul3A_1010 : i32
      %get3A_1013 = arith.index_cast %add3A_1012 : i32 to index
      %get3A_1014 = tpu.vector_load %arg6[%get3A_1013] {strides = array<i32>} : memref<896xf32, #tpu.memory_space<vmem>>, vector<16xf32>,
      %get3A_1015 = arith.index_cast %add3A_1012 : i32 to index
      %get3A_1016 = tpu.vector_load %arg7[%get3A_1015] {strides = array<i32>} : memref<4528xf32, #tpu.memory_space<vmem>>, vector<16xf32>,
      %max3A_1017 = arith.maximumf %get3A_1016, %gather3A_552 : vector<16xf32>
      %add3A_1018 = arith.constant 896 : i32
      %add3A_1019 = arith.addi %add3A_1018, %add3A_1012 : i32
      %get3A_1020 = arith.index_cast %add3A_1019 : i32 to index
      %get3A_1021 = tpu.vector_load %arg7[%get3A_1020] {strides = array<i32>} : memref<4528xf32, #tpu.memory_space<vmem>>, vector<16xf32>,
      %max3A_1022 = arith.maximumf %get3A_1021, %gather3A_556 : vector<16xf32>
      %add3A_1023 = arith.constant 1792 : i32
      %add3A_1024 = arith.addi %add3A_1023, %add3A_1012 : i32
      %get3A_1025 = arith.index_cast %add3A_1024 : i32 to index
      %get3A_1026 = tpu.vector_load %arg7[%get3A_1025] {strides = array<i32>} : memref<4528xf32, #tpu.memory_space<vmem>>, vector<16xf32>,
      %min3A_1027 = arith.minimumf %get3A_1026, %gather3A_560 : vector<16xf32>
      %add3A_1028 = arith.constant 2688 : i32
      %add3A_1029 = arith.addi %add3A_1028, %add3A_1012 : i32
      %get3A_1030 = arith.index_cast %add3A_1029 : i32 to index
      %get3A_1031 = tpu.vector_load %arg7[%get3A_1030] {strides = array<i32>} : memref<4528xf32, #tpu.memory_space<vmem>>, vector<16xf32>,
      %min3A_1032 = arith.minimumf %get3A_1031, %gather3A_564 : vector<16xf32>
      %sub3A_1033 = arith.subf %min3A_1027, %max3A_1017 : vector<16xf32>
      %max3A_1034 = arith.constant 0.000000e+00 : f32
      %max3A_1035 = vector.broadcast %max3A_1034 : f32 to vector<16xf32>
      %max3A_1036 = arith.maximumf %sub3A_1033, %max3A_1035 : vector<16xf32>
      %sub3A_1037 = arith.subf %min3A_1032, %max3A_1022 : vector<16xf32>
      %max3A_1038 = arith.constant 0.000000e+00 : f32
      %max3A_1039 = vector.broadcast %max3A_1038 : f32 to vector<16xf32>
      %max3A_1040 = arith.maximumf %sub3A_1037, %max3A_1039 : vector<16xf32>
      %mul3A_1041 = arith.mulf %max3A_1036, %max3A_1040 : vector<16xf32>
      %mul3A_1042 = arith.mulf %get3A_505, %mul3A_1041 : vector<16xf32>
      %add3A_1043 = arith.addf %mul3A_1041, %mul3A_1042 : vector<16xf32>
      %add3A_1044 = arith.constant 3584 : i32
      %add3A_1045 = arith.addi %add3A_1044, %add3A_1012 : i32
      %get3A_1046 = arith.index_cast %add3A_1045 : i32 to index
      %get3A_1047 = tpu.vector_load %arg7[%get3A_1046] {strides = array<i32>} : memref<4528xf32, #tpu.memory_space<vmem>>, vector<16xf32>,
      %mul3A_1048 = arith.mulf %get3A_505, %get3A_1047 : vector<16xf32>
      %add3A_1049 = arith.addf %mul3A_1048, %mul3A_569 : vector<16xf32>
      %gt3A_1050 = arith.cmpf ogt, %add3A_1043, %add3A_1049 : vector<16xf32>
      %jit3A_1051 = arith.constant -1.000000e+30 : f32
      %broadcast_in_dim3A_1052 = vector.broadcast %jit3A_1051 : f32 to vector<16xf32>
      %select_n3A_1053 = arith.select %gt3A_1050, %broadcast_in_dim3A_1052, %get3A_1014 : vector<16xi1>, vector<16xf32>
      %swap3A_1054 = arith.index_cast %add3A_1012 : i32 to index
      %swap3A_1055 = tpu.vector_load %arg6[%swap3A_1054] {strides = array<i32>} : memref<896xf32, #tpu.memory_space<vmem>>, vector<16xf32>,
      tpu.vector_store %arg6[%swap3A_1054], %select_n3A_1053 {strides = array<i32>} : memref<896xf32, #tpu.memory_space<vmem>>, vector<16xf32>,
      %gt3A_1056 = arith.cmpf ogt, %select_n3A_1053, %scan3A_1007 : vector<16xf32>
      %select_n3A_1057 = arith.select %gt3A_1056, %select_n3A_1053, %scan3A_1007 : vector<16xi1>, vector<16xf32>
      %broadcast_in_dim3A_1058 = vector.broadcast %scan3A_1006 : i32 to vector<16xi32>
      %select_n3A_1059 = arith.select %gt3A_1056, %broadcast_in_dim3A_1058, %scan3A_1008 : vector<16xi1>, vector<16xi32>
      %scan3A_1060 = arith.constant 1 : i32
      %scan3A_1061 = arith.addi %scan3A_1006, %scan3A_1060 : i32
      %mul3A_1062 = arith.constant 16 : i32
      %mul3A_1063 = arith.muli %scan3A_1061, %mul3A_1062 : i32
      %add3A_1064 = arith.constant 0 : i32
      %add3A_1065 = arith.addi %add3A_1064, %mul3A_1063 : i32
      %get3A_1066 = arith.index_cast %add3A_1065 : i32 to index
      %get3A_1067 = tpu.vector_load %arg6[%get3A_1066] {strides = array<i32>} : memref<896xf32, #tpu.memory_space<vmem>>, vector<16xf32>,
      %get3A_1068 = arith.index_cast %add3A_1065 : i32 to index
      %get3A_1069 = tpu.vector_load %arg7[%get3A_1068] {strides = array<i32>} : memref<4528xf32, #tpu.memory_space<vmem>>, vector<16xf32>,
      %max3A_1070 = arith.maximumf %get3A_1069, %gather3A_552 : vector<16xf32>
      %add3A_1071 = arith.constant 896 : i32
      %add3A_1072 = arith.addi %add3A_1071, %add3A_1065 : i32
      %get3A_1073 = arith.index_cast %add3A_1072 : i32 to index
      %get3A_1074 = tpu.vector_load %arg7[%get3A_1073] {strides = array<i32>} : memref<4528xf32, #tpu.memory_space<vmem>>, vector<16xf32>,
      %max3A_1075 = arith.maximumf %get3A_1074, %gather3A_556 : vector<16xf32>
      %add3A_1076 = arith.constant 1792 : i32
      %add3A_1077 = arith.addi %add3A_1076, %add3A_1065 : i32
      %get3A_1078 = arith.index_cast %add3A_1077 : i32 to index
      %get3A_1079 = tpu.vector_load %arg7[%get3A_1078] {strides = array<i32>} : memref<4528xf32, #tpu.memory_space<vmem>>, vector<16xf32>,
      %min3A_1080 = arith.minimumf %get3A_1079, %gather3A_560 : vector<16xf32>
      %add3A_1081 = arith.constant 2688 : i32
      %add3A_1082 = arith.addi %add3A_1081, %add3A_1065 : i32
      %get3A_1083 = arith.index_cast %add3A_1082 : i32 to index
      %get3A_1084 = tpu.vector_load %arg7[%get3A_1083] {strides = array<i32>} : memref<4528xf32, #tpu.memory_space<vmem>>, vector<16xf32>,
      %min3A_1085 = arith.minimumf %get3A_1084, %gather3A_564 : vector<16xf32>
      %sub3A_1086 = arith.subf %min3A_1080, %max3A_1070 : vector<16xf32>
      %max3A_1087 = arith.constant 0.000000e+00 : f32
      %max3A_1088 = vector.broadcast %max3A_1087 : f32 to vector<16xf32>
      %max3A_1089 = arith.maximumf %sub3A_1086, %max3A_1088 : vector<16xf32>
      %sub3A_1090 = arith.subf %min3A_1085, %max3A_1075 : vector<16xf32>
      %max3A_1091 = arith.constant 0.000000e+00 : f32
      %max3A_1092 = vector.broadcast %max3A_1091 : f32 to vector<16xf32>
      %max3A_1093 = arith.maximumf %sub3A_1090, %max3A_1092 : vector<16xf32>
      %mul3A_1094 = arith.mulf %max3A_1089, %max3A_1093 : vector<16xf32>
      %mul3A_1095 = arith.mulf %get3A_505, %mul3A_1094 : vector<16xf32>
      %add3A_1096 = arith.addf %mul3A_1094, %mul3A_1095 : vector<16xf32>
      %add3A_1097 = arith.constant 3584 : i32
      %add3A_1098 = arith.addi %add3A_1097, %add3A_1065 : i32
      %get3A_1099 = arith.index_cast %add3A_1098 : i32 to index
      %get3A_1100 = tpu.vector_load %arg7[%get3A_1099] {strides = array<i32>} : memref<4528xf32, #tpu.memory_space<vmem>>, vector<16xf32>,
      %mul3A_1101 = arith.mulf %get3A_505, %get3A_1100 : vector<16xf32>
      %add3A_1102 = arith.addf %mul3A_1101, %mul3A_569 : vector<16xf32>
      %gt3A_1103 = arith.cmpf ogt, %add3A_1096, %add3A_1102 : vector<16xf32>
      %jit3A_1104 = arith.constant -1.000000e+30 : f32
      %broadcast_in_dim3A_1105 = vector.broadcast %jit3A_1104 : f32 to vector<16xf32>
      %select_n3A_1106 = arith.select %gt3A_1103, %broadcast_in_dim3A_1105, %get3A_1067 : vector<16xi1>, vector<16xf32>
      %swap3A_1107 = arith.index_cast %add3A_1065 : i32 to index
      %swap3A_1108 = tpu.vector_load %arg6[%swap3A_1107] {strides = array<i32>} : memref<896xf32, #tpu.memory_space<vmem>>, vector<16xf32>,
      tpu.vector_store %arg6[%swap3A_1107], %select_n3A_1106 {strides = array<i32>} : memref<896xf32, #tpu.memory_space<vmem>>, vector<16xf32>,
      %gt3A_1109 = arith.cmpf ogt, %select_n3A_1106, %select_n3A_1057 : vector<16xf32>
      %select_n3A_1110 = arith.select %gt3A_1109, %select_n3A_1106, %select_n3A_1057 : vector<16xi1>, vector<16xf32>
      %broadcast_in_dim3A_1111 = vector.broadcast %scan3A_1061 : i32 to vector<16xi32>
      %select_n3A_1112 = arith.select %gt3A_1109, %broadcast_in_dim3A_1111, %select_n3A_1059 : vector<16xi1>, vector<16xi32>
      scf.yield %select_n3A_1110, %select_n3A_1112 : vector<16xf32>, vector<16xi32>
    }
    %scan3A_575 = arith.constant 22 : i32
    %scan3A_576 = arith.addi %scan3A_570, %scan3A_575 : i32
    %mul3A_577 = arith.constant 16 : i32
    %mul3A_578 = arith.muli %scan3A_576, %mul3A_577 : i32
    %add3A_579 = arith.constant 0 : i32
    %add3A_580 = arith.addi %add3A_579, %mul3A_578 : i32
    %get3A_581 = arith.index_cast %add3A_580 : i32 to index
    %get3A_582 = tpu.vector_load %arg6[%get3A_581] {strides = array<i32>} : memref<896xf32, #tpu.memory_space<vmem>>, vector<16xf32>,
    %get3A_583 = arith.index_cast %add3A_580 : i32 to index
    %get3A_584 = tpu.vector_load %arg7[%get3A_583] {strides = array<i32>} : memref<4528xf32, #tpu.memory_space<vmem>>, vector<16xf32>,
    %max3A_585 = arith.maximumf %get3A_584, %gather3A_552 : vector<16xf32>
    %add3A_586 = arith.constant 896 : i32
    %add3A_587 = arith.addi %add3A_586, %add3A_580 : i32
    %get3A_588 = arith.index_cast %add3A_587 : i32 to index
    %get3A_589 = tpu.vector_load %arg7[%get3A_588] {strides = array<i32>} : memref<4528xf32, #tpu.memory_space<vmem>>, vector<16xf32>,
    %max3A_590 = arith.maximumf %get3A_589, %gather3A_556 : vector<16xf32>
    %add3A_591 = arith.constant 1792 : i32
    %add3A_592 = arith.addi %add3A_591, %add3A_580 : i32
    %get3A_593 = arith.index_cast %add3A_592 : i32 to index
    %get3A_594 = tpu.vector_load %arg7[%get3A_593] {strides = array<i32>} : memref<4528xf32, #tpu.memory_space<vmem>>, vector<16xf32>,
    %min3A_595 = arith.minimumf %get3A_594, %gather3A_560 : vector<16xf32>
    %add3A_596 = arith.constant 2688 : i32
    %add3A_597 = arith.addi %add3A_596, %add3A_580 : i32
    %get3A_598 = arith.index_cast %add3A_597 : i32 to index
    %get3A_599 = tpu.vector_load %arg7[%get3A_598] {strides = array<i32>} : memref<4528xf32, #tpu.memory_space<vmem>>, vector<16xf32>,
    %min3A_600 = arith.minimumf %get3A_599, %gather3A_564 : vector<16xf32>
    %sub3A_601 = arith.subf %min3A_595, %max3A_585 : vector<16xf32>
    %max3A_602 = arith.constant 0.000000e+00 : f32
    %max3A_603 = vector.broadcast %max3A_602 : f32 to vector<16xf32>
    %max3A_604 = arith.maximumf %sub3A_601, %max3A_603 : vector<16xf32>
    %sub3A_605 = arith.subf %min3A_600, %max3A_590 : vector<16xf32>
    %max3A_606 = arith.constant 0.000000e+00 : f32
    %max3A_607 = vector.broadcast %max3A_606 : f32 to vector<16xf32>
    %max3A_608 = arith.maximumf %sub3A_605, %max3A_607 : vector<16xf32>
    %mul3A_609 = arith.mulf %max3A_604, %max3A_608 : vector<16xf32>
    %mul3A_610 = arith.mulf %get3A_505, %mul3A_609 : vector<16xf32>
    %add3A_611 = arith.addf %mul3A_609, %mul3A_610 : vector<16xf32>
    %add3A_612 = arith.constant 3584 : i32
    %add3A_613 = arith.addi %add3A_612, %add3A_580 : i32
    %get3A_614 = arith.index_cast %add3A_613 : i32 to index
    %get3A_615 = tpu.vector_load %arg7[%get3A_614] {strides = array<i32>} : memref<4528xf32, #tpu.memory_space<vmem>>, vector<16xf32>,
    %mul3A_616 = arith.mulf %get3A_505, %get3A_615 : vector<16xf32>
    %add3A_617 = arith.addf %mul3A_616, %mul3A_569 : vector<16xf32>
    %gt3A_618 = arith.cmpf ogt, %add3A_611, %add3A_617 : vector<16xf32>
    %jit3A_619 = arith.constant -1.000000e+30 : f32
    %broadcast_in_dim3A_620 = vector.broadcast %jit3A_619 : f32 to vector<16xf32>
    %select_n3A_621 = arith.select %gt3A_618, %broadcast_in_dim3A_620, %get3A_582 : vector<16xi1>, vector<16xf32>
    %swap3A_622 = arith.index_cast %add3A_580 : i32 to index
    %swap3A_623 = tpu.vector_load %arg6[%swap3A_622] {strides = array<i32>} : memref<896xf32, #tpu.memory_space<vmem>>, vector<16xf32>,
    tpu.vector_store %arg6[%swap3A_622], %select_n3A_621 {strides = array<i32>} : memref<896xf32, #tpu.memory_space<vmem>>, vector<16xf32>,
    %gt3A_624 = arith.cmpf ogt, %select_n3A_621, %scan3A_574#0 : vector<16xf32>
    %select_n3A_625 = arith.select %gt3A_624, %select_n3A_621, %scan3A_574#0 : vector<16xi1>, vector<16xf32>
    %broadcast_in_dim3A_626 = vector.broadcast %scan3A_576 : i32 to vector<16xi32>
    %select_n3A_627 = arith.select %gt3A_624, %broadcast_in_dim3A_626, %scan3A_574#1 : vector<16xi1>, vector<16xi32>
    %scan3A_628 = arith.constant 23 : i32
    %reduce_max3A_629 = arith.constant true
    %reduce_max3A_630 = vector.broadcast %reduce_max3A_629 : i1 to vector<16xi1>
    %reduce_max3A_631 = tpu.scan <max>, %select_n3A_625 masked %reduce_max3A_630 : vector<16xf32>, vector<16xi1> -> vector<16xf32>
    %reduce_max3A_632 = vector.extract %reduce_max3A_631[15] : f32 from vector<16xf32>
    %mul3A_633 = arith.constant 16 : i32
    %mul3A_634 = vector.broadcast %mul3A_633 : i32 to vector<16xi32>
    %mul3A_635 = arith.muli %select_n3A_627, %mul3A_634 : vector<16xi32>
    %add3A_636 = arith.addi %mul3A_635, %iota3A : vector<16xi32>
    %eq3A_637 = vector.broadcast %reduce_max3A_632 : f32 to vector<16xf32>
    %eq3A_638 = arith.cmpf oeq, %select_n3A_625, %eq3A_637 : vector<16xf32>
    %jit3A_639 = arith.constant 1073741824 : i32
    %broadcast_in_dim3A_640 = vector.broadcast %jit3A_639 : i32 to vector<16xi32>
    %select_n3A_641 = arith.select %eq3A_638, %add3A_636, %broadcast_in_dim3A_640 : vector<16xi1>, vector<16xi32>
    %reduce_min3A_642 = arith.constant true
    %reduce_min3A_643 = vector.broadcast %reduce_min3A_642 : i1 to vector<16xi1>
    %reduce_min3A_644 = arith.constant -2147483648 : i32
    %reduce_min3A_645 = vector.broadcast %reduce_min3A_644 : i32 to vector<16xi32>
    %reduce_min3A_646 = arith.xori %select_n3A_641, %reduce_min3A_645 : vector<16xi32>
    %reduce_min3A_647 = tpu.scan <min>, %reduce_min3A_646 masked %reduce_min3A_643 : vector<16xi32>, vector<16xi1> -> vector<16xi32>
    %reduce_min3A_648 = arith.xori %reduce_min3A_647, %reduce_min3A_645 : vector<16xi32>
    %reduce_min3A_649 = vector.extract %reduce_min3A_648[15] : i32 from vector<16xi32>
    %eq3A_650 = arith.constant 1 : i32
    %eq3A_651 = vector.broadcast %eq3A_650 : i32 to vector<16xi32>
    %eq3A_652 = arith.cmpi eq, %iota3A, %eq3A_651 : vector<16xi32>
    %add3A_653 = arith.constant 0 : i32
    %add3A_654 = arith.addi %add3A_653, %reduce_min3A_649 : i32
    %convert_element_type3A_655 = arith.sitofp %add3A_654 : i32 to f32
    %broadcast_in_dim3A_656 = vector.broadcast %convert_element_type3A_655 : f32 to vector<16xf32>
    %select_n3A_657 = arith.select %eq3A_652, %broadcast_in_dim3A_656, %select_n3A_547 : vector<16xi1>, vector<16xf32>
    %eq3A_658 = arith.constant 9 : i32
    %eq3A_659 = vector.broadcast %eq3A_658 : i32 to vector<16xi32>
    %eq3A_660 = arith.cmpi eq, %iota3A, %eq3A_659 : vector<16xi32>
    %broadcast_in_dim3A_661 = vector.broadcast %reduce_max3A_632 : f32 to vector<16xf32>
    %select_n3A_662 = arith.select %eq3A_660, %broadcast_in_dim3A_661, %select_n3A_657 : vector<16xi1>, vector<16xf32>
    %get3A_663 = arith.constant 4496 : index
    %get3A_664 = tpu.vector_load %arg7[%get3A_663] {strides = array<i32>} : memref<4528xf32, #tpu.memory_space<vmem>>, vector<16xf32>,
    %get3A_665 = arith.constant 368 : index
    %get3A_666 = tpu.vector_load %arg6[%get3A_665] {strides = array<i32>} : memref<896xf32, #tpu.memory_space<vmem>>, vector<16xf32>,
    %scan3A_667 = arith.constant 1 : i32
    %scan3A_668 = arith.constant 14 : i32
    %scan3A_669 = arith.addi %scan3A_667, %scan3A_668 : i32
    %scan3A_670 = arith.constant 2 : i32
    %scan3A_671:2 = scf.for %scan3A_1006 = %scan3A_667 to %scan3A_669 step %scan3A_670 iter_args(%scan3A_1007 = %get3A_666, %scan3A_1008 = %broadcast_in_dim3A_12) -> (vector<16xf32>, vector<16xi32>)  : i32 {
      %mul3A_1009 = arith.constant 16 : i32
      %mul3A_1010 = arith.muli %scan3A_1006, %mul3A_1009 : i32
      %add3A_1011 = arith.constant 368 : i32
      %add3A_1012 = arith.addi %add3A_1011, %mul3A_1010 : i32
      %get3A_1013 = arith.index_cast %add3A_1012 : i32 to index
      %get3A_1014 = tpu.vector_load %arg6[%get3A_1013] {strides = array<i32>} : memref<896xf32, #tpu.memory_space<vmem>>, vector<16xf32>,
      %gt3A_1015 = arith.cmpf ogt, %get3A_1014, %scan3A_1007 : vector<16xf32>
      %select_n3A_1016 = arith.select %gt3A_1015, %get3A_1014, %scan3A_1007 : vector<16xi1>, vector<16xf32>
      %broadcast_in_dim3A_1017 = vector.broadcast %scan3A_1006 : i32 to vector<16xi32>
      %select_n3A_1018 = arith.select %gt3A_1015, %broadcast_in_dim3A_1017, %scan3A_1008 : vector<16xi1>, vector<16xi32>
      %scan3A_1019 = arith.constant 1 : i32
      %scan3A_1020 = arith.addi %scan3A_1006, %scan3A_1019 : i32
      %mul3A_1021 = arith.constant 16 : i32
      %mul3A_1022 = arith.muli %scan3A_1020, %mul3A_1021 : i32
      %add3A_1023 = arith.constant 368 : i32
      %add3A_1024 = arith.addi %add3A_1023, %mul3A_1022 : i32
      %get3A_1025 = arith.index_cast %add3A_1024 : i32 to index
      %get3A_1026 = tpu.vector_load %arg6[%get3A_1025] {strides = array<i32>} : memref<896xf32, #tpu.memory_space<vmem>>, vector<16xf32>,
      %gt3A_1027 = arith.cmpf ogt, %get3A_1026, %select_n3A_1016 : vector<16xf32>
      %select_n3A_1028 = arith.select %gt3A_1027, %get3A_1026, %select_n3A_1016 : vector<16xi1>, vector<16xf32>
      %broadcast_in_dim3A_1029 = vector.broadcast %scan3A_1020 : i32 to vector<16xi32>
      %select_n3A_1030 = arith.select %gt3A_1027, %broadcast_in_dim3A_1029, %select_n3A_1018 : vector<16xi1>, vector<16xi32>
      scf.yield %select_n3A_1028, %select_n3A_1030 : vector<16xf32>, vector<16xi32>
    }
    %scan3A_672 = arith.constant 14 : i32
    %scan3A_673 = arith.addi %scan3A_667, %scan3A_672 : i32
    %mul3A_674 = arith.constant 16 : i32
    %mul3A_675 = arith.muli %scan3A_673, %mul3A_674 : i32
    %add3A_676 = arith.constant 368 : i32
    %add3A_677 = arith.addi %add3A_676, %mul3A_675 : i32
    %get3A_678 = arith.index_cast %add3A_677 : i32 to index
    %get3A_679 = tpu.vector_load %arg6[%get3A_678] {strides = array<i32>} : memref<896xf32, #tpu.memory_space<vmem>>, vector<16xf32>,
    %gt3A_680 = arith.cmpf ogt, %get3A_679, %scan3A_671#0 : vector<16xf32>
    %select_n3A_681 = arith.select %gt3A_680, %get3A_679, %scan3A_671#0 : vector<16xi1>, vector<16xf32>
    %broadcast_in_dim3A_682 = vector.broadcast %scan3A_673 : i32 to vector<16xi32>
    %select_n3A_683 = arith.select %gt3A_680, %broadcast_in_dim3A_682, %scan3A_671#1 : vector<16xi1>, vector<16xi32>
    %scan3A_684 = arith.constant 15 : i32
    %reduce_max3A_685 = arith.constant true
    %reduce_max3A_686 = vector.broadcast %reduce_max3A_685 : i1 to vector<16xi1>
    %reduce_max3A_687 = tpu.scan <max>, %select_n3A_681 masked %reduce_max3A_686 : vector<16xf32>, vector<16xi1> -> vector<16xf32>
    %reduce_max3A_688 = vector.extract %reduce_max3A_687[15] : f32 from vector<16xf32>
    %mul3A_689 = arith.constant 16 : i32
    %mul3A_690 = vector.broadcast %mul3A_689 : i32 to vector<16xi32>
    %mul3A_691 = arith.muli %select_n3A_683, %mul3A_690 : vector<16xi32>
    %add3A_692 = arith.addi %mul3A_691, %iota3A : vector<16xi32>
    %eq3A_693 = vector.broadcast %reduce_max3A_688 : f32 to vector<16xf32>
    %eq3A_694 = arith.cmpf oeq, %select_n3A_681, %eq3A_693 : vector<16xf32>
    %jit3A_695 = arith.constant 1073741824 : i32
    %broadcast_in_dim3A_696 = vector.broadcast %jit3A_695 : i32 to vector<16xi32>
    %select_n3A_697 = arith.select %eq3A_694, %add3A_692, %broadcast_in_dim3A_696 : vector<16xi1>, vector<16xi32>
    %reduce_min3A_698 = arith.constant true
    %reduce_min3A_699 = vector.broadcast %reduce_min3A_698 : i1 to vector<16xi1>
    %reduce_min3A_700 = arith.constant -2147483648 : i32
    %reduce_min3A_701 = vector.broadcast %reduce_min3A_700 : i32 to vector<16xi32>
    %reduce_min3A_702 = arith.xori %select_n3A_697, %reduce_min3A_701 : vector<16xi32>
    %reduce_min3A_703 = tpu.scan <min>, %reduce_min3A_702 masked %reduce_min3A_699 : vector<16xi32>, vector<16xi1> -> vector<16xi32>
    %reduce_min3A_704 = arith.xori %reduce_min3A_703, %reduce_min3A_701 : vector<16xi32>
    %reduce_min3A_705 = vector.extract %reduce_min3A_704[15] : i32 from vector<16xi32>
    %eq3A_706 = arith.constant 2 : i32
    %eq3A_707 = vector.broadcast %eq3A_706 : i32 to vector<16xi32>
    %eq3A_708 = arith.cmpi eq, %iota3A, %eq3A_707 : vector<16xi32>
    %add3A_709 = arith.constant 361 : i32
    %add3A_710 = arith.addi %add3A_709, %reduce_min3A_705 : i32
    %convert_element_type3A_711 = arith.sitofp %add3A_710 : i32 to f32
    %broadcast_in_dim3A_712 = vector.broadcast %convert_element_type3A_711 : f32 to vector<16xf32>
    %select_n3A_713 = arith.select %eq3A_708, %broadcast_in_dim3A_712, %select_n3A_662 : vector<16xi1>, vector<16xf32>
    %eq3A_714 = arith.constant 10 : i32
    %eq3A_715 = vector.broadcast %eq3A_714 : i32 to vector<16xi32>
    %eq3A_716 = arith.cmpi eq, %iota3A, %eq3A_715 : vector<16xi32>
    %broadcast_in_dim3A_717 = vector.broadcast %reduce_max3A_688 : f32 to vector<16xf32>
    %select_n3A_718 = arith.select %eq3A_716, %broadcast_in_dim3A_717, %select_n3A_713 : vector<16xi1>, vector<16xf32>
    %add3A_719 = arith.constant 368 : i32
    %add3A_720 = arith.addi %add3A_719, %reduce_min3A_705 : i32
    %add3A_721 = vector.broadcast %add3A_720 : i32 to vector<16xi32>
    %add3A_722 = arith.addi %broadcast_in_dim3A_12, %add3A_721 : vector<16xi32>
    %gather3A_723 = tpu.vector_load_idx %arg7[%add3A_722] : memref<4528xf32, #tpu.memory_space<vmem>>[vector<16xi32>], vector<16xf32>,
    %add3A_724 = arith.constant 896 : i32
    %add3A_725 = vector.broadcast %add3A_724 : i32 to vector<16xi32>
    %add3A_726 = arith.addi %add3A_722, %add3A_725 : vector<16xi32>
    %gather3A_727 = tpu.vector_load_idx %arg7[%add3A_726] : memref<4528xf32, #tpu.memory_space<vmem>>[vector<16xi32>], vector<16xf32>,
    %add3A_728 = arith.constant 1792 : i32
    %add3A_729 = vector.broadcast %add3A_728 : i32 to vector<16xi32>
    %add3A_730 = arith.addi %add3A_722, %add3A_729 : vector<16xi32>
    %gather3A_731 = tpu.vector_load_idx %arg7[%add3A_730] : memref<4528xf32, #tpu.memory_space<vmem>>[vector<16xi32>], vector<16xf32>,
    %add3A_732 = arith.constant 2688 : i32
    %add3A_733 = vector.broadcast %add3A_732 : i32 to vector<16xi32>
    %add3A_734 = arith.addi %add3A_722, %add3A_733 : vector<16xi32>
    %gather3A_735 = tpu.vector_load_idx %arg7[%add3A_734] : memref<4528xf32, #tpu.memory_space<vmem>>[vector<16xi32>], vector<16xf32>,
    %add3A_736 = arith.constant 3584 : i32
    %add3A_737 = vector.broadcast %add3A_736 : i32 to vector<16xi32>
    %add3A_738 = arith.addi %add3A_722, %add3A_737 : vector<16xi32>
    %gather3A_739 = tpu.vector_load_idx %arg7[%add3A_738] : memref<4528xf32, #tpu.memory_space<vmem>>[vector<16xi32>], vector<16xf32>,
    %mul3A_740 = arith.mulf %get3A_664, %gather3A_739 : vector<16xf32>
    %scan3A_741 = arith.constant 0 : i32
    %scan3A_742 = arith.constant 16 : i32
    %scan3A_743 = arith.addi %scan3A_741, %scan3A_742 : i32
    %scan3A_744 = arith.constant 2 : i32
    %scan3A_745:2 = scf.for %scan3A_1006 = %scan3A_741 to %scan3A_743 step %scan3A_744 iter_args(%scan3A_1007 = %broadcast_in_dim3A_10, %scan3A_1008 = %broadcast_in_dim3A_12) -> (vector<16xf32>, vector<16xi32>)  : i32 {
      %mul3A_1009 = arith.constant 16 : i32
      %mul3A_1010 = arith.muli %scan3A_1006, %mul3A_1009 : i32
      %add3A_1011 = arith.constant 368 : i32
      %add3A_1012 = arith.addi %add3A_1011, %mul3A_1010 : i32
      %get3A_1013 = arith.index_cast %add3A_1012 : i32 to index
      %get3A_1014 = tpu.vector_load %arg6[%get3A_1013] {strides = array<i32>} : memref<896xf32, #tpu.memory_space<vmem>>, vector<16xf32>,
      %get3A_1015 = arith.index_cast %add3A_1012 : i32 to index
      %get3A_1016 = tpu.vector_load %arg7[%get3A_1015] {strides = array<i32>} : memref<4528xf32, #tpu.memory_space<vmem>>, vector<16xf32>,
      %max3A_1017 = arith.maximumf %get3A_1016, %gather3A_723 : vector<16xf32>
      %add3A_1018 = arith.constant 896 : i32
      %add3A_1019 = arith.addi %add3A_1018, %add3A_1012 : i32
      %get3A_1020 = arith.index_cast %add3A_1019 : i32 to index
      %get3A_1021 = tpu.vector_load %arg7[%get3A_1020] {strides = array<i32>} : memref<4528xf32, #tpu.memory_space<vmem>>, vector<16xf32>,
      %max3A_1022 = arith.maximumf %get3A_1021, %gather3A_727 : vector<16xf32>
      %add3A_1023 = arith.constant 1792 : i32
      %add3A_1024 = arith.addi %add3A_1023, %add3A_1012 : i32
      %get3A_1025 = arith.index_cast %add3A_1024 : i32 to index
      %get3A_1026 = tpu.vector_load %arg7[%get3A_1025] {strides = array<i32>} : memref<4528xf32, #tpu.memory_space<vmem>>, vector<16xf32>,
      %min3A_1027 = arith.minimumf %get3A_1026, %gather3A_731 : vector<16xf32>
      %add3A_1028 = arith.constant 2688 : i32
      %add3A_1029 = arith.addi %add3A_1028, %add3A_1012 : i32
      %get3A_1030 = arith.index_cast %add3A_1029 : i32 to index
      %get3A_1031 = tpu.vector_load %arg7[%get3A_1030] {strides = array<i32>} : memref<4528xf32, #tpu.memory_space<vmem>>, vector<16xf32>,
      %min3A_1032 = arith.minimumf %get3A_1031, %gather3A_735 : vector<16xf32>
      %sub3A_1033 = arith.subf %min3A_1027, %max3A_1017 : vector<16xf32>
      %max3A_1034 = arith.constant 0.000000e+00 : f32
      %max3A_1035 = vector.broadcast %max3A_1034 : f32 to vector<16xf32>
      %max3A_1036 = arith.maximumf %sub3A_1033, %max3A_1035 : vector<16xf32>
      %sub3A_1037 = arith.subf %min3A_1032, %max3A_1022 : vector<16xf32>
      %max3A_1038 = arith.constant 0.000000e+00 : f32
      %max3A_1039 = vector.broadcast %max3A_1038 : f32 to vector<16xf32>
      %max3A_1040 = arith.maximumf %sub3A_1037, %max3A_1039 : vector<16xf32>
      %mul3A_1041 = arith.mulf %max3A_1036, %max3A_1040 : vector<16xf32>
      %mul3A_1042 = arith.mulf %get3A_664, %mul3A_1041 : vector<16xf32>
      %add3A_1043 = arith.addf %mul3A_1041, %mul3A_1042 : vector<16xf32>
      %add3A_1044 = arith.constant 3584 : i32
      %add3A_1045 = arith.addi %add3A_1044, %add3A_1012 : i32
      %get3A_1046 = arith.index_cast %add3A_1045 : i32 to index
      %get3A_1047 = tpu.vector_load %arg7[%get3A_1046] {strides = array<i32>} : memref<4528xf32, #tpu.memory_space<vmem>>, vector<16xf32>,
      %mul3A_1048 = arith.mulf %get3A_664, %get3A_1047 : vector<16xf32>
      %add3A_1049 = arith.addf %mul3A_1048, %mul3A_740 : vector<16xf32>
      %gt3A_1050 = arith.cmpf ogt, %add3A_1043, %add3A_1049 : vector<16xf32>
      %jit3A_1051 = arith.constant -1.000000e+30 : f32
      %broadcast_in_dim3A_1052 = vector.broadcast %jit3A_1051 : f32 to vector<16xf32>
      %select_n3A_1053 = arith.select %gt3A_1050, %broadcast_in_dim3A_1052, %get3A_1014 : vector<16xi1>, vector<16xf32>
      %swap3A_1054 = arith.index_cast %add3A_1012 : i32 to index
      %swap3A_1055 = tpu.vector_load %arg6[%swap3A_1054] {strides = array<i32>} : memref<896xf32, #tpu.memory_space<vmem>>, vector<16xf32>,
      tpu.vector_store %arg6[%swap3A_1054], %select_n3A_1053 {strides = array<i32>} : memref<896xf32, #tpu.memory_space<vmem>>, vector<16xf32>,
      %gt3A_1056 = arith.cmpf ogt, %select_n3A_1053, %scan3A_1007 : vector<16xf32>
      %select_n3A_1057 = arith.select %gt3A_1056, %select_n3A_1053, %scan3A_1007 : vector<16xi1>, vector<16xf32>
      %broadcast_in_dim3A_1058 = vector.broadcast %scan3A_1006 : i32 to vector<16xi32>
      %select_n3A_1059 = arith.select %gt3A_1056, %broadcast_in_dim3A_1058, %scan3A_1008 : vector<16xi1>, vector<16xi32>
      %scan3A_1060 = arith.constant 1 : i32
      %scan3A_1061 = arith.addi %scan3A_1006, %scan3A_1060 : i32
      %mul3A_1062 = arith.constant 16 : i32
      %mul3A_1063 = arith.muli %scan3A_1061, %mul3A_1062 : i32
      %add3A_1064 = arith.constant 368 : i32
      %add3A_1065 = arith.addi %add3A_1064, %mul3A_1063 : i32
      %get3A_1066 = arith.index_cast %add3A_1065 : i32 to index
      %get3A_1067 = tpu.vector_load %arg6[%get3A_1066] {strides = array<i32>} : memref<896xf32, #tpu.memory_space<vmem>>, vector<16xf32>,
      %get3A_1068 = arith.index_cast %add3A_1065 : i32 to index
      %get3A_1069 = tpu.vector_load %arg7[%get3A_1068] {strides = array<i32>} : memref<4528xf32, #tpu.memory_space<vmem>>, vector<16xf32>,
      %max3A_1070 = arith.maximumf %get3A_1069, %gather3A_723 : vector<16xf32>
      %add3A_1071 = arith.constant 896 : i32
      %add3A_1072 = arith.addi %add3A_1071, %add3A_1065 : i32
      %get3A_1073 = arith.index_cast %add3A_1072 : i32 to index
      %get3A_1074 = tpu.vector_load %arg7[%get3A_1073] {strides = array<i32>} : memref<4528xf32, #tpu.memory_space<vmem>>, vector<16xf32>,
      %max3A_1075 = arith.maximumf %get3A_1074, %gather3A_727 : vector<16xf32>
      %add3A_1076 = arith.constant 1792 : i32
      %add3A_1077 = arith.addi %add3A_1076, %add3A_1065 : i32
      %get3A_1078 = arith.index_cast %add3A_1077 : i32 to index
      %get3A_1079 = tpu.vector_load %arg7[%get3A_1078] {strides = array<i32>} : memref<4528xf32, #tpu.memory_space<vmem>>, vector<16xf32>,
      %min3A_1080 = arith.minimumf %get3A_1079, %gather3A_731 : vector<16xf32>
      %add3A_1081 = arith.constant 2688 : i32
      %add3A_1082 = arith.addi %add3A_1081, %add3A_1065 : i32
      %get3A_1083 = arith.index_cast %add3A_1082 : i32 to index
      %get3A_1084 = tpu.vector_load %arg7[%get3A_1083] {strides = array<i32>} : memref<4528xf32, #tpu.memory_space<vmem>>, vector<16xf32>,
      %min3A_1085 = arith.minimumf %get3A_1084, %gather3A_735 : vector<16xf32>
      %sub3A_1086 = arith.subf %min3A_1080, %max3A_1070 : vector<16xf32>
      %max3A_1087 = arith.constant 0.000000e+00 : f32
      %max3A_1088 = vector.broadcast %max3A_1087 : f32 to vector<16xf32>
      %max3A_1089 = arith.maximumf %sub3A_1086, %max3A_1088 : vector<16xf32>
      %sub3A_1090 = arith.subf %min3A_1085, %max3A_1075 : vector<16xf32>
      %max3A_1091 = arith.constant 0.000000e+00 : f32
      %max3A_1092 = vector.broadcast %max3A_1091 : f32 to vector<16xf32>
      %max3A_1093 = arith.maximumf %sub3A_1090, %max3A_1092 : vector<16xf32>
      %mul3A_1094 = arith.mulf %max3A_1089, %max3A_1093 : vector<16xf32>
      %mul3A_1095 = arith.mulf %get3A_664, %mul3A_1094 : vector<16xf32>
      %add3A_1096 = arith.addf %mul3A_1094, %mul3A_1095 : vector<16xf32>
      %add3A_1097 = arith.constant 3584 : i32
      %add3A_1098 = arith.addi %add3A_1097, %add3A_1065 : i32
      %get3A_1099 = arith.index_cast %add3A_1098 : i32 to index
      %get3A_1100 = tpu.vector_load %arg7[%get3A_1099] {strides = array<i32>} : memref<4528xf32, #tpu.memory_space<vmem>>, vector<16xf32>,
      %mul3A_1101 = arith.mulf %get3A_664, %get3A_1100 : vector<16xf32>
      %add3A_1102 = arith.addf %mul3A_1101, %mul3A_740 : vector<16xf32>
      %gt3A_1103 = arith.cmpf ogt, %add3A_1096, %add3A_1102 : vector<16xf32>
      %jit3A_1104 = arith.constant -1.000000e+30 : f32
      %broadcast_in_dim3A_1105 = vector.broadcast %jit3A_1104 : f32 to vector<16xf32>
      %select_n3A_1106 = arith.select %gt3A_1103, %broadcast_in_dim3A_1105, %get3A_1067 : vector<16xi1>, vector<16xf32>
      %swap3A_1107 = arith.index_cast %add3A_1065 : i32 to index
      %swap3A_1108 = tpu.vector_load %arg6[%swap3A_1107] {strides = array<i32>} : memref<896xf32, #tpu.memory_space<vmem>>, vector<16xf32>,
      tpu.vector_store %arg6[%swap3A_1107], %select_n3A_1106 {strides = array<i32>} : memref<896xf32, #tpu.memory_space<vmem>>, vector<16xf32>,
      %gt3A_1109 = arith.cmpf ogt, %select_n3A_1106, %select_n3A_1057 : vector<16xf32>
      %select_n3A_1110 = arith.select %gt3A_1109, %select_n3A_1106, %select_n3A_1057 : vector<16xi1>, vector<16xf32>
      %broadcast_in_dim3A_1111 = vector.broadcast %scan3A_1061 : i32 to vector<16xi32>
      %select_n3A_1112 = arith.select %gt3A_1109, %broadcast_in_dim3A_1111, %select_n3A_1059 : vector<16xi1>, vector<16xi32>
      scf.yield %select_n3A_1110, %select_n3A_1112 : vector<16xf32>, vector<16xi32>
    }
    %scan3A_746 = arith.constant 16 : i32
    %reduce_max3A_747 = arith.constant true
    %reduce_max3A_748 = vector.broadcast %reduce_max3A_747 : i1 to vector<16xi1>
    %reduce_max3A_749 = tpu.scan <max>, %scan3A_745#0 masked %reduce_max3A_748 : vector<16xf32>, vector<16xi1> -> vector<16xf32>
    %reduce_max3A_750 = vector.extract %reduce_max3A_749[15] : f32 from vector<16xf32>
    %mul3A_751 = arith.constant 16 : i32
    %mul3A_752 = vector.broadcast %mul3A_751 : i32 to vector<16xi32>
    %mul3A_753 = arith.muli %scan3A_745#1, %mul3A_752 : vector<16xi32>
    %add3A_754 = arith.addi %mul3A_753, %iota3A : vector<16xi32>
    %eq3A_755 = vector.broadcast %reduce_max3A_750 : f32 to vector<16xf32>
    %eq3A_756 = arith.cmpf oeq, %scan3A_745#0, %eq3A_755 : vector<16xf32>
    %jit3A_757 = arith.constant 1073741824 : i32
    %broadcast_in_dim3A_758 = vector.broadcast %jit3A_757 : i32 to vector<16xi32>
    %select_n3A_759 = arith.select %eq3A_756, %add3A_754, %broadcast_in_dim3A_758 : vector<16xi1>, vector<16xi32>
    %reduce_min3A_760 = arith.constant true
    %reduce_min3A_761 = vector.broadcast %reduce_min3A_760 : i1 to vector<16xi1>
    %reduce_min3A_762 = arith.constant -2147483648 : i32
    %reduce_min3A_763 = vector.broadcast %reduce_min3A_762 : i32 to vector<16xi32>
    %reduce_min3A_764 = arith.xori %select_n3A_759, %reduce_min3A_763 : vector<16xi32>
    %reduce_min3A_765 = tpu.scan <min>, %reduce_min3A_764 masked %reduce_min3A_761 : vector<16xi32>, vector<16xi1> -> vector<16xi32>
    %reduce_min3A_766 = arith.xori %reduce_min3A_765, %reduce_min3A_763 : vector<16xi32>
    %reduce_min3A_767 = vector.extract %reduce_min3A_766[15] : i32 from vector<16xi32>
    %eq3A_768 = arith.constant 3 : i32
    %eq3A_769 = vector.broadcast %eq3A_768 : i32 to vector<16xi32>
    %eq3A_770 = arith.cmpi eq, %iota3A, %eq3A_769 : vector<16xi32>
    %add3A_771 = arith.constant 361 : i32
    %add3A_772 = arith.addi %add3A_771, %reduce_min3A_767 : i32
    %convert_element_type3A_773 = arith.sitofp %add3A_772 : i32 to f32
    %broadcast_in_dim3A_774 = vector.broadcast %convert_element_type3A_773 : f32 to vector<16xf32>
    %select_n3A_775 = arith.select %eq3A_770, %broadcast_in_dim3A_774, %select_n3A_718 : vector<16xi1>, vector<16xf32>
    %eq3A_776 = arith.constant 11 : i32
    %eq3A_777 = vector.broadcast %eq3A_776 : i32 to vector<16xi32>
    %eq3A_778 = arith.cmpi eq, %iota3A, %eq3A_777 : vector<16xi32>
    %broadcast_in_dim3A_779 = vector.broadcast %reduce_max3A_750 : f32 to vector<16xf32>
    %select_n3A_780 = arith.select %eq3A_778, %broadcast_in_dim3A_779, %select_n3A_775 : vector<16xi1>, vector<16xf32>
    %add3A_781 = arith.constant 368 : i32
    %add3A_782 = arith.addi %add3A_781, %reduce_min3A_767 : i32
    %add3A_783 = vector.broadcast %add3A_782 : i32 to vector<16xi32>
    %add3A_784 = arith.addi %broadcast_in_dim3A_12, %add3A_783 : vector<16xi32>
    %gather3A_785 = tpu.vector_load_idx %arg7[%add3A_784] : memref<4528xf32, #tpu.memory_space<vmem>>[vector<16xi32>], vector<16xf32>,
    %add3A_786 = arith.constant 896 : i32
    %add3A_787 = vector.broadcast %add3A_786 : i32 to vector<16xi32>
    %add3A_788 = arith.addi %add3A_784, %add3A_787 : vector<16xi32>
    %gather3A_789 = tpu.vector_load_idx %arg7[%add3A_788] : memref<4528xf32, #tpu.memory_space<vmem>>[vector<16xi32>], vector<16xf32>,
    %add3A_790 = arith.constant 1792 : i32
    %add3A_791 = vector.broadcast %add3A_790 : i32 to vector<16xi32>
    %add3A_792 = arith.addi %add3A_784, %add3A_791 : vector<16xi32>
    %gather3A_793 = tpu.vector_load_idx %arg7[%add3A_792] : memref<4528xf32, #tpu.memory_space<vmem>>[vector<16xi32>], vector<16xf32>,
    %add3A_794 = arith.constant 2688 : i32
    %add3A_795 = vector.broadcast %add3A_794 : i32 to vector<16xi32>
    %add3A_796 = arith.addi %add3A_784, %add3A_795 : vector<16xi32>
    %gather3A_797 = tpu.vector_load_idx %arg7[%add3A_796] : memref<4528xf32, #tpu.memory_space<vmem>>[vector<16xi32>], vector<16xf32>,
    %add3A_798 = arith.constant 3584 : i32
    %add3A_799 = vector.broadcast %add3A_798 : i32 to vector<16xi32>
    %add3A_800 = arith.addi %add3A_784, %add3A_799 : vector<16xi32>
    %gather3A_801 = tpu.vector_load_idx %arg7[%add3A_800] : memref<4528xf32, #tpu.memory_space<vmem>>[vector<16xi32>], vector<16xf32>,
    %mul3A_802 = arith.mulf %get3A_664, %gather3A_801 : vector<16xf32>
    %scan3A_803 = arith.constant 0 : i32
    %scan3A_804 = arith.constant 16 : i32
    %scan3A_805 = arith.addi %scan3A_803, %scan3A_804 : i32
    %scan3A_806 = arith.constant 2 : i32
    %scan3A_807:2 = scf.for %scan3A_1006 = %scan3A_803 to %scan3A_805 step %scan3A_806 iter_args(%scan3A_1007 = %broadcast_in_dim3A_10, %scan3A_1008 = %broadcast_in_dim3A_12) -> (vector<16xf32>, vector<16xi32>)  : i32 {
      %mul3A_1009 = arith.constant 16 : i32
      %mul3A_1010 = arith.muli %scan3A_1006, %mul3A_1009 : i32
      %add3A_1011 = arith.constant 368 : i32
      %add3A_1012 = arith.addi %add3A_1011, %mul3A_1010 : i32
      %get3A_1013 = arith.index_cast %add3A_1012 : i32 to index
      %get3A_1014 = tpu.vector_load %arg6[%get3A_1013] {strides = array<i32>} : memref<896xf32, #tpu.memory_space<vmem>>, vector<16xf32>,
      %get3A_1015 = arith.index_cast %add3A_1012 : i32 to index
      %get3A_1016 = tpu.vector_load %arg7[%get3A_1015] {strides = array<i32>} : memref<4528xf32, #tpu.memory_space<vmem>>, vector<16xf32>,
      %max3A_1017 = arith.maximumf %get3A_1016, %gather3A_785 : vector<16xf32>
      %add3A_1018 = arith.constant 896 : i32
      %add3A_1019 = arith.addi %add3A_1018, %add3A_1012 : i32
      %get3A_1020 = arith.index_cast %add3A_1019 : i32 to index
      %get3A_1021 = tpu.vector_load %arg7[%get3A_1020] {strides = array<i32>} : memref<4528xf32, #tpu.memory_space<vmem>>, vector<16xf32>,
      %max3A_1022 = arith.maximumf %get3A_1021, %gather3A_789 : vector<16xf32>
      %add3A_1023 = arith.constant 1792 : i32
      %add3A_1024 = arith.addi %add3A_1023, %add3A_1012 : i32
      %get3A_1025 = arith.index_cast %add3A_1024 : i32 to index
      %get3A_1026 = tpu.vector_load %arg7[%get3A_1025] {strides = array<i32>} : memref<4528xf32, #tpu.memory_space<vmem>>, vector<16xf32>,
      %min3A_1027 = arith.minimumf %get3A_1026, %gather3A_793 : vector<16xf32>
      %add3A_1028 = arith.constant 2688 : i32
      %add3A_1029 = arith.addi %add3A_1028, %add3A_1012 : i32
      %get3A_1030 = arith.index_cast %add3A_1029 : i32 to index
      %get3A_1031 = tpu.vector_load %arg7[%get3A_1030] {strides = array<i32>} : memref<4528xf32, #tpu.memory_space<vmem>>, vector<16xf32>,
      %min3A_1032 = arith.minimumf %get3A_1031, %gather3A_797 : vector<16xf32>
      %sub3A_1033 = arith.subf %min3A_1027, %max3A_1017 : vector<16xf32>
      %max3A_1034 = arith.constant 0.000000e+00 : f32
      %max3A_1035 = vector.broadcast %max3A_1034 : f32 to vector<16xf32>
      %max3A_1036 = arith.maximumf %sub3A_1033, %max3A_1035 : vector<16xf32>
      %sub3A_1037 = arith.subf %min3A_1032, %max3A_1022 : vector<16xf32>
      %max3A_1038 = arith.constant 0.000000e+00 : f32
      %max3A_1039 = vector.broadcast %max3A_1038 : f32 to vector<16xf32>
      %max3A_1040 = arith.maximumf %sub3A_1037, %max3A_1039 : vector<16xf32>
      %mul3A_1041 = arith.mulf %max3A_1036, %max3A_1040 : vector<16xf32>
      %mul3A_1042 = arith.mulf %get3A_664, %mul3A_1041 : vector<16xf32>
      %add3A_1043 = arith.addf %mul3A_1041, %mul3A_1042 : vector<16xf32>
      %add3A_1044 = arith.constant 3584 : i32
      %add3A_1045 = arith.addi %add3A_1044, %add3A_1012 : i32
      %get3A_1046 = arith.index_cast %add3A_1045 : i32 to index
      %get3A_1047 = tpu.vector_load %arg7[%get3A_1046] {strides = array<i32>} : memref<4528xf32, #tpu.memory_space<vmem>>, vector<16xf32>,
      %mul3A_1048 = arith.mulf %get3A_664, %get3A_1047 : vector<16xf32>
      %add3A_1049 = arith.addf %mul3A_1048, %mul3A_802 : vector<16xf32>
      %gt3A_1050 = arith.cmpf ogt, %add3A_1043, %add3A_1049 : vector<16xf32>
      %jit3A_1051 = arith.constant -1.000000e+30 : f32
      %broadcast_in_dim3A_1052 = vector.broadcast %jit3A_1051 : f32 to vector<16xf32>
      %select_n3A_1053 = arith.select %gt3A_1050, %broadcast_in_dim3A_1052, %get3A_1014 : vector<16xi1>, vector<16xf32>
      %swap3A_1054 = arith.index_cast %add3A_1012 : i32 to index
      %swap3A_1055 = tpu.vector_load %arg6[%swap3A_1054] {strides = array<i32>} : memref<896xf32, #tpu.memory_space<vmem>>, vector<16xf32>,
      tpu.vector_store %arg6[%swap3A_1054], %select_n3A_1053 {strides = array<i32>} : memref<896xf32, #tpu.memory_space<vmem>>, vector<16xf32>,
      %gt3A_1056 = arith.cmpf ogt, %select_n3A_1053, %scan3A_1007 : vector<16xf32>
      %select_n3A_1057 = arith.select %gt3A_1056, %select_n3A_1053, %scan3A_1007 : vector<16xi1>, vector<16xf32>
      %broadcast_in_dim3A_1058 = vector.broadcast %scan3A_1006 : i32 to vector<16xi32>
      %select_n3A_1059 = arith.select %gt3A_1056, %broadcast_in_dim3A_1058, %scan3A_1008 : vector<16xi1>, vector<16xi32>
      %scan3A_1060 = arith.constant 1 : i32
      %scan3A_1061 = arith.addi %scan3A_1006, %scan3A_1060 : i32
      %mul3A_1062 = arith.constant 16 : i32
      %mul3A_1063 = arith.muli %scan3A_1061, %mul3A_1062 : i32
      %add3A_1064 = arith.constant 368 : i32
      %add3A_1065 = arith.addi %add3A_1064, %mul3A_1063 : i32
      %get3A_1066 = arith.index_cast %add3A_1065 : i32 to index
      %get3A_1067 = tpu.vector_load %arg6[%get3A_1066] {strides = array<i32>} : memref<896xf32, #tpu.memory_space<vmem>>, vector<16xf32>,
      %get3A_1068 = arith.index_cast %add3A_1065 : i32 to index
      %get3A_1069 = tpu.vector_load %arg7[%get3A_1068] {strides = array<i32>} : memref<4528xf32, #tpu.memory_space<vmem>>, vector<16xf32>,
      %max3A_1070 = arith.maximumf %get3A_1069, %gather3A_785 : vector<16xf32>
      %add3A_1071 = arith.constant 896 : i32
      %add3A_1072 = arith.addi %add3A_1071, %add3A_1065 : i32
      %get3A_1073 = arith.index_cast %add3A_1072 : i32 to index
      %get3A_1074 = tpu.vector_load %arg7[%get3A_1073] {strides = array<i32>} : memref<4528xf32, #tpu.memory_space<vmem>>, vector<16xf32>,
      %max3A_1075 = arith.maximumf %get3A_1074, %gather3A_789 : vector<16xf32>
      %add3A_1076 = arith.constant 1792 : i32
      %add3A_1077 = arith.addi %add3A_1076, %add3A_1065 : i32
      %get3A_1078 = arith.index_cast %add3A_1077 : i32 to index
      %get3A_1079 = tpu.vector_load %arg7[%get3A_1078] {strides = array<i32>} : memref<4528xf32, #tpu.memory_space<vmem>>, vector<16xf32>,
      %min3A_1080 = arith.minimumf %get3A_1079, %gather3A_793 : vector<16xf32>
      %add3A_1081 = arith.constant 2688 : i32
      %add3A_1082 = arith.addi %add3A_1081, %add3A_1065 : i32
      %get3A_1083 = arith.index_cast %add3A_1082 : i32 to index
      %get3A_1084 = tpu.vector_load %arg7[%get3A_1083] {strides = array<i32>} : memref<4528xf32, #tpu.memory_space<vmem>>, vector<16xf32>,
      %min3A_1085 = arith.minimumf %get3A_1084, %gather3A_797 : vector<16xf32>
      %sub3A_1086 = arith.subf %min3A_1080, %max3A_1070 : vector<16xf32>
      %max3A_1087 = arith.constant 0.000000e+00 : f32
      %max3A_1088 = vector.broadcast %max3A_1087 : f32 to vector<16xf32>
      %max3A_1089 = arith.maximumf %sub3A_1086, %max3A_1088 : vector<16xf32>
      %sub3A_1090 = arith.subf %min3A_1085, %max3A_1075 : vector<16xf32>
      %max3A_1091 = arith.constant 0.000000e+00 : f32
      %max3A_1092 = vector.broadcast %max3A_1091 : f32 to vector<16xf32>
      %max3A_1093 = arith.maximumf %sub3A_1090, %max3A_1092 : vector<16xf32>
      %mul3A_1094 = arith.mulf %max3A_1089, %max3A_1093 : vector<16xf32>
      %mul3A_1095 = arith.mulf %get3A_664, %mul3A_1094 : vector<16xf32>
      %add3A_1096 = arith.addf %mul3A_1094, %mul3A_1095 : vector<16xf32>
      %add3A_1097 = arith.constant 3584 : i32
      %add3A_1098 = arith.addi %add3A_1097, %add3A_1065 : i32
      %get3A_1099 = arith.index_cast %add3A_1098 : i32 to index
      %get3A_1100 = tpu.vector_load %arg7[%get3A_1099] {strides = array<i32>} : memref<4528xf32, #tpu.memory_space<vmem>>, vector<16xf32>,
      %mul3A_1101 = arith.mulf %get3A_664, %get3A_1100 : vector<16xf32>
      %add3A_1102 = arith.addf %mul3A_1101, %mul3A_802 : vector<16xf32>
      %gt3A_1103 = arith.cmpf ogt, %add3A_1096, %add3A_1102 : vector<16xf32>
      %jit3A_1104 = arith.constant -1.000000e+30 : f32
      %broadcast_in_dim3A_1105 = vector.broadcast %jit3A_1104 : f32 to vector<16xf32>
      %select_n3A_1106 = arith.select %gt3A_1103, %broadcast_in_dim3A_1105, %get3A_1067 : vector<16xi1>, vector<16xf32>
      %swap3A_1107 = arith.index_cast %add3A_1065 : i32 to index
      %swap3A_1108 = tpu.vector_load %arg6[%swap3A_1107] {strides = array<i32>} : memref<896xf32, #tpu.memory_space<vmem>>, vector<16xf32>,
      tpu.vector_store %arg6[%swap3A_1107], %select_n3A_1106 {strides = array<i32>} : memref<896xf32, #tpu.memory_space<vmem>>, vector<16xf32>,
      %gt3A_1109 = arith.cmpf ogt, %select_n3A_1106, %select_n3A_1057 : vector<16xf32>
      %select_n3A_1110 = arith.select %gt3A_1109, %select_n3A_1106, %select_n3A_1057 : vector<16xi1>, vector<16xf32>
      %broadcast_in_dim3A_1111 = vector.broadcast %scan3A_1061 : i32 to vector<16xi32>
      %select_n3A_1112 = arith.select %gt3A_1109, %broadcast_in_dim3A_1111, %select_n3A_1059 : vector<16xi1>, vector<16xi32>
      scf.yield %select_n3A_1110, %select_n3A_1112 : vector<16xf32>, vector<16xi32>
    }
    %scan3A_808 = arith.constant 16 : i32
    %reduce_max3A_809 = arith.constant true
    %reduce_max3A_810 = vector.broadcast %reduce_max3A_809 : i1 to vector<16xi1>
    %reduce_max3A_811 = tpu.scan <max>, %scan3A_807#0 masked %reduce_max3A_810 : vector<16xf32>, vector<16xi1> -> vector<16xf32>
    %reduce_max3A_812 = vector.extract %reduce_max3A_811[15] : f32 from vector<16xf32>
    %mul3A_813 = arith.constant 16 : i32
    %mul3A_814 = vector.broadcast %mul3A_813 : i32 to vector<16xi32>
    %mul3A_815 = arith.muli %scan3A_807#1, %mul3A_814 : vector<16xi32>
    %add3A_816 = arith.addi %mul3A_815, %iota3A : vector<16xi32>
    %eq3A_817 = vector.broadcast %reduce_max3A_812 : f32 to vector<16xf32>
    %eq3A_818 = arith.cmpf oeq, %scan3A_807#0, %eq3A_817 : vector<16xf32>
    %jit3A_819 = arith.constant 1073741824 : i32
    %broadcast_in_dim3A_820 = vector.broadcast %jit3A_819 : i32 to vector<16xi32>
    %select_n3A_821 = arith.select %eq3A_818, %add3A_816, %broadcast_in_dim3A_820 : vector<16xi1>, vector<16xi32>
    %reduce_min3A_822 = arith.constant true
    %reduce_min3A_823 = vector.broadcast %reduce_min3A_822 : i1 to vector<16xi1>
    %reduce_min3A_824 = arith.constant -2147483648 : i32
    %reduce_min3A_825 = vector.broadcast %reduce_min3A_824 : i32 to vector<16xi32>
    %reduce_min3A_826 = arith.xori %select_n3A_821, %reduce_min3A_825 : vector<16xi32>
    %reduce_min3A_827 = tpu.scan <min>, %reduce_min3A_826 masked %reduce_min3A_823 : vector<16xi32>, vector<16xi1> -> vector<16xi32>
    %reduce_min3A_828 = arith.xori %reduce_min3A_827, %reduce_min3A_825 : vector<16xi32>
    %reduce_min3A_829 = vector.extract %reduce_min3A_828[15] : i32 from vector<16xi32>
    %eq3A_830 = arith.constant 4 : i32
    %eq3A_831 = vector.broadcast %eq3A_830 : i32 to vector<16xi32>
    %eq3A_832 = arith.cmpi eq, %iota3A, %eq3A_831 : vector<16xi32>
    %add3A_833 = arith.constant 361 : i32
    %add3A_834 = arith.addi %add3A_833, %reduce_min3A_829 : i32
    %convert_element_type3A_835 = arith.sitofp %add3A_834 : i32 to f32
    %broadcast_in_dim3A_836 = vector.broadcast %convert_element_type3A_835 : f32 to vector<16xf32>
    %select_n3A_837 = arith.select %eq3A_832, %broadcast_in_dim3A_836, %select_n3A_780 : vector<16xi1>, vector<16xf32>
    %eq3A_838 = arith.constant 12 : i32
    %eq3A_839 = vector.broadcast %eq3A_838 : i32 to vector<16xi32>
    %eq3A_840 = arith.cmpi eq, %iota3A, %eq3A_839 : vector<16xi32>
    %broadcast_in_dim3A_841 = vector.broadcast %reduce_max3A_812 : f32 to vector<16xf32>
    %select_n3A_842 = arith.select %eq3A_840, %broadcast_in_dim3A_841, %select_n3A_837 : vector<16xi1>, vector<16xf32>
    %get3A_843 = arith.constant 4512 : index
    %get3A_844 = tpu.vector_load %arg7[%get3A_843] {strides = array<i32>} : memref<4528xf32, #tpu.memory_space<vmem>>, vector<16xf32>,
    %get3A_845 = arith.constant 624 : index
    %get3A_846 = tpu.vector_load %arg6[%get3A_845] {strides = array<i32>} : memref<896xf32, #tpu.memory_space<vmem>>, vector<16xf32>,
    %scan3A_847 = arith.constant 1 : i32
    %scan3A_848 = arith.constant 16 : i32
    %scan3A_849 = arith.addi %scan3A_847, %scan3A_848 : i32
    %scan3A_850 = arith.constant 2 : i32
    %scan3A_851:2 = scf.for %scan3A_1006 = %scan3A_847 to %scan3A_849 step %scan3A_850 iter_args(%scan3A_1007 = %get3A_846, %scan3A_1008 = %broadcast_in_dim3A_12) -> (vector<16xf32>, vector<16xi32>)  : i32 {
      %mul3A_1009 = arith.constant 16 : i32
      %mul3A_1010 = arith.muli %scan3A_1006, %mul3A_1009 : i32
      %add3A_1011 = arith.constant 624 : i32
      %add3A_1012 = arith.addi %add3A_1011, %mul3A_1010 : i32
      %get3A_1013 = arith.index_cast %add3A_1012 : i32 to index
      %get3A_1014 = tpu.vector_load %arg6[%get3A_1013] {strides = array<i32>} : memref<896xf32, #tpu.memory_space<vmem>>, vector<16xf32>,
      %gt3A_1015 = arith.cmpf ogt, %get3A_1014, %scan3A_1007 : vector<16xf32>
      %select_n3A_1016 = arith.select %gt3A_1015, %get3A_1014, %scan3A_1007 : vector<16xi1>, vector<16xf32>
      %broadcast_in_dim3A_1017 = vector.broadcast %scan3A_1006 : i32 to vector<16xi32>
      %select_n3A_1018 = arith.select %gt3A_1015, %broadcast_in_dim3A_1017, %scan3A_1008 : vector<16xi1>, vector<16xi32>
      %scan3A_1019 = arith.constant 1 : i32
      %scan3A_1020 = arith.addi %scan3A_1006, %scan3A_1019 : i32
      %mul3A_1021 = arith.constant 16 : i32
      %mul3A_1022 = arith.muli %scan3A_1020, %mul3A_1021 : i32
      %add3A_1023 = arith.constant 624 : i32
      %add3A_1024 = arith.addi %add3A_1023, %mul3A_1022 : i32
      %get3A_1025 = arith.index_cast %add3A_1024 : i32 to index
      %get3A_1026 = tpu.vector_load %arg6[%get3A_1025] {strides = array<i32>} : memref<896xf32, #tpu.memory_space<vmem>>, vector<16xf32>,
      %gt3A_1027 = arith.cmpf ogt, %get3A_1026, %select_n3A_1016 : vector<16xf32>
      %select_n3A_1028 = arith.select %gt3A_1027, %get3A_1026, %select_n3A_1016 : vector<16xi1>, vector<16xf32>
      %broadcast_in_dim3A_1029 = vector.broadcast %scan3A_1020 : i32 to vector<16xi32>
      %select_n3A_1030 = arith.select %gt3A_1027, %broadcast_in_dim3A_1029, %select_n3A_1018 : vector<16xi1>, vector<16xi32>
      scf.yield %select_n3A_1028, %select_n3A_1030 : vector<16xf32>, vector<16xi32>
    }
    %scan3A_852 = arith.constant 16 : i32
    %reduce_max3A_853 = arith.constant true
    %reduce_max3A_854 = vector.broadcast %reduce_max3A_853 : i1 to vector<16xi1>
    %reduce_max3A_855 = tpu.scan <max>, %scan3A_851#0 masked %reduce_max3A_854 : vector<16xf32>, vector<16xi1> -> vector<16xf32>
    %reduce_max3A_856 = vector.extract %reduce_max3A_855[15] : f32 from vector<16xf32>
    %mul3A_857 = arith.constant 16 : i32
    %mul3A_858 = vector.broadcast %mul3A_857 : i32 to vector<16xi32>
    %mul3A_859 = arith.muli %scan3A_851#1, %mul3A_858 : vector<16xi32>
    %add3A_860 = arith.addi %mul3A_859, %iota3A : vector<16xi32>
    %eq3A_861 = vector.broadcast %reduce_max3A_856 : f32 to vector<16xf32>
    %eq3A_862 = arith.cmpf oeq, %scan3A_851#0, %eq3A_861 : vector<16xf32>
    %jit3A_863 = arith.constant 1073741824 : i32
    %broadcast_in_dim3A_864 = vector.broadcast %jit3A_863 : i32 to vector<16xi32>
    %select_n3A_865 = arith.select %eq3A_862, %add3A_860, %broadcast_in_dim3A_864 : vector<16xi1>, vector<16xi32>
    %reduce_min3A_866 = arith.constant true
    %reduce_min3A_867 = vector.broadcast %reduce_min3A_866 : i1 to vector<16xi1>
    %reduce_min3A_868 = arith.constant -2147483648 : i32
    %reduce_min3A_869 = vector.broadcast %reduce_min3A_868 : i32 to vector<16xi32>
    %reduce_min3A_870 = arith.xori %select_n3A_865, %reduce_min3A_869 : vector<16xi32>
    %reduce_min3A_871 = tpu.scan <min>, %reduce_min3A_870 masked %reduce_min3A_867 : vector<16xi32>, vector<16xi1> -> vector<16xi32>
    %reduce_min3A_872 = arith.xori %reduce_min3A_871, %reduce_min3A_869 : vector<16xi32>
    %reduce_min3A_873 = vector.extract %reduce_min3A_872[15] : i32 from vector<16xi32>
    %eq3A_874 = arith.constant 5 : i32
    %eq3A_875 = vector.broadcast %eq3A_874 : i32 to vector<16xi32>
    %eq3A_876 = arith.cmpi eq, %iota3A, %eq3A_875 : vector<16xi32>
    %add3A_877 = arith.constant 602 : i32
    %add3A_878 = arith.addi %add3A_877, %reduce_min3A_873 : i32
    %convert_element_type3A_879 = arith.sitofp %add3A_878 : i32 to f32
    %broadcast_in_dim3A_880 = vector.broadcast %convert_element_type3A_879 : f32 to vector<16xf32>
    %select_n3A_881 = arith.select %eq3A_876, %broadcast_in_dim3A_880, %select_n3A_842 : vector<16xi1>, vector<16xf32>
    %eq3A_882 = arith.constant 13 : i32
    %eq3A_883 = vector.broadcast %eq3A_882 : i32 to vector<16xi32>
    %eq3A_884 = arith.cmpi eq, %iota3A, %eq3A_883 : vector<16xi32>
    %broadcast_in_dim3A_885 = vector.broadcast %reduce_max3A_856 : f32 to vector<16xf32>
    %select_n3A_886 = arith.select %eq3A_884, %broadcast_in_dim3A_885, %select_n3A_881 : vector<16xi1>, vector<16xf32>
    %add3A_887 = arith.constant 624 : i32
    %add3A_888 = arith.addi %add3A_887, %reduce_min3A_873 : i32
    %add3A_889 = vector.broadcast %add3A_888 : i32 to vector<16xi32>
    %add3A_890 = arith.addi %broadcast_in_dim3A_12, %add3A_889 : vector<16xi32>
    %gather3A_891 = tpu.vector_load_idx %arg7[%add3A_890] : memref<4528xf32, #tpu.memory_space<vmem>>[vector<16xi32>], vector<16xf32>,
    %add3A_892 = arith.constant 896 : i32
    %add3A_893 = vector.broadcast %add3A_892 : i32 to vector<16xi32>
    %add3A_894 = arith.addi %add3A_890, %add3A_893 : vector<16xi32>
    %gather3A_895 = tpu.vector_load_idx %arg7[%add3A_894] : memref<4528xf32, #tpu.memory_space<vmem>>[vector<16xi32>], vector<16xf32>,
    %add3A_896 = arith.constant 1792 : i32
    %add3A_897 = vector.broadcast %add3A_896 : i32 to vector<16xi32>
    %add3A_898 = arith.addi %add3A_890, %add3A_897 : vector<16xi32>
    %gather3A_899 = tpu.vector_load_idx %arg7[%add3A_898] : memref<4528xf32, #tpu.memory_space<vmem>>[vector<16xi32>], vector<16xf32>,
    %add3A_900 = arith.constant 2688 : i32
    %add3A_901 = vector.broadcast %add3A_900 : i32 to vector<16xi32>
    %add3A_902 = arith.addi %add3A_890, %add3A_901 : vector<16xi32>
    %gather3A_903 = tpu.vector_load_idx %arg7[%add3A_902] : memref<4528xf32, #tpu.memory_space<vmem>>[vector<16xi32>], vector<16xf32>,
    %add3A_904 = arith.constant 3584 : i32
    %add3A_905 = vector.broadcast %add3A_904 : i32 to vector<16xi32>
    %add3A_906 = arith.addi %add3A_890, %add3A_905 : vector<16xi32>
    %gather3A_907 = tpu.vector_load_idx %arg7[%add3A_906] : memref<4528xf32, #tpu.memory_space<vmem>>[vector<16xi32>], vector<16xf32>,
    %mul3A_908 = arith.mulf %get3A_844, %gather3A_907 : vector<16xf32>
    %scan3A_909 = arith.constant 0 : i32
    %scan3A_910 = arith.constant 16 : i32
    %scan3A_911 = arith.addi %scan3A_909, %scan3A_910 : i32
    %scan3A_912 = arith.constant 2 : i32
    %scan3A_913:2 = scf.for %scan3A_1006 = %scan3A_909 to %scan3A_911 step %scan3A_912 iter_args(%scan3A_1007 = %broadcast_in_dim3A_10, %scan3A_1008 = %broadcast_in_dim3A_12) -> (vector<16xf32>, vector<16xi32>)  : i32 {
      %mul3A_1009 = arith.constant 16 : i32
      %mul3A_1010 = arith.muli %scan3A_1006, %mul3A_1009 : i32
      %add3A_1011 = arith.constant 624 : i32
      %add3A_1012 = arith.addi %add3A_1011, %mul3A_1010 : i32
      %get3A_1013 = arith.index_cast %add3A_1012 : i32 to index
      %get3A_1014 = tpu.vector_load %arg6[%get3A_1013] {strides = array<i32>} : memref<896xf32, #tpu.memory_space<vmem>>, vector<16xf32>,
      %get3A_1015 = arith.index_cast %add3A_1012 : i32 to index
      %get3A_1016 = tpu.vector_load %arg7[%get3A_1015] {strides = array<i32>} : memref<4528xf32, #tpu.memory_space<vmem>>, vector<16xf32>,
      %max3A_1017 = arith.maximumf %get3A_1016, %gather3A_891 : vector<16xf32>
      %add3A_1018 = arith.constant 896 : i32
      %add3A_1019 = arith.addi %add3A_1018, %add3A_1012 : i32
      %get3A_1020 = arith.index_cast %add3A_1019 : i32 to index
      %get3A_1021 = tpu.vector_load %arg7[%get3A_1020] {strides = array<i32>} : memref<4528xf32, #tpu.memory_space<vmem>>, vector<16xf32>,
      %max3A_1022 = arith.maximumf %get3A_1021, %gather3A_895 : vector<16xf32>
      %add3A_1023 = arith.constant 1792 : i32
      %add3A_1024 = arith.addi %add3A_1023, %add3A_1012 : i32
      %get3A_1025 = arith.index_cast %add3A_1024 : i32 to index
      %get3A_1026 = tpu.vector_load %arg7[%get3A_1025] {strides = array<i32>} : memref<4528xf32, #tpu.memory_space<vmem>>, vector<16xf32>,
      %min3A_1027 = arith.minimumf %get3A_1026, %gather3A_899 : vector<16xf32>
      %add3A_1028 = arith.constant 2688 : i32
      %add3A_1029 = arith.addi %add3A_1028, %add3A_1012 : i32
      %get3A_1030 = arith.index_cast %add3A_1029 : i32 to index
      %get3A_1031 = tpu.vector_load %arg7[%get3A_1030] {strides = array<i32>} : memref<4528xf32, #tpu.memory_space<vmem>>, vector<16xf32>,
      %min3A_1032 = arith.minimumf %get3A_1031, %gather3A_903 : vector<16xf32>
      %sub3A_1033 = arith.subf %min3A_1027, %max3A_1017 : vector<16xf32>
      %max3A_1034 = arith.constant 0.000000e+00 : f32
      %max3A_1035 = vector.broadcast %max3A_1034 : f32 to vector<16xf32>
      %max3A_1036 = arith.maximumf %sub3A_1033, %max3A_1035 : vector<16xf32>
      %sub3A_1037 = arith.subf %min3A_1032, %max3A_1022 : vector<16xf32>
      %max3A_1038 = arith.constant 0.000000e+00 : f32
      %max3A_1039 = vector.broadcast %max3A_1038 : f32 to vector<16xf32>
      %max3A_1040 = arith.maximumf %sub3A_1037, %max3A_1039 : vector<16xf32>
      %mul3A_1041 = arith.mulf %max3A_1036, %max3A_1040 : vector<16xf32>
      %mul3A_1042 = arith.mulf %get3A_844, %mul3A_1041 : vector<16xf32>
      %add3A_1043 = arith.addf %mul3A_1041, %mul3A_1042 : vector<16xf32>
      %add3A_1044 = arith.constant 3584 : i32
      %add3A_1045 = arith.addi %add3A_1044, %add3A_1012 : i32
      %get3A_1046 = arith.index_cast %add3A_1045 : i32 to index
      %get3A_1047 = tpu.vector_load %arg7[%get3A_1046] {strides = array<i32>} : memref<4528xf32, #tpu.memory_space<vmem>>, vector<16xf32>,
      %mul3A_1048 = arith.mulf %get3A_844, %get3A_1047 : vector<16xf32>
      %add3A_1049 = arith.addf %mul3A_1048, %mul3A_908 : vector<16xf32>
      %gt3A_1050 = arith.cmpf ogt, %add3A_1043, %add3A_1049 : vector<16xf32>
      %jit3A_1051 = arith.constant -1.000000e+30 : f32
      %broadcast_in_dim3A_1052 = vector.broadcast %jit3A_1051 : f32 to vector<16xf32>
      %select_n3A_1053 = arith.select %gt3A_1050, %broadcast_in_dim3A_1052, %get3A_1014 : vector<16xi1>, vector<16xf32>
      %swap3A_1054 = arith.index_cast %add3A_1012 : i32 to index
      %swap3A_1055 = tpu.vector_load %arg6[%swap3A_1054] {strides = array<i32>} : memref<896xf32, #tpu.memory_space<vmem>>, vector<16xf32>,
      tpu.vector_store %arg6[%swap3A_1054], %select_n3A_1053 {strides = array<i32>} : memref<896xf32, #tpu.memory_space<vmem>>, vector<16xf32>,
      %gt3A_1056 = arith.cmpf ogt, %select_n3A_1053, %scan3A_1007 : vector<16xf32>
      %select_n3A_1057 = arith.select %gt3A_1056, %select_n3A_1053, %scan3A_1007 : vector<16xi1>, vector<16xf32>
      %broadcast_in_dim3A_1058 = vector.broadcast %scan3A_1006 : i32 to vector<16xi32>
      %select_n3A_1059 = arith.select %gt3A_1056, %broadcast_in_dim3A_1058, %scan3A_1008 : vector<16xi1>, vector<16xi32>
      %scan3A_1060 = arith.constant 1 : i32
      %scan3A_1061 = arith.addi %scan3A_1006, %scan3A_1060 : i32
      %mul3A_1062 = arith.constant 16 : i32
      %mul3A_1063 = arith.muli %scan3A_1061, %mul3A_1062 : i32
      %add3A_1064 = arith.constant 624 : i32
      %add3A_1065 = arith.addi %add3A_1064, %mul3A_1063 : i32
      %get3A_1066 = arith.index_cast %add3A_1065 : i32 to index
      %get3A_1067 = tpu.vector_load %arg6[%get3A_1066] {strides = array<i32>} : memref<896xf32, #tpu.memory_space<vmem>>, vector<16xf32>,
      %get3A_1068 = arith.index_cast %add3A_1065 : i32 to index
      %get3A_1069 = tpu.vector_load %arg7[%get3A_1068] {strides = array<i32>} : memref<4528xf32, #tpu.memory_space<vmem>>, vector<16xf32>,
      %max3A_1070 = arith.maximumf %get3A_1069, %gather3A_891 : vector<16xf32>
      %add3A_1071 = arith.constant 896 : i32
      %add3A_1072 = arith.addi %add3A_1071, %add3A_1065 : i32
      %get3A_1073 = arith.index_cast %add3A_1072 : i32 to index
      %get3A_1074 = tpu.vector_load %arg7[%get3A_1073] {strides = array<i32>} : memref<4528xf32, #tpu.memory_space<vmem>>, vector<16xf32>,
      %max3A_1075 = arith.maximumf %get3A_1074, %gather3A_895 : vector<16xf32>
      %add3A_1076 = arith.constant 1792 : i32
      %add3A_1077 = arith.addi %add3A_1076, %add3A_1065 : i32
      %get3A_1078 = arith.index_cast %add3A_1077 : i32 to index
      %get3A_1079 = tpu.vector_load %arg7[%get3A_1078] {strides = array<i32>} : memref<4528xf32, #tpu.memory_space<vmem>>, vector<16xf32>,
      %min3A_1080 = arith.minimumf %get3A_1079, %gather3A_899 : vector<16xf32>
      %add3A_1081 = arith.constant 2688 : i32
      %add3A_1082 = arith.addi %add3A_1081, %add3A_1065 : i32
      %get3A_1083 = arith.index_cast %add3A_1082 : i32 to index
      %get3A_1084 = tpu.vector_load %arg7[%get3A_1083] {strides = array<i32>} : memref<4528xf32, #tpu.memory_space<vmem>>, vector<16xf32>,
      %min3A_1085 = arith.minimumf %get3A_1084, %gather3A_903 : vector<16xf32>
      %sub3A_1086 = arith.subf %min3A_1080, %max3A_1070 : vector<16xf32>
      %max3A_1087 = arith.constant 0.000000e+00 : f32
      %max3A_1088 = vector.broadcast %max3A_1087 : f32 to vector<16xf32>
      %max3A_1089 = arith.maximumf %sub3A_1086, %max3A_1088 : vector<16xf32>
      %sub3A_1090 = arith.subf %min3A_1085, %max3A_1075 : vector<16xf32>
      %max3A_1091 = arith.constant 0.000000e+00 : f32
      %max3A_1092 = vector.broadcast %max3A_1091 : f32 to vector<16xf32>
      %max3A_1093 = arith.maximumf %sub3A_1090, %max3A_1092 : vector<16xf32>
      %mul3A_1094 = arith.mulf %max3A_1089, %max3A_1093 : vector<16xf32>
      %mul3A_1095 = arith.mulf %get3A_844, %mul3A_1094 : vector<16xf32>
      %add3A_1096 = arith.addf %mul3A_1094, %mul3A_1095 : vector<16xf32>
      %add3A_1097 = arith.constant 3584 : i32
      %add3A_1098 = arith.addi %add3A_1097, %add3A_1065 : i32
      %get3A_1099 = arith.index_cast %add3A_1098 : i32 to index
      %get3A_1100 = tpu.vector_load %arg7[%get3A_1099] {strides = array<i32>} : memref<4528xf32, #tpu.memory_space<vmem>>, vector<16xf32>,
      %mul3A_1101 = arith.mulf %get3A_844, %get3A_1100 : vector<16xf32>
      %add3A_1102 = arith.addf %mul3A_1101, %mul3A_908 : vector<16xf32>
      %gt3A_1103 = arith.cmpf ogt, %add3A_1096, %add3A_1102 : vector<16xf32>
      %jit3A_1104 = arith.constant -1.000000e+30 : f32
      %broadcast_in_dim3A_1105 = vector.broadcast %jit3A_1104 : f32 to vector<16xf32>
      %select_n3A_1106 = arith.select %gt3A_1103, %broadcast_in_dim3A_1105, %get3A_1067 : vector<16xi1>, vector<16xf32>
      %swap3A_1107 = arith.index_cast %add3A_1065 : i32 to index
      %swap3A_1108 = tpu.vector_load %arg6[%swap3A_1107] {strides = array<i32>} : memref<896xf32, #tpu.memory_space<vmem>>, vector<16xf32>,
      tpu.vector_store %arg6[%swap3A_1107], %select_n3A_1106 {strides = array<i32>} : memref<896xf32, #tpu.memory_space<vmem>>, vector<16xf32>,
      %gt3A_1109 = arith.cmpf ogt, %select_n3A_1106, %select_n3A_1057 : vector<16xf32>
      %select_n3A_1110 = arith.select %gt3A_1109, %select_n3A_1106, %select_n3A_1057 : vector<16xi1>, vector<16xf32>
      %broadcast_in_dim3A_1111 = vector.broadcast %scan3A_1061 : i32 to vector<16xi32>
      %select_n3A_1112 = arith.select %gt3A_1109, %broadcast_in_dim3A_1111, %select_n3A_1059 : vector<16xi1>, vector<16xi32>
      scf.yield %select_n3A_1110, %select_n3A_1112 : vector<16xf32>, vector<16xi32>
    }
    %scan3A_914 = arith.constant 16 : i32
    %scan3A_915 = arith.addi %scan3A_909, %scan3A_914 : i32
    %mul3A_916 = arith.constant 16 : i32
    %mul3A_917 = arith.muli %scan3A_915, %mul3A_916 : i32
    %add3A_918 = arith.constant 624 : i32
    %add3A_919 = arith.addi %add3A_918, %mul3A_917 : i32
    %get3A_920 = arith.index_cast %add3A_919 : i32 to index
    %get3A_921 = tpu.vector_load %arg6[%get3A_920] {strides = array<i32>} : memref<896xf32, #tpu.memory_space<vmem>>, vector<16xf32>,
    %get3A_922 = arith.index_cast %add3A_919 : i32 to index
    %get3A_923 = tpu.vector_load %arg7[%get3A_922] {strides = array<i32>} : memref<4528xf32, #tpu.memory_space<vmem>>, vector<16xf32>,
    %max3A_924 = arith.maximumf %get3A_923, %gather3A_891 : vector<16xf32>
    %add3A_925 = arith.constant 896 : i32
    %add3A_926 = arith.addi %add3A_925, %add3A_919 : i32
    %get3A_927 = arith.index_cast %add3A_926 : i32 to index
    %get3A_928 = tpu.vector_load %arg7[%get3A_927] {strides = array<i32>} : memref<4528xf32, #tpu.memory_space<vmem>>, vector<16xf32>,
    %max3A_929 = arith.maximumf %get3A_928, %gather3A_895 : vector<16xf32>
    %add3A_930 = arith.constant 1792 : i32
    %add3A_931 = arith.addi %add3A_930, %add3A_919 : i32
    %get3A_932 = arith.index_cast %add3A_931 : i32 to index
    %get3A_933 = tpu.vector_load %arg7[%get3A_932] {strides = array<i32>} : memref<4528xf32, #tpu.memory_space<vmem>>, vector<16xf32>,
    %min3A_934 = arith.minimumf %get3A_933, %gather3A_899 : vector<16xf32>
    %add3A_935 = arith.constant 2688 : i32
    %add3A_936 = arith.addi %add3A_935, %add3A_919 : i32
    %get3A_937 = arith.index_cast %add3A_936 : i32 to index
    %get3A_938 = tpu.vector_load %arg7[%get3A_937] {strides = array<i32>} : memref<4528xf32, #tpu.memory_space<vmem>>, vector<16xf32>,
    %min3A_939 = arith.minimumf %get3A_938, %gather3A_903 : vector<16xf32>
    %sub3A_940 = arith.subf %min3A_934, %max3A_924 : vector<16xf32>
    %max3A_941 = arith.constant 0.000000e+00 : f32
    %max3A_942 = vector.broadcast %max3A_941 : f32 to vector<16xf32>
    %max3A_943 = arith.maximumf %sub3A_940, %max3A_942 : vector<16xf32>
    %sub3A_944 = arith.subf %min3A_939, %max3A_929 : vector<16xf32>
    %max3A_945 = arith.constant 0.000000e+00 : f32
    %max3A_946 = vector.broadcast %max3A_945 : f32 to vector<16xf32>
    %max3A_947 = arith.maximumf %sub3A_944, %max3A_946 : vector<16xf32>
    %mul3A_948 = arith.mulf %max3A_943, %max3A_947 : vector<16xf32>
    %mul3A_949 = arith.mulf %get3A_844, %mul3A_948 : vector<16xf32>
    %add3A_950 = arith.addf %mul3A_948, %mul3A_949 : vector<16xf32>
    %add3A_951 = arith.constant 3584 : i32
    %add3A_952 = arith.addi %add3A_951, %add3A_919 : i32
    %get3A_953 = arith.index_cast %add3A_952 : i32 to index
    %get3A_954 = tpu.vector_load %arg7[%get3A_953] {strides = array<i32>} : memref<4528xf32, #tpu.memory_space<vmem>>, vector<16xf32>,
    %mul3A_955 = arith.mulf %get3A_844, %get3A_954 : vector<16xf32>
    %add3A_956 = arith.addf %mul3A_955, %mul3A_908 : vector<16xf32>
    %gt3A_957 = arith.cmpf ogt, %add3A_950, %add3A_956 : vector<16xf32>
    %jit3A_958 = arith.constant -1.000000e+30 : f32
    %broadcast_in_dim3A_959 = vector.broadcast %jit3A_958 : f32 to vector<16xf32>
    %select_n3A_960 = arith.select %gt3A_957, %broadcast_in_dim3A_959, %get3A_921 : vector<16xi1>, vector<16xf32>
    %swap3A_961 = arith.index_cast %add3A_919 : i32 to index
    %swap3A_962 = tpu.vector_load %arg6[%swap3A_961] {strides = array<i32>} : memref<896xf32, #tpu.memory_space<vmem>>, vector<16xf32>,
    tpu.vector_store %arg6[%swap3A_961], %select_n3A_960 {strides = array<i32>} : memref<896xf32, #tpu.memory_space<vmem>>, vector<16xf32>,
    %gt3A_963 = arith.cmpf ogt, %select_n3A_960, %scan3A_913#0 : vector<16xf32>
    %select_n3A_964 = arith.select %gt3A_963, %select_n3A_960, %scan3A_913#0 : vector<16xi1>, vector<16xf32>
    %broadcast_in_dim3A_965 = vector.broadcast %scan3A_915 : i32 to vector<16xi32>
    %select_n3A_966 = arith.select %gt3A_963, %broadcast_in_dim3A_965, %scan3A_913#1 : vector<16xi1>, vector<16xi32>
    %scan3A_967 = arith.constant 17 : i32
    %reduce_max3A_968 = arith.constant true
    %reduce_max3A_969 = vector.broadcast %reduce_max3A_968 : i1 to vector<16xi1>
    %reduce_max3A_970 = tpu.scan <max>, %select_n3A_964 masked %reduce_max3A_969 : vector<16xf32>, vector<16xi1> -> vector<16xf32>
    %reduce_max3A_971 = vector.extract %reduce_max3A_970[15] : f32 from vector<16xf32>
    %mul3A_972 = arith.constant 16 : i32
    %mul3A_973 = vector.broadcast %mul3A_972 : i32 to vector<16xi32>
    %mul3A_974 = arith.muli %select_n3A_966, %mul3A_973 : vector<16xi32>
    %add3A_975 = arith.addi %mul3A_974, %iota3A : vector<16xi32>
    %eq3A_976 = vector.broadcast %reduce_max3A_971 : f32 to vector<16xf32>
    %eq3A_977 = arith.cmpf oeq, %select_n3A_964, %eq3A_976 : vector<16xf32>
    %jit3A_978 = arith.constant 1073741824 : i32
    %broadcast_in_dim3A_979 = vector.broadcast %jit3A_978 : i32 to vector<16xi32>
    %select_n3A_980 = arith.select %eq3A_977, %add3A_975, %broadcast_in_dim3A_979 : vector<16xi1>, vector<16xi32>
    %reduce_min3A_981 = arith.constant true
    %reduce_min3A_982 = vector.broadcast %reduce_min3A_981 : i1 to vector<16xi1>
    %reduce_min3A_983 = arith.constant -2147483648 : i32
    %reduce_min3A_984 = vector.broadcast %reduce_min3A_983 : i32 to vector<16xi32>
    %reduce_min3A_985 = arith.xori %select_n3A_980, %reduce_min3A_984 : vector<16xi32>
    %reduce_min3A_986 = tpu.scan <min>, %reduce_min3A_985 masked %reduce_min3A_982 : vector<16xi32>, vector<16xi1> -> vector<16xi32>
    %reduce_min3A_987 = arith.xori %reduce_min3A_986, %reduce_min3A_984 : vector<16xi32>
    %reduce_min3A_988 = vector.extract %reduce_min3A_987[15] : i32 from vector<16xi32>
    %eq3A_989 = arith.constant 6 : i32
    %eq3A_990 = vector.broadcast %eq3A_989 : i32 to vector<16xi32>
    %eq3A_991 = arith.cmpi eq, %iota3A, %eq3A_990 : vector<16xi32>
    %add3A_992 = arith.constant 602 : i32
    %add3A_993 = arith.addi %add3A_992, %reduce_min3A_988 : i32
    %convert_element_type3A_994 = arith.sitofp %add3A_993 : i32 to f32
    %broadcast_in_dim3A_995 = vector.broadcast %convert_element_type3A_994 : f32 to vector<16xf32>
    %select_n3A_996 = arith.select %eq3A_991, %broadcast_in_dim3A_995, %select_n3A_886 : vector<16xi1>, vector<16xf32>
    %eq3A_997 = arith.constant 14 : i32
    %eq3A_998 = vector.broadcast %eq3A_997 : i32 to vector<16xi32>
    %eq3A_999 = arith.cmpi eq, %iota3A, %eq3A_998 : vector<16xi32>
    %broadcast_in_dim3A_1000 = vector.broadcast %reduce_max3A_971 : f32 to vector<16xf32>
    %select_n3A_1001 = arith.select %eq3A_999, %broadcast_in_dim3A_1000, %select_n3A_996 : vector<16xi1>, vector<16xf32>
    %swap3A_1002 = arith.constant 16 : index
    %swap3A_1003 = tpu.vector_load %arg8[%swap3A_1002] {strides = array<i32>} : memref<32xf32, #tpu.memory_space<vmem>>, vector<16xf32>,
    tpu.vector_store %arg8[%swap3A_1002], %select_n3A_1001 {strides = array<i32>} : memref<32xf32, #tpu.memory_space<vmem>>, vector<16xf32>,
    %mul3A_1004 = arith.constant 16 : i32
    %mul3A_1005 = arith.muli %mul3A_2, %mul3A_1004 : i32
    "tpu.region"() ({
      %run_scoped3A = tpu.sem_alloc : memref<!tpu.dma_semaphore, #tpu.memory_space<semaphore_mem>>
      %dma_start3A_1006 = tpu.memref_slice %arg4[%mul3A_1005] : memref<1024xf32, #tpu.memory_space<hbm>> -> memref<32xf32, #tpu.memory_space<hbm>>
      %dma_start3A_1007 = tpu.memref_slice %arg4[%mul3A_1005] : memref<1024xf32, #tpu.memory_space<hbm>> -> memref<32xf32, #tpu.memory_space<hbm>>
      tpu.enqueue_dma source(%arg8 : memref<32xf32, #tpu.memory_space<vmem>>) target(%dma_start3A_1007 : memref<32xf32, #tpu.memory_space<hbm>>) target_semaphore(%run_scoped3A : memref<!tpu.dma_semaphore, #tpu.memory_space<semaphore_mem>>)
      %dma_wait3A_1008 = tpu.memref_slice %arg4[%mul3A_1005] : memref<1024xf32, #tpu.memory_space<hbm>> -> memref<32xf32, #tpu.memory_space<hbm>>
      %dma_wait3A_1009 = tpu.memref_slice %arg4[%mul3A_1005] : memref<1024xf32, #tpu.memory_space<hbm>> -> memref<32xf32, #tpu.memory_space<hbm>>
      tpu.wait_dma2 semaphore(%run_scoped3A : memref<!tpu.dma_semaphore, #tpu.memory_space<semaphore_mem>>) src(%arg8 : memref<32xf32, #tpu.memory_space<vmem>>) dst(%dma_wait3A_1009 : memref<32xf32, #tpu.memory_space<hbm>>)
      tpu.yield
    }) : () -> ()
    return
  }
}

module attributes {stable_mosaic.version = 14 : i64} {
  func.func @_tc_body(%arg0: i32, %arg1: memref<1x14x64x2048xf32, #tpu.memory_space<vmem>>, %arg2: memref<1x1x14x896xf32, #tpu.memory_space<vmem>>, %arg3: memref<1x896xf32, #tpu.memory_space<vmem>>, %arg4: memref<64x896xf32, #tpu.memory_space<vmem>>, %arg5: memref<64x896xf32, #tpu.memory_space<vmem>>) attributes {dimension_semantics = [#tpu.dimension_semantics<arbitrary>], iteration_bounds = array<i64: 14>, scalar_prefetch = 0 : i64, scratch_operands = 1 : i64, tpu.core_type = #tpu.core_type<tc>, window_params = [{transform_indices = @transform_0, window_bounds = array<i64: 1, 14, 64, 2048>}, {transform_indices = @transform_1, window_bounds = array<i64: 1, 1, 14, 896>}, {pipeline_mode = #tpu.pipeline_mode<synchronous>, transform_indices = @transform_2, window_bounds = array<i64: 1, 896>}, {pipeline_mode = #tpu.pipeline_mode<synchronous>, transform_indices = @transform_3, window_bounds = array<i64: 64, 896>}]} {
    %eq3A = arith.constant 0 : i32
    %eq3A_0 = arith.cmpi eq, %arg0, %eq3A : i32
    %convert_element_type3A = arith.extui %eq3A_0 : i1 to i32
    %cond3A = arith.constant 0 : i32
    %cond3A_1 = arith.cmpi ne, %convert_element_type3A, %cond3A : i32
    scf.if %cond3A_1 {
      %broadcast_in_dim3A_208 = arith.constant 0.000000e+00 : f32
      %broadcast_in_dim3A_209 = vector.broadcast %broadcast_in_dim3A_208 : f32 to vector<64x896xf32>
      %swap3A_210 = arith.constant 0 : index
      %swap3A_211 = arith.constant 0 : index
      %swap3A_212 = vector.load %arg5[%swap3A_210, %swap3A_211] : memref<64x896xf32, #tpu.memory_space<vmem>>, vector<64x896xf32>
      tpu.vector_store %arg5[%swap3A_210, %swap3A_211], %broadcast_in_dim3A_209 {strides = array<i32>} : memref<64x896xf32, #tpu.memory_space<vmem>>, vector<64x896xf32>,
    } else {
    }
    %get3A = arith.constant 0 : index
    %get3A_2 = arith.constant 0 : index
    %get3A_3 = vector.load %arg5[%get3A, %get3A_2] : memref<64x896xf32, #tpu.memory_space<vmem>>, vector<64x896xf32>
    %get3A_4 = arith.constant 0 : index
    %get3A_5 = arith.constant 0 : index
    %get3A_6 = arith.constant 0 : index
    %get3A_7 = arith.constant 0 : index
    %get3A_8 = vector.load %arg2[%get3A_4, %get3A_5, %get3A_6, %get3A_7] : memref<1x1x14x896xf32, #tpu.memory_space<vmem>>, vector<1x1x14x896xf32>
    %get3A_9 = vector.shape_cast %get3A_8 : vector<1x1x14x896xf32> to vector<14x896xf32>
    %get3A_10 = arith.constant 0 : index
    %get3A_11 = arith.constant 0 : index
    %get3A_12 = arith.constant 0 : index
    %get3A_13 = arith.constant 0 : index
    %get3A_14 = vector.load %arg1[%get3A_10, %get3A_11, %get3A_12, %get3A_13] : memref<1x14x64x2048xf32, #tpu.memory_space<vmem>>, vector<1x1x64x2048xf32>
    %get3A_15 = vector.shape_cast %get3A_14 : vector<1x1x64x2048xf32> to vector<64x2048xf32>
    %reduce_sum3A = arith.constant dense<0.000000e+00> : vector<64xf32>
    %reduce_sum3A_16 = vector.multi_reduction <add>, %get3A_15, %reduce_sum3A [1] : vector<64x2048xf32> to vector<64xf32>
    %broadcast_in_dim3A = vector.shape_cast %reduce_sum3A_16 : vector<64xf32> to vector<64x1xf32>
    %slice3A = vector.extract_strided_slice %get3A_9 {offsets = [0, 0], sizes = [1, 896], strides = [1, 1]} : vector<14x896xf32> to vector<1x896xf32>
    %mul3A = vector.broadcast %broadcast_in_dim3A : vector<64x1xf32> to vector<64x896xf32>
    %mul3A_17 = vector.broadcast %slice3A : vector<1x896xf32> to vector<64x896xf32>
    %mul3A_18 = arith.mulf %mul3A, %mul3A_17 : vector<64x896xf32>
    %add3A = arith.addf %get3A_3, %mul3A_18 : vector<64x896xf32>
    %get3A_19 = arith.constant 0 : index
    %get3A_20 = arith.constant 1 : index
    %get3A_21 = arith.constant 0 : index
    %get3A_22 = arith.constant 0 : index
    %get3A_23 = vector.load %arg1[%get3A_19, %get3A_20, %get3A_21, %get3A_22] : memref<1x14x64x2048xf32, #tpu.memory_space<vmem>>, vector<1x1x64x2048xf32>
    %get3A_24 = vector.shape_cast %get3A_23 : vector<1x1x64x2048xf32> to vector<64x2048xf32>
    %reduce_sum3A_25 = arith.constant dense<0.000000e+00> : vector<64xf32>
    %reduce_sum3A_26 = vector.multi_reduction <add>, %get3A_24, %reduce_sum3A_25 [1] : vector<64x2048xf32> to vector<64xf32>
    %broadcast_in_dim3A_27 = vector.shape_cast %reduce_sum3A_26 : vector<64xf32> to vector<64x1xf32>
    %slice3A_28 = vector.extract_strided_slice %get3A_9 {offsets = [1, 0], sizes = [1, 896], strides = [1, 1]} : vector<14x896xf32> to vector<1x896xf32>
    %mul3A_29 = vector.broadcast %broadcast_in_dim3A_27 : vector<64x1xf32> to vector<64x896xf32>
    %mul3A_30 = vector.broadcast %slice3A_28 : vector<1x896xf32> to vector<64x896xf32>
    %mul3A_31 = arith.mulf %mul3A_29, %mul3A_30 : vector<64x896xf32>
    %add3A_32 = arith.addf %add3A, %mul3A_31 : vector<64x896xf32>
    %get3A_33 = arith.constant 0 : index
    %get3A_34 = arith.constant 2 : index
    %get3A_35 = arith.constant 0 : index
    %get3A_36 = arith.constant 0 : index
    %get3A_37 = vector.load %arg1[%get3A_33, %get3A_34, %get3A_35, %get3A_36] : memref<1x14x64x2048xf32, #tpu.memory_space<vmem>>, vector<1x1x64x2048xf32>
    %get3A_38 = vector.shape_cast %get3A_37 : vector<1x1x64x2048xf32> to vector<64x2048xf32>
    %reduce_sum3A_39 = arith.constant dense<0.000000e+00> : vector<64xf32>
    %reduce_sum3A_40 = vector.multi_reduction <add>, %get3A_38, %reduce_sum3A_39 [1] : vector<64x2048xf32> to vector<64xf32>
    %broadcast_in_dim3A_41 = vector.shape_cast %reduce_sum3A_40 : vector<64xf32> to vector<64x1xf32>
    %slice3A_42 = vector.extract_strided_slice %get3A_9 {offsets = [2, 0], sizes = [1, 896], strides = [1, 1]} : vector<14x896xf32> to vector<1x896xf32>
    %mul3A_43 = vector.broadcast %broadcast_in_dim3A_41 : vector<64x1xf32> to vector<64x896xf32>
    %mul3A_44 = vector.broadcast %slice3A_42 : vector<1x896xf32> to vector<64x896xf32>
    %mul3A_45 = arith.mulf %mul3A_43, %mul3A_44 : vector<64x896xf32>
    %add3A_46 = arith.addf %add3A_32, %mul3A_45 : vector<64x896xf32>
    %get3A_47 = arith.constant 0 : index
    %get3A_48 = arith.constant 3 : index
    %get3A_49 = arith.constant 0 : index
    %get3A_50 = arith.constant 0 : index
    %get3A_51 = vector.load %arg1[%get3A_47, %get3A_48, %get3A_49, %get3A_50] : memref<1x14x64x2048xf32, #tpu.memory_space<vmem>>, vector<1x1x64x2048xf32>
    %get3A_52 = vector.shape_cast %get3A_51 : vector<1x1x64x2048xf32> to vector<64x2048xf32>
    %reduce_sum3A_53 = arith.constant dense<0.000000e+00> : vector<64xf32>
    %reduce_sum3A_54 = vector.multi_reduction <add>, %get3A_52, %reduce_sum3A_53 [1] : vector<64x2048xf32> to vector<64xf32>
    %broadcast_in_dim3A_55 = vector.shape_cast %reduce_sum3A_54 : vector<64xf32> to vector<64x1xf32>
    %slice3A_56 = vector.extract_strided_slice %get3A_9 {offsets = [3, 0], sizes = [1, 896], strides = [1, 1]} : vector<14x896xf32> to vector<1x896xf32>
    %mul3A_57 = vector.broadcast %broadcast_in_dim3A_55 : vector<64x1xf32> to vector<64x896xf32>
    %mul3A_58 = vector.broadcast %slice3A_56 : vector<1x896xf32> to vector<64x896xf32>
    %mul3A_59 = arith.mulf %mul3A_57, %mul3A_58 : vector<64x896xf32>
    %add3A_60 = arith.addf %add3A_46, %mul3A_59 : vector<64x896xf32>
    %get3A_61 = arith.constant 0 : index
    %get3A_62 = arith.constant 4 : index
    %get3A_63 = arith.constant 0 : index
    %get3A_64 = arith.constant 0 : index
    %get3A_65 = vector.load %arg1[%get3A_61, %get3A_62, %get3A_63, %get3A_64] : memref<1x14x64x2048xf32, #tpu.memory_space<vmem>>, vector<1x1x64x2048xf32>
    %get3A_66 = vector.shape_cast %get3A_65 : vector<1x1x64x2048xf32> to vector<64x2048xf32>
    %reduce_sum3A_67 = arith.constant dense<0.000000e+00> : vector<64xf32>
    %reduce_sum3A_68 = vector.multi_reduction <add>, %get3A_66, %reduce_sum3A_67 [1] : vector<64x2048xf32> to vector<64xf32>
    %broadcast_in_dim3A_69 = vector.shape_cast %reduce_sum3A_68 : vector<64xf32> to vector<64x1xf32>
    %slice3A_70 = vector.extract_strided_slice %get3A_9 {offsets = [4, 0], sizes = [1, 896], strides = [1, 1]} : vector<14x896xf32> to vector<1x896xf32>
    %mul3A_71 = vector.broadcast %broadcast_in_dim3A_69 : vector<64x1xf32> to vector<64x896xf32>
    %mul3A_72 = vector.broadcast %slice3A_70 : vector<1x896xf32> to vector<64x896xf32>
    %mul3A_73 = arith.mulf %mul3A_71, %mul3A_72 : vector<64x896xf32>
    %add3A_74 = arith.addf %add3A_60, %mul3A_73 : vector<64x896xf32>
    %get3A_75 = arith.constant 0 : index
    %get3A_76 = arith.constant 5 : index
    %get3A_77 = arith.constant 0 : index
    %get3A_78 = arith.constant 0 : index
    %get3A_79 = vector.load %arg1[%get3A_75, %get3A_76, %get3A_77, %get3A_78] : memref<1x14x64x2048xf32, #tpu.memory_space<vmem>>, vector<1x1x64x2048xf32>
    %get3A_80 = vector.shape_cast %get3A_79 : vector<1x1x64x2048xf32> to vector<64x2048xf32>
    %reduce_sum3A_81 = arith.constant dense<0.000000e+00> : vector<64xf32>
    %reduce_sum3A_82 = vector.multi_reduction <add>, %get3A_80, %reduce_sum3A_81 [1] : vector<64x2048xf32> to vector<64xf32>
    %broadcast_in_dim3A_83 = vector.shape_cast %reduce_sum3A_82 : vector<64xf32> to vector<64x1xf32>
    %slice3A_84 = vector.extract_strided_slice %get3A_9 {offsets = [5, 0], sizes = [1, 896], strides = [1, 1]} : vector<14x896xf32> to vector<1x896xf32>
    %mul3A_85 = vector.broadcast %broadcast_in_dim3A_83 : vector<64x1xf32> to vector<64x896xf32>
    %mul3A_86 = vector.broadcast %slice3A_84 : vector<1x896xf32> to vector<64x896xf32>
    %mul3A_87 = arith.mulf %mul3A_85, %mul3A_86 : vector<64x896xf32>
    %add3A_88 = arith.addf %add3A_74, %mul3A_87 : vector<64x896xf32>
    %get3A_89 = arith.constant 0 : index
    %get3A_90 = arith.constant 6 : index
    %get3A_91 = arith.constant 0 : index
    %get3A_92 = arith.constant 0 : index
    %get3A_93 = vector.load %arg1[%get3A_89, %get3A_90, %get3A_91, %get3A_92] : memref<1x14x64x2048xf32, #tpu.memory_space<vmem>>, vector<1x1x64x2048xf32>
    %get3A_94 = vector.shape_cast %get3A_93 : vector<1x1x64x2048xf32> to vector<64x2048xf32>
    %reduce_sum3A_95 = arith.constant dense<0.000000e+00> : vector<64xf32>
    %reduce_sum3A_96 = vector.multi_reduction <add>, %get3A_94, %reduce_sum3A_95 [1] : vector<64x2048xf32> to vector<64xf32>
    %broadcast_in_dim3A_97 = vector.shape_cast %reduce_sum3A_96 : vector<64xf32> to vector<64x1xf32>
    %slice3A_98 = vector.extract_strided_slice %get3A_9 {offsets = [6, 0], sizes = [1, 896], strides = [1, 1]} : vector<14x896xf32> to vector<1x896xf32>
    %mul3A_99 = vector.broadcast %broadcast_in_dim3A_97 : vector<64x1xf32> to vector<64x896xf32>
    %mul3A_100 = vector.broadcast %slice3A_98 : vector<1x896xf32> to vector<64x896xf32>
    %mul3A_101 = arith.mulf %mul3A_99, %mul3A_100 : vector<64x896xf32>
    %add3A_102 = arith.addf %add3A_88, %mul3A_101 : vector<64x896xf32>
    %get3A_103 = arith.constant 0 : index
    %get3A_104 = arith.constant 7 : index
    %get3A_105 = arith.constant 0 : index
    %get3A_106 = arith.constant 0 : index
    %get3A_107 = vector.load %arg1[%get3A_103, %get3A_104, %get3A_105, %get3A_106] : memref<1x14x64x2048xf32, #tpu.memory_space<vmem>>, vector<1x1x64x2048xf32>
    %get3A_108 = vector.shape_cast %get3A_107 : vector<1x1x64x2048xf32> to vector<64x2048xf32>
    %reduce_sum3A_109 = arith.constant dense<0.000000e+00> : vector<64xf32>
    %reduce_sum3A_110 = vector.multi_reduction <add>, %get3A_108, %reduce_sum3A_109 [1] : vector<64x2048xf32> to vector<64xf32>
    %broadcast_in_dim3A_111 = vector.shape_cast %reduce_sum3A_110 : vector<64xf32> to vector<64x1xf32>
    %slice3A_112 = vector.extract_strided_slice %get3A_9 {offsets = [7, 0], sizes = [1, 896], strides = [1, 1]} : vector<14x896xf32> to vector<1x896xf32>
    %mul3A_113 = vector.broadcast %broadcast_in_dim3A_111 : vector<64x1xf32> to vector<64x896xf32>
    %mul3A_114 = vector.broadcast %slice3A_112 : vector<1x896xf32> to vector<64x896xf32>
    %mul3A_115 = arith.mulf %mul3A_113, %mul3A_114 : vector<64x896xf32>
    %add3A_116 = arith.addf %add3A_102, %mul3A_115 : vector<64x896xf32>
    %get3A_117 = arith.constant 0 : index
    %get3A_118 = arith.constant 8 : index
    %get3A_119 = arith.constant 0 : index
    %get3A_120 = arith.constant 0 : index
    %get3A_121 = vector.load %arg1[%get3A_117, %get3A_118, %get3A_119, %get3A_120] : memref<1x14x64x2048xf32, #tpu.memory_space<vmem>>, vector<1x1x64x2048xf32>
    %get3A_122 = vector.shape_cast %get3A_121 : vector<1x1x64x2048xf32> to vector<64x2048xf32>
    %reduce_sum3A_123 = arith.constant dense<0.000000e+00> : vector<64xf32>
    %reduce_sum3A_124 = vector.multi_reduction <add>, %get3A_122, %reduce_sum3A_123 [1] : vector<64x2048xf32> to vector<64xf32>
    %broadcast_in_dim3A_125 = vector.shape_cast %reduce_sum3A_124 : vector<64xf32> to vector<64x1xf32>
    %slice3A_126 = vector.extract_strided_slice %get3A_9 {offsets = [8, 0], sizes = [1, 896], strides = [1, 1]} : vector<14x896xf32> to vector<1x896xf32>
    %mul3A_127 = vector.broadcast %broadcast_in_dim3A_125 : vector<64x1xf32> to vector<64x896xf32>
    %mul3A_128 = vector.broadcast %slice3A_126 : vector<1x896xf32> to vector<64x896xf32>
    %mul3A_129 = arith.mulf %mul3A_127, %mul3A_128 : vector<64x896xf32>
    %add3A_130 = arith.addf %add3A_116, %mul3A_129 : vector<64x896xf32>
    %get3A_131 = arith.constant 0 : index
    %get3A_132 = arith.constant 9 : index
    %get3A_133 = arith.constant 0 : index
    %get3A_134 = arith.constant 0 : index
    %get3A_135 = vector.load %arg1[%get3A_131, %get3A_132, %get3A_133, %get3A_134] : memref<1x14x64x2048xf32, #tpu.memory_space<vmem>>, vector<1x1x64x2048xf32>
    %get3A_136 = vector.shape_cast %get3A_135 : vector<1x1x64x2048xf32> to vector<64x2048xf32>
    %reduce_sum3A_137 = arith.constant dense<0.000000e+00> : vector<64xf32>
    %reduce_sum3A_138 = vector.multi_reduction <add>, %get3A_136, %reduce_sum3A_137 [1] : vector<64x2048xf32> to vector<64xf32>
    %broadcast_in_dim3A_139 = vector.shape_cast %reduce_sum3A_138 : vector<64xf32> to vector<64x1xf32>
    %slice3A_140 = vector.extract_strided_slice %get3A_9 {offsets = [9, 0], sizes = [1, 896], strides = [1, 1]} : vector<14x896xf32> to vector<1x896xf32>
    %mul3A_141 = vector.broadcast %broadcast_in_dim3A_139 : vector<64x1xf32> to vector<64x896xf32>
    %mul3A_142 = vector.broadcast %slice3A_140 : vector<1x896xf32> to vector<64x896xf32>
    %mul3A_143 = arith.mulf %mul3A_141, %mul3A_142 : vector<64x896xf32>
    %add3A_144 = arith.addf %add3A_130, %mul3A_143 : vector<64x896xf32>
    %get3A_145 = arith.constant 0 : index
    %get3A_146 = arith.constant 10 : index
    %get3A_147 = arith.constant 0 : index
    %get3A_148 = arith.constant 0 : index
    %get3A_149 = vector.load %arg1[%get3A_145, %get3A_146, %get3A_147, %get3A_148] : memref<1x14x64x2048xf32, #tpu.memory_space<vmem>>, vector<1x1x64x2048xf32>
    %get3A_150 = vector.shape_cast %get3A_149 : vector<1x1x64x2048xf32> to vector<64x2048xf32>
    %reduce_sum3A_151 = arith.constant dense<0.000000e+00> : vector<64xf32>
    %reduce_sum3A_152 = vector.multi_reduction <add>, %get3A_150, %reduce_sum3A_151 [1] : vector<64x2048xf32> to vector<64xf32>
    %broadcast_in_dim3A_153 = vector.shape_cast %reduce_sum3A_152 : vector<64xf32> to vector<64x1xf32>
    %slice3A_154 = vector.extract_strided_slice %get3A_9 {offsets = [10, 0], sizes = [1, 896], strides = [1, 1]} : vector<14x896xf32> to vector<1x896xf32>
    %mul3A_155 = vector.broadcast %broadcast_in_dim3A_153 : vector<64x1xf32> to vector<64x896xf32>
    %mul3A_156 = vector.broadcast %slice3A_154 : vector<1x896xf32> to vector<64x896xf32>
    %mul3A_157 = arith.mulf %mul3A_155, %mul3A_156 : vector<64x896xf32>
    %add3A_158 = arith.addf %add3A_144, %mul3A_157 : vector<64x896xf32>
    %get3A_159 = arith.constant 0 : index
    %get3A_160 = arith.constant 11 : index
    %get3A_161 = arith.constant 0 : index
    %get3A_162 = arith.constant 0 : index
    %get3A_163 = vector.load %arg1[%get3A_159, %get3A_160, %get3A_161, %get3A_162] : memref<1x14x64x2048xf32, #tpu.memory_space<vmem>>, vector<1x1x64x2048xf32>
    %get3A_164 = vector.shape_cast %get3A_163 : vector<1x1x64x2048xf32> to vector<64x2048xf32>
    %reduce_sum3A_165 = arith.constant dense<0.000000e+00> : vector<64xf32>
    %reduce_sum3A_166 = vector.multi_reduction <add>, %get3A_164, %reduce_sum3A_165 [1] : vector<64x2048xf32> to vector<64xf32>
    %broadcast_in_dim3A_167 = vector.shape_cast %reduce_sum3A_166 : vector<64xf32> to vector<64x1xf32>
    %slice3A_168 = vector.extract_strided_slice %get3A_9 {offsets = [11, 0], sizes = [1, 896], strides = [1, 1]} : vector<14x896xf32> to vector<1x896xf32>
    %mul3A_169 = vector.broadcast %broadcast_in_dim3A_167 : vector<64x1xf32> to vector<64x896xf32>
    %mul3A_170 = vector.broadcast %slice3A_168 : vector<1x896xf32> to vector<64x896xf32>
    %mul3A_171 = arith.mulf %mul3A_169, %mul3A_170 : vector<64x896xf32>
    %add3A_172 = arith.addf %add3A_158, %mul3A_171 : vector<64x896xf32>
    %get3A_173 = arith.constant 0 : index
    %get3A_174 = arith.constant 12 : index
    %get3A_175 = arith.constant 0 : index
    %get3A_176 = arith.constant 0 : index
    %get3A_177 = vector.load %arg1[%get3A_173, %get3A_174, %get3A_175, %get3A_176] : memref<1x14x64x2048xf32, #tpu.memory_space<vmem>>, vector<1x1x64x2048xf32>
    %get3A_178 = vector.shape_cast %get3A_177 : vector<1x1x64x2048xf32> to vector<64x2048xf32>
    %reduce_sum3A_179 = arith.constant dense<0.000000e+00> : vector<64xf32>
    %reduce_sum3A_180 = vector.multi_reduction <add>, %get3A_178, %reduce_sum3A_179 [1] : vector<64x2048xf32> to vector<64xf32>
    %broadcast_in_dim3A_181 = vector.shape_cast %reduce_sum3A_180 : vector<64xf32> to vector<64x1xf32>
    %slice3A_182 = vector.extract_strided_slice %get3A_9 {offsets = [12, 0], sizes = [1, 896], strides = [1, 1]} : vector<14x896xf32> to vector<1x896xf32>
    %mul3A_183 = vector.broadcast %broadcast_in_dim3A_181 : vector<64x1xf32> to vector<64x896xf32>
    %mul3A_184 = vector.broadcast %slice3A_182 : vector<1x896xf32> to vector<64x896xf32>
    %mul3A_185 = arith.mulf %mul3A_183, %mul3A_184 : vector<64x896xf32>
    %add3A_186 = arith.addf %add3A_172, %mul3A_185 : vector<64x896xf32>
    %get3A_187 = arith.constant 0 : index
    %get3A_188 = arith.constant 13 : index
    %get3A_189 = arith.constant 0 : index
    %get3A_190 = arith.constant 0 : index
    %get3A_191 = vector.load %arg1[%get3A_187, %get3A_188, %get3A_189, %get3A_190] : memref<1x14x64x2048xf32, #tpu.memory_space<vmem>>, vector<1x1x64x2048xf32>
    %get3A_192 = vector.shape_cast %get3A_191 : vector<1x1x64x2048xf32> to vector<64x2048xf32>
    %reduce_sum3A_193 = arith.constant dense<0.000000e+00> : vector<64xf32>
    %reduce_sum3A_194 = vector.multi_reduction <add>, %get3A_192, %reduce_sum3A_193 [1] : vector<64x2048xf32> to vector<64xf32>
    %broadcast_in_dim3A_195 = vector.shape_cast %reduce_sum3A_194 : vector<64xf32> to vector<64x1xf32>
    %slice3A_196 = vector.extract_strided_slice %get3A_9 {offsets = [13, 0], sizes = [1, 896], strides = [1, 1]} : vector<14x896xf32> to vector<1x896xf32>
    %mul3A_197 = vector.broadcast %broadcast_in_dim3A_195 : vector<64x1xf32> to vector<64x896xf32>
    %mul3A_198 = vector.broadcast %slice3A_196 : vector<1x896xf32> to vector<64x896xf32>
    %mul3A_199 = arith.mulf %mul3A_197, %mul3A_198 : vector<64x896xf32>
    %add3A_200 = arith.addf %add3A_186, %mul3A_199 : vector<64x896xf32>
    %swap3A = arith.constant 0 : index
    %swap3A_201 = arith.constant 0 : index
    %swap3A_202 = vector.load %arg5[%swap3A, %swap3A_201] : memref<64x896xf32, #tpu.memory_space<vmem>>, vector<64x896xf32>
    tpu.vector_store %arg5[%swap3A, %swap3A_201], %add3A_200 {strides = array<i32>} : memref<64x896xf32, #tpu.memory_space<vmem>>, vector<64x896xf32>,
    %eq3A_203 = arith.constant 13 : i32
    %eq3A_204 = arith.cmpi eq, %arg0, %eq3A_203 : i32
    %convert_element_type3A_205 = arith.extui %eq3A_204 : i1 to i32
    %cond3A_206 = arith.constant 0 : i32
    %cond3A_207 = arith.cmpi ne, %convert_element_type3A_205, %cond3A_206 : i32
    scf.if %cond3A_207 {
      %get3A_208 = arith.constant 0 : index
      %get3A_209 = arith.constant 0 : index
      %get3A_210 = vector.load %arg5[%get3A_208, %get3A_209] : memref<64x896xf32, #tpu.memory_space<vmem>>, vector<64x896xf32>
      %get3A_211 = arith.constant 0 : index
      %get3A_212 = arith.constant 0 : index
      %get3A_213 = vector.load %arg3[%get3A_211, %get3A_212] : memref<1x896xf32, #tpu.memory_space<vmem>>, vector<1x896xf32>
      %add3A_214 = vector.broadcast %get3A_213 : vector<1x896xf32> to vector<64x896xf32>
      %add3A_215 = arith.addf %get3A_210, %add3A_214 : vector<64x896xf32>
      %swap3A_216 = arith.constant 0 : index
      %swap3A_217 = arith.constant 0 : index
      %swap3A_218 = vector.load %arg4[%swap3A_216, %swap3A_217] : memref<64x896xf32, #tpu.memory_space<vmem>>, vector<64x896xf32>
      tpu.vector_store %arg4[%swap3A_216, %swap3A_217], %add3A_215 {strides = array<i32>} : memref<64x896xf32, #tpu.memory_space<vmem>>, vector<64x896xf32>,
    } else {
    }
    return
  }
  func.func @transform_0(%arg0: i32) -> (i32, i32, i32, i32) {
    %jit3A = arith.constant 1 : i32
    %div3A = arith.divsi %arg0, %jit3A : i32
    %sign3A = arith.constant 0 : i32
    %sign3A_0 = arith.cmpi sgt, %arg0, %sign3A : i32
    %sign3A_1 = arith.extui %sign3A_0 : i1 to i32
    %sign3A_2 = arith.constant 0 : i32
    %sign3A_3 = arith.cmpi slt, %arg0, %sign3A_2 : i32
    %sign3A_4 = arith.extui %sign3A_3 : i1 to i32
    %sign3A_5 = arith.subi %sign3A_1, %sign3A_4 : i32
    %sign3A_6 = arith.constant 0 : i32
    %sign3A_7 = arith.cmpi sgt, %jit3A, %sign3A_6 : i32
    %sign3A_8 = arith.extui %sign3A_7 : i1 to i32
    %sign3A_9 = arith.constant 0 : i32
    %sign3A_10 = arith.cmpi slt, %jit3A, %sign3A_9 : i32
    %sign3A_11 = arith.extui %sign3A_10 : i1 to i32
    %sign3A_12 = arith.subi %sign3A_8, %sign3A_11 : i32
    %ne3A = arith.cmpi ne, %sign3A_5, %sign3A_12 : i32
    %rem3A = arith.remsi %arg0, %jit3A : i32
    %ne3A_13 = arith.constant 0 : i32
    %ne3A_14 = arith.cmpi ne, %rem3A, %ne3A_13 : i32
    %and3A = arith.andi %ne3A, %ne3A_14 : i1
    %sub3A = arith.constant 1 : i32
    %sub3A_15 = arith.subi %div3A, %sub3A : i32
    %select_n3A = arith.select %and3A, %sub3A_15, %div3A : i32
    %jit3A_16 = arith.constant 1 : i32
    %eq3A = arith.constant 0 : i32
    %eq3A_17 = arith.cmpi eq, %jit3A_16, %eq3A : i32
    %jit3A_18 = arith.constant 1 : i32
    %select_n3A_19 = arith.select %eq3A_17, %jit3A_18, %jit3A_16 : i32
    %rem3A_20 = arith.remsi %arg0, %select_n3A_19 : i32
    %ne3A_21 = arith.constant 0 : i32
    %ne3A_22 = arith.cmpi ne, %rem3A_20, %ne3A_21 : i32
    %lt3A = arith.constant 0 : i32
    %lt3A_23 = arith.cmpi slt, %rem3A_20, %lt3A : i32
    %lt3A_24 = arith.constant 0 : i32
    %lt3A_25 = arith.cmpi slt, %select_n3A_19, %lt3A_24 : i32
    %ne3A_26 = arith.xori %lt3A_23, %lt3A_25 : i1
    %and3A_27 = arith.andi %ne3A_26, %ne3A_22 : i1
    %add3A = arith.addi %rem3A_20, %select_n3A_19 : i32
    %select_n3A_28 = arith.select %and3A_27, %add3A, %rem3A_20 : i32
    %c0_i32 = arith.constant 0 : i32
    %c0_i32_29 = arith.constant 0 : i32
    %c0_i32_30 = arith.constant 0 : i32
    return %select_n3A, %select_n3A_28, %c0_i32, %c0_i32_29 : i32, i32, i32, i32
  }
  func.func @transform_1(%arg0: i32) -> (i32, i32, i32, i32) {
    %jit3A = arith.constant 1 : i32
    %div3A = arith.divsi %arg0, %jit3A : i32
    %sign3A = arith.constant 0 : i32
    %sign3A_0 = arith.cmpi sgt, %arg0, %sign3A : i32
    %sign3A_1 = arith.extui %sign3A_0 : i1 to i32
    %sign3A_2 = arith.constant 0 : i32
    %sign3A_3 = arith.cmpi slt, %arg0, %sign3A_2 : i32
    %sign3A_4 = arith.extui %sign3A_3 : i1 to i32
    %sign3A_5 = arith.subi %sign3A_1, %sign3A_4 : i32
    %sign3A_6 = arith.constant 0 : i32
    %sign3A_7 = arith.cmpi sgt, %jit3A, %sign3A_6 : i32
    %sign3A_8 = arith.extui %sign3A_7 : i1 to i32
    %sign3A_9 = arith.constant 0 : i32
    %sign3A_10 = arith.cmpi slt, %jit3A, %sign3A_9 : i32
    %sign3A_11 = arith.extui %sign3A_10 : i1 to i32
    %sign3A_12 = arith.subi %sign3A_8, %sign3A_11 : i32
    %ne3A = arith.cmpi ne, %sign3A_5, %sign3A_12 : i32
    %rem3A = arith.remsi %arg0, %jit3A : i32
    %ne3A_13 = arith.constant 0 : i32
    %ne3A_14 = arith.cmpi ne, %rem3A, %ne3A_13 : i32
    %and3A = arith.andi %ne3A, %ne3A_14 : i1
    %sub3A = arith.constant 1 : i32
    %sub3A_15 = arith.subi %div3A, %sub3A : i32
    %select_n3A = arith.select %and3A, %sub3A_15, %div3A : i32
    %jit3A_16 = arith.constant 1 : i32
    %eq3A = arith.constant 0 : i32
    %eq3A_17 = arith.cmpi eq, %jit3A_16, %eq3A : i32
    %jit3A_18 = arith.constant 1 : i32
    %select_n3A_19 = arith.select %eq3A_17, %jit3A_18, %jit3A_16 : i32
    %rem3A_20 = arith.remsi %arg0, %select_n3A_19 : i32
    %ne3A_21 = arith.constant 0 : i32
    %ne3A_22 = arith.cmpi ne, %rem3A_20, %ne3A_21 : i32
    %lt3A = arith.constant 0 : i32
    %lt3A_23 = arith.cmpi slt, %rem3A_20, %lt3A : i32
    %lt3A_24 = arith.constant 0 : i32
    %lt3A_25 = arith.cmpi slt, %select_n3A_19, %lt3A_24 : i32
    %ne3A_26 = arith.xori %lt3A_23, %lt3A_25 : i1
    %and3A_27 = arith.andi %ne3A_26, %ne3A_22 : i1
    %add3A = arith.addi %rem3A_20, %select_n3A_19 : i32
    %select_n3A_28 = arith.select %and3A_27, %add3A, %rem3A_20 : i32
    %c0_i32 = arith.constant 0 : i32
    %c0_i32_29 = arith.constant 0 : i32
    %c0_i32_30 = arith.constant 0 : i32
    return %select_n3A, %select_n3A_28, %c0_i32, %c0_i32_29 : i32, i32, i32, i32
  }
  func.func @transform_2(%arg0: i32) -> (i32, i32) {
    %c0_i32 = arith.constant 0 : i32
    %c0_i32_0 = arith.constant 0 : i32
    %c0_i32_1 = arith.constant 0 : i32
    return %c0_i32, %c0_i32_0 : i32, i32
  }
  func.func @transform_3(%arg0: i32) -> (i32, i32) {
    %c0_i32 = arith.constant 0 : i32
    %c0_i32_0 = arith.constant 0 : i32
    %c0_i32_1 = arith.constant 0 : i32
    return %c0_i32, %c0_i32_0 : i32, i32
  }
}

</mosaic_0001>

<sc_bundles>
// kernel: kernel.4.cloned.1.call-start
scs
__scs_entry_jumppad:
0x0: {  	(pc) =	sbr.rel $0x88, $3  }
0x1: {  	(tag) =	ssettag $0x0;
	lr =	simm.s32 $0x1  }
0x2: {  	[smem:$0x3F9F] =	sst lr;
	_ =	strace $0xD0000000  }
0x3: {  	_ = 	snop  }
0x4: {  	_ = 	snop  }
0x5: {  	_ = 	snop  }
0x6: {  	_ = 	snop  }
0x7: {  	_ = 	snop  }
__scs_overlays_trampoline_lowered:
0x8: {  	[smem:$0x3FAE] =	sst s0  }
0x9: {  	[smem:$0x3FAF] =	sst s1  }
0xa: {  	[smem:$0x3FB0] =	sst s2  }
0xb: {  	[smem:$0x3FB1] =	sst s3  }
0xc: {  	[smem:$0x3FB2] =	sst s4  }
0xd: {  	[smem:$0x3FB3] =	sst s5  }
0xe: {  	[smem:$0x3FB4] =	sst s6  }
0xf: {  	[smem:$0x3FB5] =	sst s7  }
0x10: {  	[smem:$0x3FB6] =	sst s8  }
0x11: {  	[smem:$0x3FB7] =	sst s9;
	s0 =	simm.s32 @!p0 $0x0  }
0x12: {  	s1 =	sld [smem:$0x3F9D];
	s0 =	simm.s32 @p0 $0x1  }
0x13: {  	[smem:$0x3FB8] =	sst s0;
	s0 =	simm.s32 @!p1 $0x0  }
0x14: {  	s2 =	sld [smem:$0x3F9C];
	s0 =	simm.s32 @p1 $0x1  }
0x15: {  	[smem:$0x3FB9] =	sst s0;
	s0 =	simm.s32 @!p2 $0x0  }
0x16: {  	s3 =	sld [smem:$0x3FDB];
	s0 =	simm.s32 @p2 $0x1  }
0x17: {  	s4 =	simm.s32 $0x1BF5;
	[smem:$0x3FBB] =	sst s0  }
0x18: {  	s0 =	sld [smem:$0x3F9E];
	_ =	swait.ge [sflag:s4], $0x0  }
0x19: {  	s7 =	sld [smem:$0x3F9F]  }
0x1a: {  	s8 =	sadd.s32 $0xFFFFE003, lr  }
0x1b: {  	s9 =	sadd.s32 $0xFFFFFEF7, lr;
	s5 =	simm.s32 $0xFFFFFFFF;
	p2 =	slt.u32 s8, $0xFFFFF086  }
0x1c: {  	p1 =	slt.u32 s9, $0xF7A;
	s5 =	simm.s32 @!p2 $0x0  }
0x1d: {  	s5 =	simm.s32 @p1 $0x1;
	p0 =	seq.s32 s7, s2  }
0x1e: {  	s7 =	smul.u32 @!p0 $0xF7A, s2;
	p2 =	seq.s32 @!p0 s5, $0x0  }
0x1f: {  	s9 =	smul.u32 $0xF7A, s1;
	s8 =	simm.s32 @!p0 $0x1BF5;
	p2 =	por !p2, p0  }
0x20: {  	[sflag:s8] =	ssyncset.s32 @!p0 $0xFFFFF086;
	s6 =	sadd.s32 @!p0 s3, s7;
	s7 =	simm.s32 @!p0 $0x108  }
0x21: {  	s3 =	sadd.s32 s3, s9;
	s6 =	sadd.s32 @!p0 $0x88, s6;
	s7 =	simm.s32 @p2 $0x1082  }
0x22: {  	[simem:s7], [sflag:s8] =	dma.local @!p0 [hbm:s6], $0xF7A  }
0x23: {  	s9 =	sor.u32 $0xD0000000, s2;
	s6 =	simm.s32 $0x108;
	_ =	swait.ge @!p0 [sflag:s8], $0x0  }
0x24: {  	s3 =	sadd.s32 $0x88, s3;
	s6 =	simm.s32 @!p1 $0x1082;
	[sflag:s4] =	ssyncset.s32 $0xFFFFF086  }
0x25: {  	[simem:s6], [sflag:s4] =	dma.local [hbm:s3], $0xF7A  }
0x26: {  	[smem:$0x3F9F] =	sst s1;
	(tag) =	ssettag s2;
	_ =	strace s9  }
0x27: {  	s1 =	sld [smem:$0x3FAF]  }
0x28: {  	s2 =	sld [smem:$0x3FB0]  }
0x29: {  	s4 =	sld [smem:$0x3FB2]  }
0x2a: {  	p0 =	seq.s32 s5, $0x0;
	s5 =	sld [smem:$0x3FB3]  }
0x2b: {  	s6 =	sld [smem:$0x3FB4]  }
0x2c: {  	s7 =	sld [smem:$0x3FB5]  }
0x2d: {  	s3 =	simm.s32 $0x108;
	s8 =	sld [smem:$0x3FB6]  }
0x2e: {  	s3 =	simm.s32 @!p0 $0x1082;
	s9 =	sld [smem:$0x3FB7]  }
0x2f: {  	lr =	sadd.s32 s0, s3;
	s0 =	sld [smem:$0x3FAE]  }
0x30: {  	s3 =	sld [smem:$0x3FB1]  }
0x31: {  	[smem:$0x3FBA] =	sst s10  }
0x32: {  	s10 =	sld [smem:$0x3FB8];
	_ =	sdelay $0x3  }
0x33: {  	p0 =	seq.s32 s10, $0x1;
	s10 =	sld [smem:$0x3FBA];
	_ =	sdelay $0x3  }
0x34: {  	[smem:$0x3FBA] =	sst s10  }
0x35: {  	s10 =	sld [smem:$0x3FB9];
	_ =	sdelay $0x3  }
0x36: {  	p1 =	seq.s32 s10, $0x1;
	s10 =	sld [smem:$0x3FBA];
	_ =	sdelay $0x3  }
0x37: {  	[smem:$0x3FBA] =	sst s10  }
0x38: {  	s10 =	sld [smem:$0x3FBB]  }
0x39: {  	_ = 	snop;
	(pc) =	sbr.ind lr, $3  }
0x3a: {  	_ = 	snop  }
0x3b: {  	_ = 	snop  }
0x3c: {  	p2 =	seq.s32 s10, $0x1;
	s10 =	sld [smem:$0x3FBA]  }
0x3d: {  	_ =	shalt  }
0x3e: {  	_ =	shalt  }
0x3f: {  	_ =	shalt  }
0x40: {  	_ =	shalt  }
0x41: {  	_ =	shalt  }
0x42: {  	_ =	shalt  }
0x43: {  	_ =	shalt  }
0x44: {  	_ =	shalt  }
0x45: {  	_ =	shalt  }
0x46: {  	_ =	shalt  }
0x47: {  	_ =	shalt  }
0x48: {  	_ =	shalt  }
0x49: {  	_ =	shalt  }
0x4a: {  	_ =	shalt  }
0x4b: {  	_ =	shalt  }
0x4c: {  	_ =	shalt  }
0x4d: {  	_ =	shalt  }
0x4e: {  	_ =	shalt  }
0x4f: {  	_ =	shalt  }
0x50: {  	_ =	shalt  }
0x51: {  	_ =	shalt  }
0x52: {  	_ =	shalt  }
0x53: {  	_ =	shalt  }
0x54: {  	_ =	shalt  }
0x55: {  	_ =	shalt  }
0x56: {  	_ =	shalt  }
0x57: {  	_ =	shalt  }
0x58: {  	_ =	shalt  }
0x59: {  	_ =	shalt  }
0x5a: {  	_ =	shalt  }
0x5b: {  	_ =	shalt  }
0x5c: {  	_ =	shalt  }
0x5d: {  	_ =	shalt  }
0x5e: {  	_ =	shalt  }
0x5f: {  	_ =	shalt  }
0x60: {  	_ =	shalt  }
0x61: {  	_ =	shalt  }
0x62: {  	_ =	shalt  }
0x63: {  	_ =	shalt  }
0x64: {  	_ =	shalt  }
0x65: {  	_ =	shalt  }
0x66: {  	_ =	shalt  }
0x67: {  	_ =	shalt  }
0x68: {  	_ =	shalt  }
0x69: {  	_ =	shalt  }
0x6a: {  	_ =	shalt  }
0x6b: {  	_ =	shalt  }
0x6c: {  	_ =	shalt  }
0x6d: {  	_ =	shalt  }
0x6e: {  	_ =	shalt  }
0x6f: {  	_ =	shalt  }
0x70: {  	_ =	shalt  }
0x71: {  	_ =	shalt  }
0x72: {  	_ =	shalt  }
0x73: {  	_ =	shalt  }
0x74: {  	_ =	shalt  }
0x75: {  	_ =	shalt  }
0x76: {  	_ =	shalt  }
0x77: {  	_ =	shalt  }
0x78: {  	_ =	shalt  }
0x79: {  	_ =	shalt  }
0x7a: {  	_ =	shalt  }
0x7b: {  	_ =	shalt  }
0x7c: {  	_ =	shalt  }
0x7d: {  	_ =	shalt  }
0x7e: {  	_ =	shalt  }
0x7f: {  	_ =	shalt  }
0x80: {  	_ =	shalt  }
0x81: {  	_ =	shalt  }
0x82: {  	_ =	shalt  }
0x83: {  	_ =	shalt  }
0x84: {  	_ =	shalt  }
0x85: {  	_ =	shalt  }
0x86: {  	_ =	shalt  }
0x87: {  	_ =	shalt  }
.Lfunc_end0:
.L_simem_size_0:
called_computation_lowered:
.L_overlay_start_0:
0x88: {  	s2 =	sld [smem:$0x3FD9]  }
0x89: {  	s3 =	sld [smem:$0x3FFE];
	_ =	sdelay $0x1  }
0x8a: {  	s1 =	srdreg.scid  }
0x8b: {  	s0 =	sand.u32 $0x1, s1  }
0x8c: {  	s14 =	sshll.u32 s0, $0xA;
	s2 =	sadd.s32 s3, s2  }
0x8d: {  	s2 =	sadd.s32 s2, s14  }
0x8e: {  	[smem:$0x3FC6] =	sst s2  }
0x8f: {  	_ = 	snop  }
0x90: {  	s2 =	sld [smem:$0x3FD0];
	_ =	sdelay $0x2  }
0x91: {  	s15 =	simm.s32 $0xA;
	s4 =	simm.s32 $0x10  }
0x92: {  	[smem:s4], [sflag:s15] =	dma.local [hbm:s2], $0x1  }
0x93: {  	_ =	swait.eq [sflag:s15], $0x1  }
0x94: {  	[sflag:s15] =	ssyncset.done $0x0  }
0x95: {  	[sflag:s15] =	ssyncadd.s32 $0xFFFFFFFF  }
0x96: {  	s16 =	sld [smem:$0x11];
	(tm) =	ssettm $0x1  }
0x97: {  	s17 =	sld [smem:$0x3FFB];
	_ =	sdelay $0x3  }
0x98: {  	_ =	strace s17  }
0x99: {  	s3 =	sld [smem:$0x3FFC];
	_ =	sdelay $0x3  }
0x9a: {  	_ =	strace s3  }
0x9b: {  	s3 =	sld [smem:$0x3FFD];
	_ =	sdelay $0x3  }
0x9c: {  	_ =	strace s3  }
0x9d: {  	_ =	strace $0x8FFFFFFF  }
0x9e: {  	s18 =	sld [smem:$0x3FDB];
	_ =	sdelay $0x1  }
0x9f: {  	s19 =	simm.s32 $_scs_section_size  }
0xa0: {  	s5 =	simm.s32 $_size__tile_overlayer_lowered;
	s6 =	simm.s32 $_tile_overlayer_lowered  }
0xa1: {  	s22 =	simm.s32 $0x1BFF;
	s21 =	sshll.u32 s6, $0x1;
	s3 =	sadd.s32 s19, s18  }
0xa2: {  	s7 =	simm.s32 $0x0;
	s20 =	sshll.u32 s5, $0x1;
	s5 =	sadd.s32 s21, s3  }
0xa3: {  	[timem:s7], [sflag:s22] =	dma.local [hbm:s5], s20  }
0xa4: {  	_ =	swait.ge [sflag:s22], s20  }
0xa5: {  	s4 =	ssub.s32 $0x0, s20;
	[sflag:s22] =	ssyncset.done $0x0  }
0xa6: {  	[sflag:s22] =	ssyncadd.s32 s4;
	_ =	sdelay $0x1  }
0xa7: {  	s23 =	simm.s32 $0x1B8B  }
0xa8: {  	_ =	swait.ge [sflag:s23], $0x1  }
0xa9: {  	[sflag:s23] =	ssyncset.done $0x0  }
0xaa: {  	s25 =	simm.s32 $0x1B8E;
	s24 =	sld [smem:$0x3FFE];
	[sflag:s23] =	ssyncadd.s32 $0xFFFFFFFF  }
0xab: {  	s26 =	simm.s32 $execute0_lowered;
	[smem:$0x3FD2] =	sst s25  }
0xac: {  	s5 =	sshll.u32 s26, $0x1;
	_ =	strace $0x80000046;
	[dreg:$0x1] =	wrdreg $0xFFFFFFFF  }
0xad: {  	s28 =	simm.s32 $_size_execute0_lowered;
	s3 =	sadd.s32 s3, s5;
	[dreg:$0x0] =	wrdreg $0x0  }
0xae: {  	s5 =	sshll.u32 s28, $0x1;
	[dreg:$0x2] =	wrdreg s3  }
0xaf: {  	[dreg:$0x3] =	wrdreg s5  }
0xb0: {  	[dreg:$0x4] =	wrdreg $0xC0  }
0xb1: {  	_ =	task [dreg:s7], $0x5FFFF  }
0xb2: {  	[dreg:$0x1] =	wrdreg $0xFFFFFFFF  }
0xb3: {  	[dreg:$0x0] =	wrdreg $0x60  }
0xb4: {  	[dreg:$0x2] =	wrdreg s24  }
0xb5: {  	[dreg:$0x3] =	wrdreg s16  }
0xb6: {  	[dreg:$0x4] =	wrdreg $0x9  }
0xb7: {  	_ =	task.clear_ibuf [dreg:s7], $0x5FFFF;
	_ =	strace $0x90000046  }
0xb8: {  	s29 =	simm.s32 $0x9;
	_ =	strace $0x80000048  }
0xb9: {  	_ =	swait.ge [sflag:s29], $0x1  }
0xba: {  	[sflag:s29] =	ssyncadd.s32 $0xFFFFFFFF  }
0xbb: {  	_ =	strace $0x90000048  }
0xbc: {  	_ =	sfence  }
0xbd: {  	s30 =	sld [smem:$0x0];
	_ =	sdelay $0x2  }
0xbe: {  	s31 =	sshll.u32 s1, $0xD;
	s1 =	sshrl.u32 s1, $0x2  }
0xbf: {  	s3 =	sand.u32 $0x4000, s31;
	s1 =	sadd.s32 s1, s30  }
0xc0: {  	s0 =	sor.u32 s3, s0;
	s1 =	sshll.u32 s1, $0x11  }
0xc1: {  	s0 =	sor.u32 s1, s0  }
0xc2: {  	s0 =	sadd.s32 $0x8F2B, s0  }
0xc3: {  	[sflag:s0] =	ssyncadd.remote.s32 $0x1  }
0xc4: {  	_ =	sfence.sel $0xFFFF  }
0xc5: {  	[dreg:$0x0] =	wrdreg $0xFFFFFFFF;
	(pc) =	sbr.abs _section_cstart, $3  }
0xc6: {  	[dreg:$0x1] =	wrdreg $0xFFFFFFFF  }
0xc7: {  	_ =	task.clear_ibuf [dreg:s7], $0x2FFFF;
	_ =	strace $0x9FFFFFFF  }
0xc8: {  	(tm) =	ssettm $0x7FFFFFFF  }
0xc9: {  	_ =	shalt  }
tec
execute0_lowered:
.L_overlay_start_1:
0x0: {  	(tag) =	ssettag $0x1  }
0x1: {  	s3 =	rddreg [dreg:$0x0]  }
0x2: {  	s6 =	rddreg [dreg:$0x1]  }
0x3: {  	s0 =	rddreg [dreg:$0x2]  }
0x4: {  	s4 =	srdreg.scid;
	s1 =	stileid.u32;
	s2 =	simm.s32 $0x0  }
0x5: {  	s11 =	simm.s32 $0x1900;
	s4 =	sand.u32 $0x1, s4;
	s5 =	sshll.u32 s1, $0x1  }
0x6: {  	v0 =	vlaneseq.u32;
	s12 =	simm.s32 $0x0;
	[smem:$0x7FF] =	sst s2;
	s5 =	sor.u32 s4, s5  }
0x7: {  	vm1 =	vcmask $0x1F1C;
	vm2 =	vcmask $0x33C;
	vm0 =	vcmask $0x300;
	s8 =	sadd.s32 $0xE00, s3;
	s4 =	ssub.s32 $0x2, s4;
	s7 =	smul.u32 $0x700, s5  }
0x8: {  	vm3 =	vcmask $0x271C;
	vm4 =	vcmask $0xB3C;
	vm5 =	vcmask $0xF3C;
	s3 =	sadd.s32 $0x2A00, s3;
	s9 =	sshrl.u32 s4, $0x1;
	s10 =	smul.u32 $0xE0, s5  }
0x9: {  	vm6 =	vcmask $0x331C;
	vm7 =	vcmask $0x173C;
	v1 =	vor.u32 $0x80000000, v0;
	_ =	strace $0x80000047;
	s31 =	sshll.u32 s5, $0x2;
	s9 =	ssub.s32 s4, s9  }
0xa: {  	v2 =	vor.u32 $0x800000F0, v0;
	vm1 =	vmor vm2, vm1;
	vm2 =	vcmask $0x2724;
	s6 =	sadd.s32 s6, s31;
	s7 =	sshrl.u32 s7, $0x3;
	s5 =	sadd.s32 s8, s10  }
0xb: {  	vm3 =	vmor vm4, vm3;
	vm4 =	vcmask $0x2B1C;
	vm6 =	vmor vm7, vm6;
	s10 =	simm.s32 $0x2;
	s30 =	sadd.s32 s8, s7;
	s7 =	smax.u32 s9, $0x1  }
0xc: {  	vm7 =	vcmask $0x3B38;
	vm4 =	vmor vm5, vm4;
	vm5 =	vcmask $0x3330;
	s8 =	simm.s32 $0x380;
	s9 =	simm.s32 $0x700;
	s4 =	sadd.s32 $0x70, s30  }
.LBB2_1:
0xd: {  	[tilespmem:s8], [sflag:$0x1] =	stream.linear.gather [hbm4b:s4+s2], $0x380, $0x38;
	[tilespmem:$0x1980] =	vst v63  }
0xe: {  	_ = 	snop  }
0xf: {  	[tilespmem:s9], [sflag:$0x2] =	stream.linear.gather [hbm4b:s3+s2], $0x1200, $0x38;
	[tilespmem:$0x1980] =	vst v63  }
0x10: {  	_ =	swait.ge [sflag:s10], $0x1200  }
0x11: {  	[sflag:s10] =	ssyncset.done $0x0  }
0x12: {  	[sflag:s10] =	ssyncadd.s32 $0xFFFFEE00  }
0x13: {  	[tilespmem:s2], [sflag:$0x2] =	stream.linear.gather [hbm4b:s5+s2], $0x380, $0x38;
	[tilespmem:$0x1980] =	vst v63  }
0x14: {  	_ =	swait.ge [sflag:s10], $0x380  }
0x15: {  	[sflag:s10] =	ssyncset.done $0x0  }
0x16: {  	[sflag:s10] =	ssyncadd.s32 $0xFFFFFC80  }
0x17: {  	s15 =	simm.s32 $0x20;
	v6 =	vld [tilespmem:$0x0]  }
0x18: {  	v4 =	vld [tilespmem:s15+$0xFFFFFFF0];
	_ =	sdelay $0x1  }
0x19: {  	v5 =	vld [tilespmem:s15+$0x0];
	_ =	sdelay $0x2  }
0x1a: {  	s13 =	simm.s32 $0x1;
	v7 =	vimm.s32 $0x0;
	s14 =	simm.s32 $0x3;
	v3 =	vld [tilespmem:$0x1880];
	s15 =	simm.s32 $0x40;
	vm8 =	vgt.f32 v4, v6  }
.LBB2_2:
0x1b: {  	p0 =	slt.u32 s14, $0x15;
	v6 =	vsel vm8, v4, v6;
	v4 =	vld [tilespmem:s15+$0xFFFFFFF0];
	v7 =	vsel vm8, s13, v7;
	s16 =	smov.u32 s14;
	s14 =	sadd.s32 $0x2, s14  }
.Ltmp0:
0x1c: {  	s17 =	sadd.s32 $0x1, s13;
	vm8 =	vgt.f32 v5, v6;
	s13 =	smov.u32 s16;
	(pc) =	sbr.rel @p0 .LBB2_2-.Ltmp0, $2  }
0x1d: {  	v6 =	vsel vm8, v5, v6;
	v5 =	vld [tilespmem:s15+$0x0];
	v7 =	vsel vm8, s17, v7;
	_ =	sdelay $0x2  }
0x1e: {  	s15 =	sadd.s32 $0x20, s15;
	vm8 =	vgt.f32 v4, v6  }
0x1f: {  	v4 =	vsel vm8, v4, v6  }
0x20: {  	vm9 =	vgt.f32 v5, v4  }
0x21: {  	v4 =	vsel vm9, v5, v4  }
0x22: {  	(xrf0) =	vmax.scan.msk.f32 $0xffff, v4;
	_ =	sdelay $0x5  }
0x23: {  	s29 =	sadd.s32 $0x1, s13;
	v5 =	vsel vm8, s13, v7;
	v6, _, _ =	vpop (xrf0)  }
0x24: {  	v7 =	vsel vm9, s29, v5;
	v5 =	vbroadcast v6, $0xF  }
0x25: {  	v6 =	vshll.u32 v7, $0x4  }
0x26: {  	vm8 =	veq.f32 v4, v5;
	v4 =	vxor.u32 v1, v6  }
0x27: {  	v4 =	vnsel vm8, $0xC0000000, v4  }
0x28: {  	(xrf0) =	vmin.scan.msk.u32 $0xffff, v4;
	_ =	sdelay $0x5  }
0x29: {  	v4, _, _ =	vpop (xrf0)  }
0x2a: {  	(v2sf) =	vpush v4, $0xF;
	_ =	sdelay $0xe  }
0x2b: {  	s30 =	spop (v2sf)  }
0x2c: {  	s13 =	sxor.u32 $0x80000000, s30  }
0x2d: {  	s14 =	simm.s32 $0x710;
	s15 =	simm.s32 $0x0;
	v9 =	vmov s13  }
0x2e: {  	v10 =	vld [tilespmem:s14+$0xFFFFFFF0];
	s15 =	sand.u32 $0x1E0, s15;
	v6 =	vadd.s32 $0x380, v9  }
0x2f: {  	v11 =	vld [tilespmem:s15+$0x1180];
	v7 =	vadd.s32 $0x700, v9  }
0x30: {  	v12 =	vld [tilespmem:s15+$0xA80];
	v8 =	vadd.s32 $0xA80, v9  }
0x31: {  	v13 =	vld [tilespmem:s15+$0xE00]  }
0x32: {  	v4 =	vld.idx.msk [tilespmem:v9+s9+$0x0], $0xffff  }
0x33: {  	v6 =	vld.idx.msk [tilespmem:v6+s9+$0x0], $0xffff  }
0x34: {  	v7 =	vld.idx.msk [tilespmem:v7+s9+$0x0], $0xffff  }
0x35: {  	v9 =	vadd.s32 $0xE00, v9;
	v8 =	vld.idx.msk [tilespmem:v8+s9+$0x0], $0xffff;
	_ =	sdelay $0x3  }
0x36: {  	v10 =	vmax.f32 v10, v4  }
0x37: {  	v9 =	vld.idx.msk [tilespmem:v9+s9+$0x0], $0xffff;
	v11 =	vmin.f32 v11, v8;
	v12 =	vmax.f32 v12, v6;
	v13 =	vmin.f32 v13, v7  }
0x38: {  	v11 =	vsub.f32 v11, v12;
	v10 =	vsub.f32 v13, v10;
	v12 =	vld [tilespmem:s15+$0x1500];
	_ =	sdelay $0x1  }
0x39: {  	v10 =	vmax.f32 v10, $0.0e+00;
	v11 =	vmax.f32 v11, $0.0e+00  }
0x3a: {  	v10 =	vmul.f32 v11, v10  }
0x3b: {  	s16 =	simm.s32 $0x10;
	v9 =	vmul.f32 v9, v3  }
0x3c: {  	v11 =	vld [tilespmem:s16+$0xFFFFFFF0];
	v13 =	vmul.f32 v10, v3;
	v12 =	vmul.f32 v12, v3;
	_ =	sdelay $0x1  }
0x3d: {  	v10 =	vadd.f32 v13, v10;
	v12 =	vadd.f32 v12, v9;
	_ =	sdelay $0x1  }
0x3e: {  	vm8 =	vgt.f32 v10, v12  }
0x3f: {  	v12 =	vsel vm8, $0xF149F2CA, v11  }
0x40: {  	[tilespmem:s16+$0xFFFFFFF0] =	vst v12  }
0x41: {  	s31 =	sand.u32 $0x1F0, s16;
	v10 =	vld [tilespmem:s14+$0x0]  }
0x42: {  	v11 =	vld [tilespmem:s31+$0x1180]  }
0x43: {  	v13 =	vld [tilespmem:s31+$0xE00]  }
0x44: {  	v14 =	vld [tilespmem:s31+$0xA80];
	_ =	sdelay $0x3  }
0x45: {  	v10 =	vmax.f32 v10, v4  }
0x46: {  	v15 =	vld [tilespmem:s31+$0x1500];
	v11 =	vmin.f32 v11, v8;
	v13 =	vmin.f32 v13, v7;
	v14 =	vmax.f32 v14, v6  }
0x47: {  	v10 =	vsub.f32 v13, v10;
	v11 =	vsub.f32 v11, v14;
	_ =	sdelay $0x1  }
0x48: {  	v10 =	vmax.f32 v10, $0.0e+00;
	v11 =	vmax.f32 v11, $0.0e+00  }
0x49: {  	v14 =	vmul.f32 v11, v10  }
0x4a: {  	v15 =	vmul.f32 v15, v3  }
0x4b: {  	s17 =	simm.s32 $0x2;
	v13 =	vld [tilespmem:s16+$0x0];
	v11 =	vimm.f32 $-1.000000020e+30;
	v16 =	vmul.f32 v14, v3  }
0x4c: {  	s19 =	simm.s32 $0x10;
	s18 =	simm.s32 $0x10;
	s15 =	simm.s32 $0x0;
	v15 =	vadd.f32 v15, v9;
	v10 =	vimm.s32 $0x0;
	vm8 =	vgt.f32 v12, v11  }
.LBB2_4:
0x4d: {  	v14 =	vadd.f32 v16, v14;
	s16 =	sadd.s32 $0x20, s16;
	s19 =	sadd.s32 $0x20, s19;
	s14 =	sadd.s32 $0x20, s14  }
0x4e: {  	p0 =	slt.u32 s17, $0x14;
	s20 =	smov.u32 s17;
	s17 =	sadd.s32 $0x2, s17  }
0x4f: {  	v11 =	vsel vm8, v12, v11;
	vm9 =	vgt.f32 v14, v15  }
0x50: {  	v10 =	vsel vm8, s15, v10;
	s21 =	sadd.s32 $0x1, s15;
	s15 =	smov.u32 s20;
	v12 =	vsel vm9, $0xF149F2CA, v13  }
0x51: {  	s20 =	sadd.s32 $0xFFFFFFF0, s16;
	[tilespmem:s18+$0x0] =	vst v12;
	vm8 =	vgt.f32 v12, v11;
	s18 =	smov.u32 s19  }
0x52: {  	s20 =	sand.u32 $0x1E0, s20;
	v13 =	vld [tilespmem:s14+$0xFFFFFFF0];
	v11 =	vsel vm8, v12, v11;
	v10 =	vsel vm8, s21, v10  }
0x53: {  	v12 =	vld [tilespmem:s20+$0x1180]  }
0x54: {  	v14 =	vld [tilespmem:s20+$0xA80]  }
0x55: {  	v15 =	vld [tilespmem:s20+$0xE00];
	_ =	sdelay $0x2  }
0x56: {  	v12 =	vmin.f32 v12, v8  }
0x57: {  	v14 =	vmax.f32 v14, v6  }
0x58: {  	v13 =	vmax.f32 v13, v4;
	v15 =	vmin.f32 v15, v7;
	v12 =	vsub.f32 v12, v14  }
0x59: {  	v13 =	vsub.f32 v15, v13;
	v14 =	vld [tilespmem:s20+$0x1500];
	_ =	sdelay $0x1  }
0x5a: {  	v12 =	vmax.f32 v12, $0.0e+00;
	v13 =	vmax.f32 v13, $0.0e+00  }
0x5b: {  	v12 =	vmul.f32 v12, v13;
	_ =	sdelay $0x1  }
0x5c: {  	v13 =	vld [tilespmem:s19+$0xFFFFFFF0];
	v15 =	vmul.f32 v12, v3;
	v14 =	vmul.f32 v14, v3;
	_ =	sdelay $0x1  }
0x5d: {  	v12 =	vadd.f32 v15, v12;
	v14 =	vadd.f32 v14, v9;
	_ =	sdelay $0x1  }
0x5e: {  	vm8 =	vgt.f32 v12, v14  }
0x5f: {  	v12 =	vsel vm8, $0xF149F2CA, v13  }
0x60: {  	[tilespmem:s19+$0xFFFFFFF0] =	vst v12;
	vm8 =	vgt.f32 v12, v11  }
0x61: {  	s20 =	sand.u32 $0x1F0, s16;
	v13 =	vld [tilespmem:s14+$0x0]  }
0x62: {  	v14 =	vld [tilespmem:s20+$0x1180]  }
0x63: {  	v15 =	vld [tilespmem:s20+$0xE00]  }
0x64: {  	v16 =	vld [tilespmem:s20+$0xA80];
	_ =	sdelay $0x1  }
0x65: {  	v13 =	vmax.f32 v13, v4  }
0x66: {  	v14 =	vmin.f32 v14, v8  }
0x67: {  	v15 =	vmin.f32 v15, v7  }
0x68: {  	v16 =	vmax.f32 v16, v6;
	v13 =	vsub.f32 v15, v13;
	v15 =	vld [tilespmem:s20+$0x1500]  }
0x69: {  	v14 =	vsub.f32 v14, v16  }
0x6a: {  	v13 =	vmax.f32 v13, $0.0e+00  }
.Ltmp1:
0x6b: {  	v14 =	vmax.f32 v14, $0.0e+00;
	(pc) =	sbr.rel @p0 .LBB2_4-.Ltmp1, $4  }
0x6c: {  	v14 =	vmul.f32 v14, v13  }
0x6d: {  	v13 =	vld [tilespmem:s19+$0x0];
	v15 =	vmul.f32 v15, v3  }
0x6e: {  	v16 =	vmul.f32 v14, v3  }
0x6f: {  	v15 =	vadd.f32 v15, v9  }
0x70: {  	v14 =	vadd.f32 v16, v14;
	_ =	sdelay $0x1  }
0x71: {  	vm9 =	vgt.f32 v14, v15  }
0x72: {  	v13 =	vsel vm9, $0xF149F2CA, v13  }
0x73: {  	[tilespmem:s18+$0x0] =	vst v13  }
0x74: {  	v61 =	vld [tilespmem:$0x860]  }
0x75: {  	v62 =	vld [tilespmem:$0xBE0]  }
0x76: {  	v63 =	vld [tilespmem:$0xF60]  }
0x77: {  	v17 =	vld [tilespmem:$0x12E0];
	_ =	sdelay $0x3  }
0x78: {  	v4 =	vmax.f32 v61, v4  }
0x79: {  	v6 =	vmax.f32 v62, v6;
	v7 =	vmin.f32 v63, v7;
	v8 =	vmin.f32 v17, v8  }
0x7a: {  	v4 =	vsub.f32 v7, v4;
	v6 =	vsub.f32 v8, v6;
	v7 =	vld [tilespmem:$0x1660];
	_ =	sdelay $0x1  }
0x7b: {  	v4 =	vmax.f32 v4, $0.0e+00;
	v6 =	vmax.f32 v6, $0.0e+00  }
0x7c: {  	v4 =	vmul.f32 v6, v4;
	_ =	sdelay $0x1  }
0x7d: {  	v6 =	vld [tilespmem:$0x160];
	v8 =	vmul.f32 v4, v3;
	v3 =	vmul.f32 v7, v3;
	_ =	sdelay $0x1  }
0x7e: {  	v4 =	vadd.f32 v8, v4;
	v3 =	vadd.f32 v3, v9;
	_ =	sdelay $0x1  }
0x7f: {  	vm9 =	vgt.f32 v4, v3  }
0x80: {  	v3 =	vsel vm9, $0xF149F2CA, v6  }
0x81: {  	s16 =	simm.s32 $0x190;
	v8 =	vld [tilespmem:$0x170];
	[tilespmem:$0x160] =	vst v3  }
0x82: {  	v4 =	vsel vm8, v12, v11;
	v6 =	vld [tilespmem:s16+$0xFFFFFFF0]  }
0x83: {  	v10 =	vsel vm8, s15, v10;
	s14 =	sadd.s32 $0x1, s15;
	vm9 =	vgt.f32 v13, v4  }
0x84: {  	v7 =	vsel vm9, v13, v4;
	v4 =	vsel vm9, s14, v10;
	v10 =	vld [tilespmem:s16+$0x0];
	_ =	sdelay $0x2  }
0x85: {  	s15 =	simm.s32 $0x3;
	v9 =	vld [tilespmem:$0x1890];
	v11 =	vimm.s32 $0x0;
	s14 =	simm.s32 $0x1;
	s16 =	simm.s32 $0x1B0;
	vm8 =	vgt.f32 v6, v8  }
.LBB2_6:
0x86: {  	p0 =	slt.u32 s15, $0xD;
	v8 =	vsel vm8, v6, v8;
	v6 =	vld [tilespmem:s16+$0xFFFFFFF0];
	v11 =	vsel vm8, s14, v11;
	s17 =	smov.u32 s15;
	s15 =	sadd.s32 $0x2, s15  }
.Ltmp2:
0x87: {  	s18 =	sadd.s32 $0x1, s14;
	vm8 =	vgt.f32 v10, v8;
	s14 =	smov.u32 s17;
	(pc) =	sbr.rel @p0 .LBB2_6-.Ltmp2, $2  }
0x88: {  	v8 =	vsel vm8, v10, v8;
	v10 =	vld [tilespmem:s16+$0x0];
	v11 =	vsel vm8, s18, v11;
	_ =	sdelay $0x2  }
0x89: {  	s16 =	sadd.s32 $0x20, s16;
	vm8 =	vgt.f32 v6, v8  }
0x8a: {  	v12 =	vld [tilespmem:$0x260];
	_ =	sdelay $0x1  }
0x8b: {  	v6 =	vsel vm8, v6, v8  }
0x8c: {  	vm9 =	vgt.f32 v10, v6  }
0x8d: {  	v6 =	vsel vm9, v10, v6  }
0x8e: {  	vm10 =	vgt.f32 v12, v6  }
0x8f: {  	v8 =	vsel vm10, v12, v6  }
0x90: {  	(xrf0) =	vmax.scan.msk.f32 $0xffff, v8;
	_ =	sdelay $0x4  }
0x91: {  	s31 =	sadd.s32 $0x1, s14;
	v6 =	vsel vm8, s14, v11  }
0x92: {  	v6 =	vsel vm9, s31, v6;
	v10, _, _ =	vpop (xrf0)  }
0x93: {  	v11 =	vshll.u32 v6, $0x4;
	v6 =	vbroadcast v10, $0xF  }
0x94: {  	v10 =	vxor.u32 v1, v11  }
0x95: {  	vm8 =	veq.f32 v8, v6;
	v8 =	vsel vm10, v2, v10  }
0x96: {  	v8 =	vnsel vm8, $0xC0000000, v8  }
0x97: {  	(xrf0) =	vmin.scan.msk.u32 $0xffff, v8;
	_ =	sdelay $0x5  }
0x98: {  	v8, _, _ =	vpop (xrf0)  }
0x99: {  	(v2sf) =	vpush v8, $0xF;
	_ =	sdelay $0xe  }
0x9a: {  	s14 =	spop (v2sf)  }
0x9b: {  	s15 =	sadd.s32 $0x80000170, s14  }
0x9c: {  	v13 =	vmov s15;
	s15 =	simm.s32 $0xF70  }
0x9d: {  	v10 =	vadd.s32 $0x380, v13;
	v14 =	vld [tilespmem:s15+$0x380]  }
0x9e: {  	v11 =	vadd.s32 $0x700, v13;
	v15 =	vld [tilespmem:s15+$0x0]  }
0x9f: {  	v12 =	vadd.s32 $0xA80, v13;
	v16 =	vld [tilespmem:s15+$0xFFFFFC80]  }
0xa0: {  	v17 =	vld [tilespmem:s15+$0xFFFFF900]  }
0xa1: {  	v8 =	vld.idx.msk [tilespmem:v13+s9+$0x0], $0xffff  }
0xa2: {  	v10 =	vld.idx.msk [tilespmem:v10+s9+$0x0], $0xffff  }
0xa3: {  	v11 =	vld.idx.msk [tilespmem:v11+s9+$0x0], $0xffff  }
0xa4: {  	v13 =	vadd.s32 $0xE00, v13;
	v12 =	vld.idx.msk [tilespmem:v12+s9+$0x0], $0xffff;
	_ =	sdelay $0x3  }
0xa5: {  	v17 =	vmax.f32 v17, v8  }
0xa6: {  	v13 =	vld.idx.msk [tilespmem:v13+s9+$0x0], $0xffff;
	v15 =	vmin.f32 v15, v11;
	v16 =	vmax.f32 v16, v10;
	v14 =	vmin.f32 v14, v12  }
0xa7: {  	v14 =	vsub.f32 v14, v16;
	v15 =	vsub.f32 v15, v17;
	v16 =	vld [tilespmem:s15+$0x700];
	_ =	sdelay $0x1  }
0xa8: {  	v14 =	vmax.f32 v14, $0.0e+00;
	v15 =	vmax.f32 v15, $0.0e+00  }
0xa9: {  	v14 =	vmul.f32 v14, v15  }
0xaa: {  	s16 =	simm.s32 $0x180;
	v13 =	vmul.f32 v13, v9  }
0xab: {  	v15 =	vld [tilespmem:s16+$0xFFFFFFF0];
	v17 =	vmul.f32 v14, v9;
	v16 =	vmul.f32 v16, v9;
	_ =	sdelay $0x1  }
0xac: {  	v14 =	vadd.f32 v17, v14;
	v16 =	vadd.f32 v16, v13;
	_ =	sdelay $0x1  }
0xad: {  	vm8 =	vgt.f32 v14, v16  }
0xae: {  	v15 =	vsel vm8, $0xF149F2CA, v15  }
0xaf: {  	[tilespmem:s16+$0xFFFFFFF0] =	vst v15  }
0xb0: {  	v14 =	vld [tilespmem:s15+$0x390]  }
0xb1: {  	v16 =	vld [tilespmem:s15+$0xFFFFF910]  }
0xb2: {  	v17 =	vld [tilespmem:s15+$0x10]  }
0xb3: {  	v18 =	vld [tilespmem:s15+$0xFFFFFC90];
	_ =	sdelay $0x3  }
0xb4: {  	v14 =	vmin.f32 v14, v12  }
0xb5: {  	v16 =	vmax.f32 v16, v8;
	v17 =	vmin.f32 v17, v11;
	v18 =	vmax.f32 v18, v10  }
0xb6: {  	v16 =	vsub.f32 v17, v16;
	v17 =	vld [tilespmem:s15+$0x710];
	v14 =	vsub.f32 v14, v18;
	_ =	sdelay $0x1  }
0xb7: {  	v16 =	vmax.f32 v16, $0.0e+00;
	v14 =	vmax.f32 v14, $0.0e+00  }
0xb8: {  	v18 =	vmul.f32 v14, v16;
	v16 =	vimm.f32 $-1.000000020e+30  }
0xb9: {  	vm8 =	vgt.f32 v15, v16  }
0xba: {  	v17 =	vmul.f32 v17, v9;
	v19 =	vmul.f32 v18, v9;
	v15 =	vsel vm8, v15, v16;
	v16 =	vld [tilespmem:s16+$0x0];
	_ =	sdelay $0x1  }
0xbb: {  	s18 =	simm.s32 $0x0;
	s19 =	simm.s32 $0x2;
	s17 =	simm.s32 $0x180;
	v14 =	vimm.s32 $0x0;
	v17 =	vadd.f32 v17, v13;
	v18 =	vadd.f32 v19, v18  }
.LBB2_8:
0xbc: {  	_ = 	snop  }
0xbd: {  	p0 =	slt.u32 s19, $0xE;
	s15 =	sadd.s32 $0x20, s15;
	s16 =	sadd.s32 $0x20, s16;
	vm9 =	vgt.f32 v18, v17  }
0xbe: {  	v14 =	vsel vm8, s18, v14;
	s20 =	sadd.s32 $0x1, s18;
	s18 =	smov.u32 s19;
	s19 =	sadd.s32 $0x2, s19;
	v16 =	vsel vm9, $0xF149F2CA, v16  }
0xbf: {  	[tilespmem:s17+$0x0] =	vst v16;
	vm8 =	vgt.f32 v16, v15;
	s17 =	smov.u32 s16  }
0xc0: {  	v17 =	vld [tilespmem:s15+$0x380];
	v15 =	vsel vm8, v16, v15;
	v14 =	vsel vm8, s20, v14  }
0xc1: {  	v16 =	vld [tilespmem:s15+$0x0]  }
0xc2: {  	v18 =	vld [tilespmem:s15+$0xFFFFFC80]  }
0xc3: {  	v19 =	vld [tilespmem:s15+$0xFFFFF900];
	_ =	sdelay $0x2  }
0xc4: {  	v16 =	vmin.f32 v16, v11  }
0xc5: {  	v17 =	vmin.f32 v17, v12;
	v18 =	vmax.f32 v18, v10  }
0xc6: {  	v19 =	vmax.f32 v19, v8;
	v17 =	vsub.f32 v17, v18  }
0xc7: {  	v16 =	vsub.f32 v16, v19;
	v18 =	vld [tilespmem:s15+$0x700]  }
0xc8: {  	v17 =	vmax.f32 v17, $0.0e+00  }
0xc9: {  	v16 =	vmax.f32 v16, $0.0e+00  }
0xca: {  	v16 =	vmul.f32 v17, v16;
	_ =	sdelay $0x1  }
0xcb: {  	v17 =	vld [tilespmem:s16+$0xFFFFFFF0];
	v19 =	vmul.f32 v16, v9;
	v18 =	vmul.f32 v18, v9;
	_ =	sdelay $0x1  }
0xcc: {  	v16 =	vadd.f32 v19, v16;
	v18 =	vadd.f32 v18, v13;
	_ =	sdelay $0x1  }
0xcd: {  	vm8 =	vgt.f32 v16, v18  }
0xce: {  	v16 =	vsel vm8, $0xF149F2CA, v17  }
0xcf: {  	[tilespmem:s16+$0xFFFFFFF0] =	vst v16;
	vm8 =	vgt.f32 v16, v15  }
0xd0: {  	v15 =	vsel vm8, v16, v15;
	v16 =	vld [tilespmem:s15+$0x390]  }
0xd1: {  	v17 =	vld [tilespmem:s15+$0xFFFFF910]  }
0xd2: {  	v18 =	vld [tilespmem:s15+$0x10]  }
0xd3: {  	v19 =	vld [tilespmem:s15+$0xFFFFFC90];
	_ =	sdelay $0x1  }
0xd4: {  	v16 =	vmin.f32 v16, v12  }
0xd5: {  	v17 =	vmax.f32 v17, v8  }
0xd6: {  	v18 =	vmin.f32 v18, v11  }
0xd7: {  	v19 =	vmax.f32 v19, v10;
	v17 =	vsub.f32 v18, v17;
	v18 =	vld [tilespmem:s15+$0x710]  }
0xd8: {  	v16 =	vsub.f32 v16, v19  }
0xd9: {  	v17 =	vmax.f32 v17, $0.0e+00  }
0xda: {  	v16 =	vmax.f32 v16, $0.0e+00  }
.Ltmp3:
0xdb: {  	v19 =	vmul.f32 v16, v17;
	(pc) =	sbr.rel @p0 .LBB2_8-.Ltmp3, $4  }
0xdc: {  	v16 =	vld [tilespmem:s16+$0x0];
	v17 =	vmul.f32 v18, v9  }
0xdd: {  	v18 =	vmul.f32 v19, v9  }
0xde: {  	v17 =	vadd.f32 v17, v13  }
0xdf: {  	v18 =	vadd.f32 v18, v19  }
0xe0: {  	_ = 	snop  }
0xe1: {  	vm9 =	vgt.f32 v18, v17  }
0xe2: {  	v10 =	vsel vm9, $0xF149F2CA, v16  }
0xe3: {  	vm9 =	vgt.f32 v10, v15  }
0xe4: {  	v11 =	vsel vm9, v10, v15  }
0xe5: {  	(xrf0) =	vmax.scan.msk.f32 $0xffff, v11;
	_ =	sdelay $0x5  }
0xe6: {  	v8 =	vsel vm8, s18, v14;
	s15 =	sadd.s32 $0x1, s18;
	v12, _, _ =	vpop (xrf0)  }
0xe7: {  	v13 =	vsel vm9, s15, v8;
	v8 =	vbroadcast v12, $0xF  }
0xe8: {  	v12 =	vshll.u32 v13, $0x4  }
0xe9: {  	vm8 =	veq.f32 v11, v8;
	v11 =	vxor.u32 v1, v12  }
0xea: {  	v11 =	vnsel vm8, $0xC0000000, v11  }
0xeb: {  	(xrf0) =	vmin.scan.msk.u32 $0xffff, v11;
	_ =	sdelay $0x5  }
0xec: {  	v11, _, _ =	vpop (xrf0)  }
0xed: {  	(v2sf) =	vpush v11, $0xF;
	_ =	sdelay $0xe  }
0xee: {  	s15 =	spop (v2sf)  }
0xef: {  	s16 =	sadd.s32 $0x80000170, s15  }
0xf0: {  	[tilespmem:s17+$0x0] =	vst v10;
	v14 =	vmov s16;
	s16 =	simm.s32 $0xF70  }
0xf1: {  	v11 =	vadd.s32 $0x380, v14;
	v15 =	vld [tilespmem:s16+$0x380]  }
0xf2: {  	v12 =	vadd.s32 $0x700, v14;
	v16 =	vld [tilespmem:s16+$0x0]  }
0xf3: {  	v13 =	vadd.s32 $0xA80, v14;
	v17 =	vld [tilespmem:s16+$0xFFFFFC80]  }
0xf4: {  	v18 =	vld [tilespmem:s16+$0xFFFFF900]  }
0xf5: {  	v10 =	vld.idx.msk [tilespmem:v14+s9+$0x0], $0xffff  }
0xf6: {  	v11 =	vld.idx.msk [tilespmem:v11+s9+$0x0], $0xffff  }
0xf7: {  	v12 =	vld.idx.msk [tilespmem:v12+s9+$0x0], $0xffff  }
0xf8: {  	v14 =	vadd.s32 $0xE00, v14;
	v13 =	vld.idx.msk [tilespmem:v13+s9+$0x0], $0xffff;
	_ =	sdelay $0x3  }
0xf9: {  	v18 =	vmax.f32 v18, v10  }
0xfa: {  	v14 =	vld.idx.msk [tilespmem:v14+s9+$0x0], $0xffff;
	v16 =	vmin.f32 v16, v12;
	v17 =	vmax.f32 v17, v11;
	v15 =	vmin.f32 v15, v13  }
0xfb: {  	v15 =	vsub.f32 v15, v17;
	v16 =	vsub.f32 v16, v18;
	v17 =	vld [tilespmem:s16+$0x700];
	_ =	sdelay $0x1  }
0xfc: {  	v15 =	vmax.f32 v15, $0.0e+00;
	v16 =	vmax.f32 v16, $0.0e+00  }
0xfd: {  	v15 =	vmul.f32 v15, v16  }
0xfe: {  	s17 =	simm.s32 $0x180;
	v14 =	vmul.f32 v14, v9  }
0xff: {  	v16 =	vld [tilespmem:s17+$0xFFFFFFF0];
	v18 =	vmul.f32 v15, v9;
	v17 =	vmul.f32 v17, v9;
	_ =	sdelay $0x1  }
0x100: {  	v15 =	vadd.f32 v18, v15;
	v17 =	vadd.f32 v17, v14;
	_ =	sdelay $0x1  }
0x101: {  	vm8 =	vgt.f32 v15, v17  }
0x102: {  	v16 =	vsel vm8, $0xF149F2CA, v16  }
0x103: {  	[tilespmem:s17+$0xFFFFFFF0] =	vst v16  }
0x104: {  	v15 =	vld [tilespmem:s16+$0x390]  }
0x105: {  	v17 =	vld [tilespmem:s16+$0xFFFFF910]  }
0x106: {  	v18 =	vld [tilespmem:s16+$0x10]  }
0x107: {  	v19 =	vld [tilespmem:s16+$0xFFFFFC90];
	_ =	sdelay $0x3  }
0x108: {  	v15 =	vmin.f32 v15, v13  }
0x109: {  	v17 =	vmax.f32 v17, v10;
	v18 =	vmin.f32 v18, v12;
	v19 =	vmax.f32 v19, v11  }
0x10a: {  	v17 =	vsub.f32 v18, v17;
	v18 =	vld [tilespmem:s16+$0x710];
	v15 =	vsub.f32 v15, v19;
	_ =	sdelay $0x1  }
0x10b: {  	v17 =	vmax.f32 v17, $0.0e+00;
	v15 =	vmax.f32 v15, $0.0e+00  }
0x10c: {  	v19 =	vmul.f32 v15, v17;
	v17 =	vimm.f32 $-1.000000020e+30  }
0x10d: {  	vm8 =	vgt.f32 v16, v17  }
0x10e: {  	v18 =	vmul.f32 v18, v9;
	v20 =	vmul.f32 v19, v9;
	v16 =	vsel vm8, v16, v17;
	v17 =	vld [tilespmem:s17+$0x0];
	_ =	sdelay $0x1  }
0x10f: {  	s18 =	simm.s32 $0x0;
	s19 =	simm.s32 $0x2;
	s20 =	simm.s32 $0x180;
	v15 =	vimm.s32 $0x0;
	v18 =	vadd.f32 v18, v14;
	v19 =	vadd.f32 v20, v19  }
.LBB2_10:
0x110: {  	_ = 	snop  }
0x111: {  	p0 =	slt.u32 s19, $0xE;
	s16 =	sadd.s32 $0x20, s16;
	s17 =	sadd.s32 $0x20, s17;
	vm9 =	vgt.f32 v19, v18  }
0x112: {  	v15 =	vsel vm8, s18, v15;
	s21 =	sadd.s32 $0x1, s18;
	s18 =	smov.u32 s19;
	s19 =	sadd.s32 $0x2, s19;
	v17 =	vsel vm9, $0xF149F2CA, v17  }
0x113: {  	[tilespmem:s20+$0x0] =	vst v17;
	vm8 =	vgt.f32 v17, v16;
	s20 =	smov.u32 s17  }
0x114: {  	v18 =	vld [tilespmem:s16+$0x380];
	v16 =	vsel vm8, v17, v16;
	v15 =	vsel vm8, s21, v15  }
0x115: {  	v17 =	vld [tilespmem:s16+$0x0]  }
0x116: {  	v19 =	vld [tilespmem:s16+$0xFFFFFC80]  }
0x117: {  	v20 =	vld [tilespmem:s16+$0xFFFFF900];
	_ =	sdelay $0x2  }
0x118: {  	v17 =	vmin.f32 v17, v12  }
0x119: {  	v18 =	vmin.f32 v18, v13;
	v19 =	vmax.f32 v19, v11  }
0x11a: {  	v20 =	vmax.f32 v20, v10;
	v18 =	vsub.f32 v18, v19  }
0x11b: {  	v17 =	vsub.f32 v17, v20;
	v19 =	vld [tilespmem:s16+$0x700]  }
0x11c: {  	v18 =	vmax.f32 v18, $0.0e+00  }
0x11d: {  	v17 =	vmax.f32 v17, $0.0e+00  }
0x11e: {  	v17 =	vmul.f32 v18, v17;
	_ =	sdelay $0x1  }
0x11f: {  	v18 =	vld [tilespmem:s17+$0xFFFFFFF0];
	v20 =	vmul.f32 v17, v9;
	v19 =	vmul.f32 v19, v9;
	_ =	sdelay $0x1  }
0x120: {  	v17 =	vadd.f32 v20, v17;
	v19 =	vadd.f32 v19, v14;
	_ =	sdelay $0x1  }
0x121: {  	vm8 =	vgt.f32 v17, v19  }
0x122: {  	v17 =	vsel vm8, $0xF149F2CA, v18  }
0x123: {  	[tilespmem:s17+$0xFFFFFFF0] =	vst v17;
	vm8 =	vgt.f32 v17, v16  }
0x124: {  	v16 =	vsel vm8, v17, v16;
	v17 =	vld [tilespmem:s16+$0x390]  }
0x125: {  	v18 =	vld [tilespmem:s16+$0xFFFFF910]  }
0x126: {  	v19 =	vld [tilespmem:s16+$0x10]  }
0x127: {  	v20 =	vld [tilespmem:s16+$0xFFFFFC90];
	_ =	sdelay $0x1  }
0x128: {  	v17 =	vmin.f32 v17, v13  }
0x129: {  	v18 =	vmax.f32 v18, v10  }
0x12a: {  	v19 =	vmin.f32 v19, v12  }
0x12b: {  	v20 =	vmax.f32 v20, v11;
	v18 =	vsub.f32 v19, v18;
	v19 =	vld [tilespmem:s16+$0x710]  }
0x12c: {  	v17 =	vsub.f32 v17, v20  }
0x12d: {  	v18 =	vmax.f32 v18, $0.0e+00  }
0x12e: {  	v17 =	vmax.f32 v17, $0.0e+00  }
.Ltmp4:
0x12f: {  	v20 =	vmul.f32 v17, v18;
	(pc) =	sbr.rel @p0 .LBB2_10-.Ltmp4, $4  }
0x130: {  	v17 =	vld [tilespmem:s17+$0x0];
	v18 =	vmul.f32 v19, v9  }
0x131: {  	v19 =	vmul.f32 v20, v9  }
0x132: {  	v18 =	vadd.f32 v18, v14  }
0x133: {  	v19 =	vadd.f32 v19, v20  }
0x134: {  	_ = 	snop  }
0x135: {  	vm9 =	vgt.f32 v19, v18  }
0x136: {  	v10 =	vsel vm9, $0xF149F2CA, v17  }
0x137: {  	[tilespmem:s20+$0x0] =	vst v10  }
0x138: {  	s19 =	simm.s32 $0x290;
	v13 =	vld [tilespmem:$0x270]  }
0x139: {  	v9 =	vld [tilespmem:s19+$0xFFFFFFF0];
	_ =	sdelay $0x1  }
0x13a: {  	v14 =	vld [tilespmem:s19+$0x0];
	_ =	sdelay $0x1  }
0x13b: {  	v11 =	vsel vm8, s18, v15;
	s16 =	sadd.s32 $0x1, s18;
	v15 =	vimm.s32 $0x0;
	vm9 =	vgt.f32 v10, v16  }
0x13c: {  	s17 =	simm.s32 $0x3;
	s18 =	simm.s32 $0x2B0;
	v10 =	vsel vm9, v10, v16;
	v12 =	vld [tilespmem:$0x18A0];
	v11 =	vsel vm9, s16, v11;
	s16 =	simm.s32 $0x1;
	vm8 =	vgt.f32 v9, v13  }
.LBB2_12:
0x13d: {  	p0 =	slt.u32 s17, $0xF;
	v13 =	vsel vm8, v9, v13;
	v9 =	vld [tilespmem:s18+$0xFFFFFFF0];
	v15 =	vsel vm8, s16, v15;
	s19 =	smov.u32 s17;
	s17 =	sadd.s32 $0x2, s17  }
.Ltmp5:
0x13e: {  	s20 =	sadd.s32 $0x1, s16;
	vm8 =	vgt.f32 v14, v13;
	s16 =	smov.u32 s19;
	(pc) =	sbr.rel @p0 .LBB2_12-.Ltmp5, $2  }
0x13f: {  	v13 =	vsel vm8, v14, v13;
	v14 =	vld [tilespmem:s18+$0x0];
	v15 =	vsel vm8, s20, v15;
	_ =	sdelay $0x2  }
0x140: {  	s18 =	sadd.s32 $0x20, s18;
	vm8 =	vgt.f32 v9, v13  }
0x141: {  	v9 =	vsel vm8, v9, v13  }
0x142: {  	vm9 =	vgt.f32 v14, v9  }
0x143: {  	v13 =	vsel vm9, v14, v9  }
0x144: {  	(xrf0) =	vmax.scan.msk.f32 $0xffff, v13;
	_ =	sdelay $0x5  }
0x145: {  	s31 =	sadd.s32 $0x1, s16;
	v9 =	vsel vm8, s16, v15;
	v14, _, _ =	vpop (xrf0)  }
0x146: {  	v15 =	vsel vm9, s31, v9;
	v9 =	vbroadcast v14, $0xF  }
0x147: {  	v14 =	vshll.u32 v15, $0x4  }
0x148: {  	vm8 =	veq.f32 v13, v9;
	v13 =	vxor.u32 v1, v14  }
0x149: {  	v13 =	vnsel vm8, $0xC0000000, v13  }
0x14a: {  	(xrf0) =	vmin.scan.msk.u32 $0xffff, v13;
	_ =	sdelay $0x5  }
0x14b: {  	v13, _, _ =	vpop (xrf0)  }
0x14c: {  	(v2sf) =	vpush v13, $0xF;
	_ =	sdelay $0xe  }
0x14d: {  	s16 =	spop (v2sf)  }
0x14e: {  	s17 =	sadd.s32 $0x80000270, s16  }
0x14f: {  	v17 =	vmov s17  }
0x150: {  	s18 =	simm.s32 $0x1070;
	v13 =	vadd.s32 $0x380, v17  }
0x151: {  	v19 =	vld [tilespmem:s18+$0x0];
	v14 =	vadd.s32 $0x700, v17  }
0x152: {  	v20 =	vld [tilespmem:s18+$0xFFFFFC80];
	v18 =	vadd.s32 $0xA80, v17  }
0x153: {  	v21 =	vld [tilespmem:s18+$0xFFFFF900]  }
0x154: {  	v15 =	vld.idx.msk [tilespmem:v17+s9+$0x0], $0xffff  }
0x155: {  	v16 =	vld.idx.msk [tilespmem:v13+s9+$0x0], $0xffff  }
0x156: {  	v13 =	vld.idx.msk [tilespmem:v14+s9+$0x0], $0xffff  }
0x157: {  	v14 =	vld.idx.msk [tilespmem:v18+s9+$0x0], $0xffff  }
0x158: {  	v17 =	vadd.s32 $0xE00, v17;
	v18 =	vld [tilespmem:s18+$0x380];
	_ =	sdelay $0x3  }
0x159: {  	v21 =	vmax.f32 v21, v15  }
0x15a: {  	v17 =	vld.idx.msk [tilespmem:v17+s9+$0x0], $0xffff;
	v19 =	vmin.f32 v19, v13;
	v20 =	vmax.f32 v20, v16;
	v18 =	vmin.f32 v18, v14  }
0x15b: {  	v18 =	vsub.f32 v18, v20;
	v19 =	vsub.f32 v19, v21;
	v20 =	vld [tilespmem:s18+$0x700];
	_ =	sdelay $0x1  }
0x15c: {  	v18 =	vmax.f32 v18, $0.0e+00;
	v19 =	vmax.f32 v19, $0.0e+00  }
0x15d: {  	v18 =	vmul.f32 v18, v19  }
0x15e: {  	s19 =	simm.s32 $0x280;
	v17 =	vmul.f32 v17, v12  }
0x15f: {  	v19 =	vld [tilespmem:s19+$0xFFFFFFF0];
	v21 =	vmul.f32 v18, v12;
	v20 =	vmul.f32 v20, v12;
	_ =	sdelay $0x1  }
0x160: {  	v18 =	vadd.f32 v21, v18;
	v20 =	vadd.f32 v20, v17;
	_ =	sdelay $0x1  }
0x161: {  	vm8 =	vgt.f32 v18, v20  }
0x162: {  	v19 =	vsel vm8, $0xF149F2CA, v19  }
0x163: {  	[tilespmem:s19+$0xFFFFFFF0] =	vst v19  }
0x164: {  	v18 =	vld [tilespmem:s18+$0x390]  }
0x165: {  	v20 =	vld [tilespmem:s18+$0xFFFFF910]  }
0x166: {  	v21 =	vld [tilespmem:s18+$0x10]  }
0x167: {  	v22 =	vld [tilespmem:s18+$0xFFFFFC90];
	_ =	sdelay $0x3  }
0x168: {  	v18 =	vmin.f32 v18, v14  }
0x169: {  	v20 =	vmax.f32 v20, v15;
	v21 =	vmin.f32 v21, v13;
	v22 =	vmax.f32 v22, v16  }
0x16a: {  	v20 =	vsub.f32 v21, v20;
	v21 =	vld [tilespmem:s18+$0x710];
	v18 =	vsub.f32 v18, v22;
	_ =	sdelay $0x1  }
0x16b: {  	v20 =	vmax.f32 v20, $0.0e+00;
	v18 =	vmax.f32 v18, $0.0e+00  }
0x16c: {  	v22 =	vmul.f32 v18, v20;
	v20 =	vimm.f32 $-1.000000020e+30  }
0x16d: {  	vm8 =	vgt.f32 v19, v20  }
0x16e: {  	v21 =	vmul.f32 v21, v12;
	v23 =	vmul.f32 v22, v12;
	v19 =	vsel vm8, v19, v20;
	v20 =	vld [tilespmem:s19+$0x0];
	_ =	sdelay $0x1  }
0x16f: {  	s20 =	simm.s32 $0x2;
	s21 =	simm.s32 $0x280;
	s17 =	simm.s32 $0x0;
	v18 =	vimm.s32 $0x0;
	v21 =	vadd.f32 v21, v17;
	v22 =	vadd.f32 v23, v22  }
.LBB2_14:
0x170: {  	_ = 	snop  }
0x171: {  	p0 =	slt.u32 s20, $0xE;
	s18 =	sadd.s32 $0x20, s18;
	s19 =	sadd.s32 $0x20, s19;
	vm9 =	vgt.f32 v22, v21  }
0x172: {  	v18 =	vsel vm8, s17, v18;
	s22 =	sadd.s32 $0x1, s17;
	s17 =	smov.u32 s20;
	s20 =	sadd.s32 $0x2, s20;
	v20 =	vsel vm9, $0xF149F2CA, v20  }
0x173: {  	[tilespmem:s21+$0x0] =	vst v20;
	vm8 =	vgt.f32 v20, v19;
	s21 =	smov.u32 s19  }
0x174: {  	v21 =	vld [tilespmem:s18+$0x380];
	v19 =	vsel vm8, v20, v19;
	v18 =	vsel vm8, s22, v18  }
0x175: {  	v20 =	vld [tilespmem:s18+$0x0]  }
0x176: {  	v22 =	vld [tilespmem:s18+$0xFFFFFC80]  }
0x177: {  	v23 =	vld [tilespmem:s18+$0xFFFFF900];
	_ =	sdelay $0x2  }
0x178: {  	v20 =	vmin.f32 v20, v13  }
0x179: {  	v21 =	vmin.f32 v21, v14;
	v22 =	vmax.f32 v22, v16  }
0x17a: {  	v23 =	vmax.f32 v23, v15;
	v21 =	vsub.f32 v21, v22  }
0x17b: {  	v20 =	vsub.f32 v20, v23;
	v22 =	vld [tilespmem:s18+$0x700]  }
0x17c: {  	v21 =	vmax.f32 v21, $0.0e+00  }
0x17d: {  	v20 =	vmax.f32 v20, $0.0e+00  }
0x17e: {  	v20 =	vmul.f32 v21, v20;
	_ =	sdelay $0x1  }
0x17f: {  	v21 =	vld [tilespmem:s19+$0xFFFFFFF0];
	v23 =	vmul.f32 v20, v12;
	v22 =	vmul.f32 v22, v12;
	_ =	sdelay $0x1  }
0x180: {  	v20 =	vadd.f32 v23, v20;
	v22 =	vadd.f32 v22, v17;
	_ =	sdelay $0x1  }
0x181: {  	vm8 =	vgt.f32 v20, v22  }
0x182: {  	v20 =	vsel vm8, $0xF149F2CA, v21  }
0x183: {  	[tilespmem:s19+$0xFFFFFFF0] =	vst v20;
	vm8 =	vgt.f32 v20, v19  }
0x184: {  	v19 =	vsel vm8, v20, v19;
	v20 =	vld [tilespmem:s18+$0x390]  }
0x185: {  	v21 =	vld [tilespmem:s18+$0xFFFFF910]  }
0x186: {  	v22 =	vld [tilespmem:s18+$0x10]  }
0x187: {  	v23 =	vld [tilespmem:s18+$0xFFFFFC90];
	_ =	sdelay $0x1  }
0x188: {  	v20 =	vmin.f32 v20, v14  }
0x189: {  	v21 =	vmax.f32 v21, v15  }
0x18a: {  	v22 =	vmin.f32 v22, v13  }
0x18b: {  	v23 =	vmax.f32 v23, v16;
	v21 =	vsub.f32 v22, v21;
	v22 =	vld [tilespmem:s18+$0x710]  }
0x18c: {  	v20 =	vsub.f32 v20, v23  }
0x18d: {  	v21 =	vmax.f32 v21, $0.0e+00  }
0x18e: {  	v20 =	vmax.f32 v20, $0.0e+00  }
.Ltmp6:
0x18f: {  	v23 =	vmul.f32 v20, v21;
	(pc) =	sbr.rel @p0 .LBB2_14-.Ltmp6, $4  }
0x190: {  	v20 =	vld [tilespmem:s19+$0x0];
	v21 =	vmul.f32 v22, v12  }
0x191: {  	v22 =	vmul.f32 v23, v12  }
0x192: {  	v21 =	vadd.f32 v21, v17  }
0x193: {  	v22 =	vadd.f32 v22, v23  }
0x194: {  	vm9 =	vgt.f32 v3, v7  }
0x195: {  	v3 =	vsel vm9, v3, v7  }
0x196: {  	vm10 =	vgt.f32 v22, v21;
	(xrf0) =	vmax.scan.msk.f32 $0xffff, v3  }
0x197: {  	v7 =	vsel vm10, $0xF149F2CA, v20  }
0x198: {  	[tilespmem:s21+$0x0] =	vst v7  }
0x199: {  	v52 =	vld [tilespmem:$0xA70]  }
0x19a: {  	v53 =	vld [tilespmem:$0xDF0]  }
0x19b: {  	v54 =	vld [tilespmem:$0x1170]  }
0x19c: {  	v24 =	vld [tilespmem:$0x14F0];
	v23, _, _ =	vpop (xrf0)  }
0x19d: {  	v23 =	vbroadcast v23, $0xF  }
0x19e: {  	v4 =	vshll.u32 v4, $0x4  }
0x19f: {  	v4 =	vxor.u32 v1, v4;
	vm10 =	veq.f32 v3, v23;
	v3 =	vor.u32 $0x80000160, v0  }
0x1a0: {  	v15 =	vmax.f32 v52, v15;
	v16 =	vmax.f32 v53, v16;
	v4 =	vsel vm9, v3, v4  }
0x1a1: {  	v13 =	vmin.f32 v54, v13;
	v14 =	vmin.f32 v24, v14;
	v4 =	vnsel vm10, $0xC0000000, v4  }
0x1a2: {  	v56 =	vld [tilespmem:$0x1870];
	v55 =	vsub.f32 v14, v16;
	(xrf0) =	vmin.scan.msk.u32 $0xffff, v4;
	v4 =	vsub.f32 v13, v15  }
0x1a3: {  	(xrf0) =	vmax.scan.msk.f32 $0xffff, v10  }
0x1a4: {  	v13 =	vmax.f32 v55, $0.0e+00;
	v4 =	vmax.f32 v4, $0.0e+00  }
0x1a5: {  	v4 =	vmul.f32 v13, v4;
	_ =	sdelay $0x1  }
0x1a6: {  	v57 =	vld [tilespmem:$0x370];
	v59 =	vmul.f32 v56, v12;
	v58 =	vmul.f32 v4, v12  }
0x1a7: {  	v60, _, _ =	vpop (xrf0)  }
0x1a8: {  	v12 =	vadd.f32 v59, v17;
	v61, _, _ =	vpop (xrf0);
	v4 =	vadd.f32 v58, v4  }
0x1a9: {  	vm9 =	vgt.f32 v7, v19;
	v62 =	vbroadcast v61, $0xF  }
0x1aa: {  	v11 =	vshll.u32 v11, $0x4;
	v7 =	vsel vm9, v7, v19;
	vm10 =	vgt.f32 v4, v12  }
0x1ab: {  	v4 =	vxor.u32 v1, v11;
	v12 =	vsel vm10, $0xF149F2CA, v57;
	vm10 =	veq.f32 v10, v62  }
0x1ac: {  	v4 =	vnsel vm10, $0xC0000000, v4;
	vm10 =	vgt.f32 v12, v7  }
0x1ad: {  	(xrf0) =	vmin.scan.msk.u32 $0xffff, v4;
	v7 =	vsel vm10, v12, v7  }
0x1ae: {  	(xrf0) =	vmax.scan.msk.f32 $0xffff, v7;
	_ =	sdelay $0x4  }
0x1af: {  	s31 =	sadd.s32 $0x1, s17;
	v4 =	vsel vm8, s17, v18;
	v10, _, _ =	vpop (xrf0)  }
0x1b0: {  	v4 =	vsel vm9, s31, v4;
	v11, _, _ =	vpop (xrf0)  }
0x1b1: {  	v4 =	vshll.u32 v4, $0x4;
	v11 =	vbroadcast v11, $0xF  }
0x1b2: {  	(v2sf) =	vpush v60, $0xF;
	v63 =	vxor.u32 v1, v4;
	v4 =	vor.u32 $0x80000100, v0  }
0x1b3: {  	vm8 =	veq.f32 v7, v11;
	v7 =	vsel vm10, v4, v63  }
0x1b4: {  	v7 =	vnsel vm8, $0xC0000000, v7  }
0x1b5: {  	(xrf0) =	vmin.scan.msk.u32 $0xffff, v7;
	_ =	sdelay $0x2  }
0x1b6: {  	(v2sf) =	vpush v10, $0xF;
	_ =	sdelay $0x2  }
0x1b7: {  	v7, _, _ =	vpop (xrf0)  }
0x1b8: {  	(v2sf) =	vpush v7, $0xF;
	_ =	sdelay $0x3  }
0x1b9: {  	s13 =	scvt.s32.f32 s13  }
0x1ba: {  	s18 =	spop (v2sf)  }
0x1bb: {  	s19 =	sxor.u32 $0x80000000, s18;
	v7 =	vmov s13  }
0x1bc: {  	s13 =	scvt.s32.f32 s19;
	v7 =	vnsel vm0, $0x0, v7  }
0x1bd: {  	s14 =	sadd.s32 $0x80000169, s14;
	vm8 =	veq.s32 v0, $0x1;
	v5 =	vsel vm1, v7, v5  }
0x1be: {  	s20 =	scvt.s32.f32 s14;
	v5 =	vsel vm8, s13, v5  }
0x1bf: {  	s21 =	sadd.s32 $0x80000169, s15;
	vm8 =	veq.s32 v0, $0x2;
	v5 =	vsel vm2, v23, v5  }
0x1c0: {  	s23 =	scvt.s32.f32 s21;
	s22 =	spop (v2sf);
	v5 =	vsel vm8, s20, v5  }
0x1c1: {  	s24 =	sadd.s32 $0x80000169, s22;
	vm8 =	veq.s32 v0, $0x3;
	v5 =	vsel vm3, v5, v6  }
0x1c2: {  	s25 =	scvt.s32.f32 s24;
	v5 =	vsel vm8, s23, v5  }
0x1c3: {  	s26 =	sadd.s32 $0x8000025A, s16;
	vm8 =	veq.s32 v0, $0x4;
	v5 =	vsel vm4, v5, v8  }
0x1c4: {  	s28 =	scvt.s32.f32 s26;
	v5 =	vsel vm8, s25, v5;
	s29 =	spop (v2sf)  }
0x1c5: {  	vm8 =	veq.s32 v0, $0x5;
	v5 =	vsel vm5, v62, v5;
	s14 =	sadd.s32 $0x8000025A, s29  }
0x1c6: {  	v5 =	vsel vm8, s28, v5;
	s30 =	scvt.s32.f32 s14  }
0x1c7: {  	vm8 =	veq.s32 v0, $0x6;
	v5 =	vsel vm6, v5, v9  }
0x1c8: {  	v5 =	vsel vm8, s30, v5  }
0x1c9: {  	[tilespmem:$0x370] =	vst v12;
	v5 =	vsel vm7, v11, v5  }
0x1ca: {  	s13 =	simm.s32 $0x1;
	[tilespmem:$0x1900] =	vst v5  }
0x1cb: {  	_ =	swait.ge [sflag:s13], $0x380  }
0x1cc: {  	[sflag:s13] =	ssyncset.done $0x0  }
0x1cd: {  	[sflag:s13] =	ssyncadd.s32 $0xFFFFFC80  }
0x1ce: {  	s31 =	simm.s32 $0x3A0;
	v9 =	vld [tilespmem:$0x380]  }
0x1cf: {  	v5 =	vld [tilespmem:s31+$0xFFFFFFF0];
	_ =	sdelay $0x1  }
0x1d0: {  	v7 =	vld [tilespmem:s31+$0x0];
	_ =	sdelay $0x2  }
0x1d1: {  	s15 =	simm.s32 $0x3C0;
	v8 =	vimm.s32 $0x0;
	s14 =	simm.s32 $0x3;
	v6 =	vld [tilespmem:$0x1880];
	vm8 =	vgt.f32 v5, v9  }
.LBB2_16:
0x1d2: {  	p0 =	slt.u32 s14, $0x15;
	v9 =	vsel vm8, v5, v9;
	v5 =	vld [tilespmem:s15+$0xFFFFFFF0];
	v8 =	vsel vm8, s13, v8;
	s16 =	smov.u32 s14;
	s14 =	sadd.s32 $0x2, s14  }
.Ltmp7:
0x1d3: {  	s17 =	sadd.s32 $0x1, s13;
	vm8 =	vgt.f32 v7, v9;
	s13 =	smov.u32 s16;
	(pc) =	sbr.rel @p0 .LBB2_16-.Ltmp7, $2  }
0x1d4: {  	v9 =	vsel vm8, v7, v9;
	v7 =	vld [tilespmem:s15+$0x0];
	v8 =	vsel vm8, s17, v8;
	_ =	sdelay $0x2  }
0x1d5: {  	s15 =	sadd.s32 $0x20, s15;
	vm8 =	vgt.f32 v5, v9  }
0x1d6: {  	v5 =	vsel vm8, v5, v9  }
0x1d7: {  	vm9 =	vgt.f32 v7, v5  }
0x1d8: {  	v7 =	vsel vm9, v7, v5  }
0x1d9: {  	(xrf0) =	vmax.scan.msk.f32 $0xffff, v7;
	_ =	sdelay $0x5  }
0x1da: {  	s29 =	sadd.s32 $0x1, s13;
	v5 =	vsel vm8, s13, v8;
	v8, _, _ =	vpop (xrf0)  }
0x1db: {  	v9 =	vsel vm9, s29, v5;
	v5 =	vbroadcast v8, $0xF  }
0x1dc: {  	v8 =	vshll.u32 v9, $0x4  }
0x1dd: {  	vm8 =	veq.f32 v7, v5;
	v7 =	vxor.u32 v1, v8  }
0x1de: {  	v7 =	vnsel vm8, $0xC0000000, v7  }
0x1df: {  	(xrf0) =	vmin.scan.msk.u32 $0xffff, v7;
	_ =	sdelay $0x5  }
0x1e0: {  	v7, _, _ =	vpop (xrf0)  }
0x1e1: {  	(v2sf) =	vpush v7, $0xF;
	_ =	sdelay $0xe  }
0x1e2: {  	s30 =	spop (v2sf)  }
0x1e3: {  	s13 =	sxor.u32 $0x80000000, s30  }
0x1e4: {  	s14 =	simm.s32 $0x710;
	s15 =	simm.s32 $0x0;
	v11 =	vmov s13  }
0x1e5: {  	v12 =	vld [tilespmem:s14+$0xFFFFFFF0];
	s15 =	sand.u32 $0x1E0, s15;
	v8 =	vadd.s32 $0x380, v11  }
0x1e6: {  	v13 =	vld [tilespmem:s15+$0x1180];
	v9 =	vadd.s32 $0x700, v11  }
0x1e7: {  	v14 =	vld [tilespmem:s15+$0xA80];
	v10 =	vadd.s32 $0xA80, v11  }
0x1e8: {  	v15 =	vld [tilespmem:s15+$0xE00]  }
0x1e9: {  	v7 =	vld.idx.msk [tilespmem:v11+s9+$0x0], $0xffff  }
0x1ea: {  	v8 =	vld.idx.msk [tilespmem:v8+s9+$0x0], $0xffff  }
0x1eb: {  	v9 =	vld.idx.msk [tilespmem:v9+s9+$0x0], $0xffff  }
0x1ec: {  	v11 =	vadd.s32 $0xE00, v11;
	v10 =	vld.idx.msk [tilespmem:v10+s9+$0x0], $0xffff;
	_ =	sdelay $0x3  }
0x1ed: {  	v12 =	vmax.f32 v12, v7  }
0x1ee: {  	v11 =	vld.idx.msk [tilespmem:v11+s9+$0x0], $0xffff;
	v13 =	vmin.f32 v13, v10;
	v14 =	vmax.f32 v14, v8;
	v15 =	vmin.f32 v15, v9  }
0x1ef: {  	v13 =	vsub.f32 v13, v14;
	v12 =	vsub.f32 v15, v12;
	v14 =	vld [tilespmem:s15+$0x1500];
	_ =	sdelay $0x1  }
0x1f0: {  	v12 =	vmax.f32 v12, $0.0e+00;
	v13 =	vmax.f32 v13, $0.0e+00  }
0x1f1: {  	v12 =	vmul.f32 v13, v12  }
0x1f2: {  	s16 =	simm.s32 $0x390;
	v11 =	vmul.f32 v11, v6  }
0x1f3: {  	v13 =	vld [tilespmem:s16+$0xFFFFFFF0];
	v15 =	vmul.f32 v12, v6;
	v14 =	vmul.f32 v14, v6;
	_ =	sdelay $0x1  }
0x1f4: {  	v12 =	vadd.f32 v15, v12;
	v14 =	vadd.f32 v14, v11;
	_ =	sdelay $0x1  }
0x1f5: {  	vm8 =	vgt.f32 v12, v14  }
0x1f6: {  	v14 =	vsel vm8, $0xF149F2CA, v13  }
0x1f7: {  	s17 =	simm.s32 $0x10;
	[tilespmem:s16+$0xFFFFFFF0] =	vst v14  }
0x1f8: {  	s31 =	sand.u32 $0x1F0, s17;
	v12 =	vld [tilespmem:s14+$0x0]  }
0x1f9: {  	v13 =	vld [tilespmem:s31+$0x1180]  }
0x1fa: {  	v15 =	vld [tilespmem:s31+$0xE00]  }
0x1fb: {  	v16 =	vld [tilespmem:s31+$0xA80];
	_ =	sdelay $0x3  }
0x1fc: {  	v12 =	vmax.f32 v12, v7  }
0x1fd: {  	v17 =	vld [tilespmem:s31+$0x1500];
	v13 =	vmin.f32 v13, v10;
	v15 =	vmin.f32 v15, v9;
	v16 =	vmax.f32 v16, v8  }
0x1fe: {  	v12 =	vsub.f32 v15, v12;
	v13 =	vsub.f32 v13, v16;
	_ =	sdelay $0x1  }
0x1ff: {  	v12 =	vmax.f32 v12, $0.0e+00;
	v13 =	vmax.f32 v13, $0.0e+00  }
0x200: {  	v16 =	vmul.f32 v13, v12  }
0x201: {  	v17 =	vmul.f32 v17, v6  }
0x202: {  	v15 =	vld [tilespmem:s16+$0x0];
	v13 =	vimm.f32 $-1.000000020e+30;
	v18 =	vmul.f32 v16, v6  }
0x203: {  	s18 =	simm.s32 $0x2;
	s19 =	simm.s32 $0x390;
	s15 =	simm.s32 $0x0;
	v17 =	vadd.f32 v17, v11;
	v12 =	vimm.s32 $0x0;
	vm8 =	vgt.f32 v14, v13  }
.LBB2_18:
0x204: {  	v16 =	vadd.f32 v18, v16;
	s17 =	sadd.s32 $0x20, s17;
	s16 =	sadd.s32 $0x20, s16;
	s14 =	sadd.s32 $0x20, s14  }
0x205: {  	p0 =	slt.u32 s18, $0x14;
	s20 =	smov.u32 s18;
	s18 =	sadd.s32 $0x2, s18  }
0x206: {  	v13 =	vsel vm8, v14, v13;
	vm9 =	vgt.f32 v16, v17  }
0x207: {  	v12 =	vsel vm8, s15, v12;
	s21 =	sadd.s32 $0x1, s15;
	s15 =	smov.u32 s20;
	v14 =	vsel vm9, $0xF149F2CA, v15  }
0x208: {  	s20 =	sadd.s32 $0xFFFFFFF0, s17;
	[tilespmem:s19+$0x0] =	vst v14;
	vm8 =	vgt.f32 v14, v13;
	s19 =	smov.u32 s16  }
0x209: {  	s20 =	sand.u32 $0x1E0, s20;
	v15 =	vld [tilespmem:s14+$0xFFFFFFF0];
	v13 =	vsel vm8, v14, v13;
	v12 =	vsel vm8, s21, v12  }
0x20a: {  	v14 =	vld [tilespmem:s20+$0x1180]  }
0x20b: {  	v16 =	vld [tilespmem:s20+$0xA80]  }
0x20c: {  	v17 =	vld [tilespmem:s20+$0xE00];
	_ =	sdelay $0x2  }
0x20d: {  	v14 =	vmin.f32 v14, v10  }
0x20e: {  	v16 =	vmax.f32 v16, v8  }
0x20f: {  	v15 =	vmax.f32 v15, v7;
	v17 =	vmin.f32 v17, v9;
	v14 =	vsub.f32 v14, v16  }
0x210: {  	v15 =	vsub.f32 v17, v15;
	v16 =	vld [tilespmem:s20+$0x1500];
	_ =	sdelay $0x1  }
0x211: {  	v14 =	vmax.f32 v14, $0.0e+00;
	v15 =	vmax.f32 v15, $0.0e+00  }
0x212: {  	v14 =	vmul.f32 v14, v15;
	_ =	sdelay $0x1  }
0x213: {  	v15 =	vld [tilespmem:s16+$0xFFFFFFF0];
	v17 =	vmul.f32 v14, v6;
	v16 =	vmul.f32 v16, v6;
	_ =	sdelay $0x1  }
0x214: {  	v14 =	vadd.f32 v17, v14;
	v16 =	vadd.f32 v16, v11;
	_ =	sdelay $0x1  }
0x215: {  	vm8 =	vgt.f32 v14, v16  }
0x216: {  	v14 =	vsel vm8, $0xF149F2CA, v15  }
0x217: {  	[tilespmem:s16+$0xFFFFFFF0] =	vst v14;
	vm8 =	vgt.f32 v14, v13  }
0x218: {  	s20 =	sand.u32 $0x1F0, s17;
	v15 =	vld [tilespmem:s14+$0x0]  }
0x219: {  	v16 =	vld [tilespmem:s20+$0x1180]  }
0x21a: {  	v17 =	vld [tilespmem:s20+$0xE00]  }
0x21b: {  	v18 =	vld [tilespmem:s20+$0xA80];
	_ =	sdelay $0x1  }
0x21c: {  	v15 =	vmax.f32 v15, v7  }
0x21d: {  	v16 =	vmin.f32 v16, v10  }
0x21e: {  	v17 =	vmin.f32 v17, v9  }
0x21f: {  	v18 =	vmax.f32 v18, v8;
	v15 =	vsub.f32 v17, v15;
	v17 =	vld [tilespmem:s20+$0x1500]  }
0x220: {  	v16 =	vsub.f32 v16, v18  }
0x221: {  	v15 =	vmax.f32 v15, $0.0e+00  }
.Ltmp8:
0x222: {  	v16 =	vmax.f32 v16, $0.0e+00;
	(pc) =	sbr.rel @p0 .LBB2_18-.Ltmp8, $4  }
0x223: {  	v16 =	vmul.f32 v16, v15  }
0x224: {  	v15 =	vld [tilespmem:s16+$0x0];
	v17 =	vmul.f32 v17, v6  }
0x225: {  	v18 =	vmul.f32 v16, v6  }
0x226: {  	v17 =	vadd.f32 v17, v11  }
0x227: {  	v16 =	vadd.f32 v18, v16;
	_ =	sdelay $0x1  }
0x228: {  	vm9 =	vgt.f32 v16, v17  }
0x229: {  	v15 =	vsel vm9, $0xF149F2CA, v15  }
0x22a: {  	[tilespmem:s19+$0x0] =	vst v15  }
0x22b: {  	v61 =	vld [tilespmem:$0x860]  }
0x22c: {  	v62 =	vld [tilespmem:$0xBE0]  }
0x22d: {  	v63 =	vld [tilespmem:$0xF60]  }
0x22e: {  	v19 =	vld [tilespmem:$0x12E0];
	_ =	sdelay $0x3  }
0x22f: {  	v7 =	vmax.f32 v61, v7  }
0x230: {  	v8 =	vmax.f32 v62, v8;
	v9 =	vmin.f32 v63, v9;
	v10 =	vmin.f32 v19, v10  }
0x231: {  	v7 =	vsub.f32 v9, v7;
	v8 =	vsub.f32 v10, v8;
	v9 =	vld [tilespmem:$0x1660];
	_ =	sdelay $0x1  }
0x232: {  	v7 =	vmax.f32 v7, $0.0e+00;
	v8 =	vmax.f32 v8, $0.0e+00  }
0x233: {  	v7 =	vmul.f32 v8, v7;
	_ =	sdelay $0x1  }
0x234: {  	v8 =	vld [tilespmem:$0x4E0];
	v10 =	vmul.f32 v7, v6;
	v6 =	vmul.f32 v9, v6;
	_ =	sdelay $0x1  }
0x235: {  	v7 =	vadd.f32 v10, v7;
	v6 =	vadd.f32 v6, v11;
	_ =	sdelay $0x1  }
0x236: {  	vm9 =	vgt.f32 v7, v6  }
0x237: {  	v7 =	vsel vm9, $0xF149F2CA, v8  }
0x238: {  	s16 =	simm.s32 $0x510;
	v10 =	vld [tilespmem:$0x4F0];
	[tilespmem:$0x4E0] =	vst v7  }
0x239: {  	v8 =	vsel vm8, v14, v13;
	v6 =	vld [tilespmem:s16+$0xFFFFFFF0]  }
0x23a: {  	v12 =	vsel vm8, s15, v12;
	s14 =	sadd.s32 $0x1, s15;
	vm9 =	vgt.f32 v15, v8  }
0x23b: {  	v9 =	vsel vm9, v15, v8;
	v8 =	vsel vm9, s14, v12;
	v12 =	vld [tilespmem:s16+$0x0];
	_ =	sdelay $0x2  }
0x23c: {  	s15 =	simm.s32 $0x3;
	v11 =	vld [tilespmem:$0x1890];
	v13 =	vimm.s32 $0x0;
	s14 =	simm.s32 $0x1;
	s16 =	simm.s32 $0x530;
	vm8 =	vgt.f32 v6, v10  }
.LBB2_20:
0x23d: {  	p0 =	slt.u32 s15, $0xD;
	v10 =	vsel vm8, v6, v10;
	v6 =	vld [tilespmem:s16+$0xFFFFFFF0];
	v13 =	vsel vm8, s14, v13;
	s17 =	smov.u32 s15;
	s15 =	sadd.s32 $0x2, s15  }
.Ltmp9:
0x23e: {  	s18 =	sadd.s32 $0x1, s14;
	vm8 =	vgt.f32 v12, v10;
	s14 =	smov.u32 s17;
	(pc) =	sbr.rel @p0 .LBB2_20-.Ltmp9, $2  }
0x23f: {  	v10 =	vsel vm8, v12, v10;
	v12 =	vld [tilespmem:s16+$0x0];
	v13 =	vsel vm8, s18, v13;
	_ =	sdelay $0x2  }
0x240: {  	s16 =	sadd.s32 $0x20, s16;
	vm8 =	vgt.f32 v6, v10  }
0x241: {  	v14 =	vld [tilespmem:$0x5E0];
	_ =	sdelay $0x1  }
0x242: {  	v6 =	vsel vm8, v6, v10  }
0x243: {  	vm9 =	vgt.f32 v12, v6  }
0x244: {  	v6 =	vsel vm9, v12, v6  }
0x245: {  	vm10 =	vgt.f32 v14, v6  }
0x246: {  	v10 =	vsel vm10, v14, v6  }
0x247: {  	(xrf0) =	vmax.scan.msk.f32 $0xffff, v10;
	_ =	sdelay $0x4  }
0x248: {  	s31 =	sadd.s32 $0x1, s14;
	v6 =	vsel vm8, s14, v13  }
0x249: {  	v6 =	vsel vm9, s31, v6;
	v12, _, _ =	vpop (xrf0)  }
0x24a: {  	v13 =	vshll.u32 v6, $0x4;
	v6 =	vbroadcast v12, $0xF  }
0x24b: {  	v12 =	vxor.u32 v1, v13  }
0x24c: {  	vm8 =	veq.f32 v10, v6;
	v10 =	vsel vm10, v2, v12  }
0x24d: {  	v10 =	vnsel vm8, $0xC0000000, v10  }
0x24e: {  	(xrf0) =	vmin.scan.msk.u32 $0xffff, v10;
	_ =	sdelay $0x5  }
0x24f: {  	v10, _, _ =	vpop (xrf0)  }
0x250: {  	(v2sf) =	vpush v10, $0xF;
	_ =	sdelay $0xe  }
0x251: {  	s14 =	spop (v2sf)  }
0x252: {  	s15 =	sadd.s32 $0x80000170, s14  }
0x253: {  	v15 =	vmov s15;
	s15 =	simm.s32 $0xF70  }
0x254: {  	v12 =	vadd.s32 $0x380, v15;
	v16 =	vld [tilespmem:s15+$0x380]  }
0x255: {  	v13 =	vadd.s32 $0x700, v15;
	v17 =	vld [tilespmem:s15+$0x0]  }
0x256: {  	v14 =	vadd.s32 $0xA80, v15;
	v18 =	vld [tilespmem:s15+$0xFFFFFC80]  }
0x257: {  	v19 =	vld [tilespmem:s15+$0xFFFFF900]  }
0x258: {  	v10 =	vld.idx.msk [tilespmem:v15+s9+$0x0], $0xffff  }
0x259: {  	v12 =	vld.idx.msk [tilespmem:v12+s9+$0x0], $0xffff  }
0x25a: {  	v13 =	vld.idx.msk [tilespmem:v13+s9+$0x0], $0xffff  }
0x25b: {  	v15 =	vadd.s32 $0xE00, v15;
	v14 =	vld.idx.msk [tilespmem:v14+s9+$0x0], $0xffff;
	_ =	sdelay $0x3  }
0x25c: {  	v19 =	vmax.f32 v19, v10  }
0x25d: {  	v15 =	vld.idx.msk [tilespmem:v15+s9+$0x0], $0xffff;
	v17 =	vmin.f32 v17, v13;
	v18 =	vmax.f32 v18, v12;
	v16 =	vmin.f32 v16, v14  }
0x25e: {  	v16 =	vsub.f32 v16, v18;
	v17 =	vsub.f32 v17, v19;
	v18 =	vld [tilespmem:s15+$0x700];
	_ =	sdelay $0x1  }
0x25f: {  	v16 =	vmax.f32 v16, $0.0e+00;
	v17 =	vmax.f32 v17, $0.0e+00  }
0x260: {  	v16 =	vmul.f32 v16, v17  }
0x261: {  	s16 =	simm.s32 $0x500;
	v15 =	vmul.f32 v15, v11  }
0x262: {  	v17 =	vld [tilespmem:s16+$0xFFFFFFF0];
	v19 =	vmul.f32 v16, v11;
	v18 =	vmul.f32 v18, v11;
	_ =	sdelay $0x1  }
0x263: {  	v16 =	vadd.f32 v19, v16;
	v18 =	vadd.f32 v18, v15;
	_ =	sdelay $0x1  }
0x264: {  	vm8 =	vgt.f32 v16, v18  }
0x265: {  	v17 =	vsel vm8, $0xF149F2CA, v17  }
0x266: {  	[tilespmem:s16+$0xFFFFFFF0] =	vst v17  }
0x267: {  	v16 =	vld [tilespmem:s15+$0x390]  }
0x268: {  	v18 =	vld [tilespmem:s15+$0xFFFFF910]  }
0x269: {  	v19 =	vld [tilespmem:s15+$0x10]  }
0x26a: {  	v20 =	vld [tilespmem:s15+$0xFFFFFC90];
	_ =	sdelay $0x3  }
0x26b: {  	v16 =	vmin.f32 v16, v14  }
0x26c: {  	v18 =	vmax.f32 v18, v10;
	v19 =	vmin.f32 v19, v13;
	v20 =	vmax.f32 v20, v12  }
0x26d: {  	v18 =	vsub.f32 v19, v18;
	v19 =	vld [tilespmem:s15+$0x710];
	v16 =	vsub.f32 v16, v20;
	_ =	sdelay $0x1  }
0x26e: {  	v18 =	vmax.f32 v18, $0.0e+00;
	v16 =	vmax.f32 v16, $0.0e+00  }
0x26f: {  	v20 =	vmul.f32 v16, v18;
	v18 =	vimm.f32 $-1.000000020e+30  }
0x270: {  	vm8 =	vgt.f32 v17, v18  }
0x271: {  	v19 =	vmul.f32 v19, v11;
	v21 =	vmul.f32 v20, v11;
	v17 =	vsel vm8, v17, v18;
	v18 =	vld [tilespmem:s16+$0x0];
	_ =	sdelay $0x1  }
0x272: {  	s18 =	simm.s32 $0x0;
	s19 =	simm.s32 $0x2;
	s17 =	simm.s32 $0x500;
	v16 =	vimm.s32 $0x0;
	v19 =	vadd.f32 v19, v15;
	v20 =	vadd.f32 v21, v20  }
.LBB2_22:
0x273: {  	_ = 	snop  }
0x274: {  	p0 =	slt.u32 s19, $0xE;
	s15 =	sadd.s32 $0x20, s15;
	s16 =	sadd.s32 $0x20, s16;
	vm9 =	vgt.f32 v20, v19  }
0x275: {  	v16 =	vsel vm8, s18, v16;
	s20 =	sadd.s32 $0x1, s18;
	s18 =	smov.u32 s19;
	s19 =	sadd.s32 $0x2, s19;
	v18 =	vsel vm9, $0xF149F2CA, v18  }
0x276: {  	[tilespmem:s17+$0x0] =	vst v18;
	vm8 =	vgt.f32 v18, v17;
	s17 =	smov.u32 s16  }
0x277: {  	v19 =	vld [tilespmem:s15+$0x380];
	v17 =	vsel vm8, v18, v17;
	v16 =	vsel vm8, s20, v16  }
0x278: {  	v18 =	vld [tilespmem:s15+$0x0]  }
0x279: {  	v20 =	vld [tilespmem:s15+$0xFFFFFC80]  }
0x27a: {  	v21 =	vld [tilespmem:s15+$0xFFFFF900];
	_ =	sdelay $0x2  }
0x27b: {  	v18 =	vmin.f32 v18, v13  }
0x27c: {  	v19 =	vmin.f32 v19, v14;
	v20 =	vmax.f32 v20, v12  }
0x27d: {  	v21 =	vmax.f32 v21, v10;
	v19 =	vsub.f32 v19, v20  }
0x27e: {  	v18 =	vsub.f32 v18, v21;
	v20 =	vld [tilespmem:s15+$0x700]  }
0x27f: {  	v19 =	vmax.f32 v19, $0.0e+00  }
0x280: {  	v18 =	vmax.f32 v18, $0.0e+00  }
0x281: {  	v18 =	vmul.f32 v19, v18;
	_ =	sdelay $0x1  }
0x282: {  	v19 =	vld [tilespmem:s16+$0xFFFFFFF0];
	v21 =	vmul.f32 v18, v11;
	v20 =	vmul.f32 v20, v11;
	_ =	sdelay $0x1  }
0x283: {  	v18 =	vadd.f32 v21, v18;
	v20 =	vadd.f32 v20, v15;
	_ =	sdelay $0x1  }
0x284: {  	vm8 =	vgt.f32 v18, v20  }
0x285: {  	v18 =	vsel vm8, $0xF149F2CA, v19  }
0x286: {  	[tilespmem:s16+$0xFFFFFFF0] =	vst v18;
	vm8 =	vgt.f32 v18, v17  }
0x287: {  	v17 =	vsel vm8, v18, v17;
	v18 =	vld [tilespmem:s15+$0x390]  }
0x288: {  	v19 =	vld [tilespmem:s15+$0xFFFFF910]  }
0x289: {  	v20 =	vld [tilespmem:s15+$0x10]  }
0x28a: {  	v21 =	vld [tilespmem:s15+$0xFFFFFC90];
	_ =	sdelay $0x1  }
0x28b: {  	v18 =	vmin.f32 v18, v14  }
0x28c: {  	v19 =	vmax.f32 v19, v10  }
0x28d: {  	v20 =	vmin.f32 v20, v13  }
0x28e: {  	v21 =	vmax.f32 v21, v12;
	v19 =	vsub.f32 v20, v19;
	v20 =	vld [tilespmem:s15+$0x710]  }
0x28f: {  	v18 =	vsub.f32 v18, v21  }
0x290: {  	v19 =	vmax.f32 v19, $0.0e+00  }
0x291: {  	v18 =	vmax.f32 v18, $0.0e+00  }
.Ltmp10:
0x292: {  	v21 =	vmul.f32 v18, v19;
	(pc) =	sbr.rel @p0 .LBB2_22-.Ltmp10, $4  }
0x293: {  	v18 =	vld [tilespmem:s16+$0x0];
	v19 =	vmul.f32 v20, v11  }
0x294: {  	v20 =	vmul.f32 v21, v11  }
0x295: {  	v19 =	vadd.f32 v19, v15  }
0x296: {  	v20 =	vadd.f32 v20, v21  }
0x297: {  	_ = 	snop  }
0x298: {  	vm9 =	vgt.f32 v20, v19  }
0x299: {  	v12 =	vsel vm9, $0xF149F2CA, v18  }
0x29a: {  	vm9 =	vgt.f32 v12, v17  }
0x29b: {  	v13 =	vsel vm9, v12, v17  }
0x29c: {  	(xrf0) =	vmax.scan.msk.f32 $0xffff, v13;
	_ =	sdelay $0x5  }
0x29d: {  	v10 =	vsel vm8, s18, v16;
	s15 =	sadd.s32 $0x1, s18;
	v14, _, _ =	vpop (xrf0)  }
0x29e: {  	v15 =	vsel vm9, s15, v10;
	v10 =	vbroadcast v14, $0xF  }
0x29f: {  	v14 =	vshll.u32 v15, $0x4  }
0x2a0: {  	vm8 =	veq.f32 v13, v10;
	v13 =	vxor.u32 v1, v14  }
0x2a1: {  	v13 =	vnsel vm8, $0xC0000000, v13  }
0x2a2: {  	(xrf0) =	vmin.scan.msk.u32 $0xffff, v13;
	_ =	sdelay $0x5  }
0x2a3: {  	v13, _, _ =	vpop (xrf0)  }
0x2a4: {  	(v2sf) =	vpush v13, $0xF;
	_ =	sdelay $0xe  }
0x2a5: {  	s15 =	spop (v2sf)  }
0x2a6: {  	s16 =	sadd.s32 $0x80000170, s15  }
0x2a7: {  	[tilespmem:s17+$0x0] =	vst v12;
	v16 =	vmov s16;
	s16 =	simm.s32 $0xF70  }
0x2a8: {  	v13 =	vadd.s32 $0x380, v16;
	v17 =	vld [tilespmem:s16+$0x380]  }
0x2a9: {  	v14 =	vadd.s32 $0x700, v16;
	v18 =	vld [tilespmem:s16+$0x0]  }
0x2aa: {  	v15 =	vadd.s32 $0xA80, v16;
	v19 =	vld [tilespmem:s16+$0xFFFFFC80]  }
0x2ab: {  	v20 =	vld [tilespmem:s16+$0xFFFFF900]  }
0x2ac: {  	v12 =	vld.idx.msk [tilespmem:v16+s9+$0x0], $0xffff  }
0x2ad: {  	v13 =	vld.idx.msk [tilespmem:v13+s9+$0x0], $0xffff  }
0x2ae: {  	v14 =	vld.idx.msk [tilespmem:v14+s9+$0x0], $0xffff  }
0x2af: {  	v16 =	vadd.s32 $0xE00, v16;
	v15 =	vld.idx.msk [tilespmem:v15+s9+$0x0], $0xffff;
	_ =	sdelay $0x3  }
0x2b0: {  	v20 =	vmax.f32 v20, v12  }
0x2b1: {  	v16 =	vld.idx.msk [tilespmem:v16+s9+$0x0], $0xffff;
	v18 =	vmin.f32 v18, v14;
	v19 =	vmax.f32 v19, v13;
	v17 =	vmin.f32 v17, v15  }
0x2b2: {  	v17 =	vsub.f32 v17, v19;
	v18 =	vsub.f32 v18, v20;
	v19 =	vld [tilespmem:s16+$0x700];
	_ =	sdelay $0x1  }
0x2b3: {  	v17 =	vmax.f32 v17, $0.0e+00;
	v18 =	vmax.f32 v18, $0.0e+00  }
0x2b4: {  	v17 =	vmul.f32 v17, v18  }
0x2b5: {  	s17 =	simm.s32 $0x500;
	v16 =	vmul.f32 v16, v11  }
0x2b6: {  	v18 =	vld [tilespmem:s17+$0xFFFFFFF0];
	v20 =	vmul.f32 v17, v11;
	v19 =	vmul.f32 v19, v11;
	_ =	sdelay $0x1  }
0x2b7: {  	v17 =	vadd.f32 v20, v17;
	v19 =	vadd.f32 v19, v16;
	_ =	sdelay $0x1  }
0x2b8: {  	vm8 =	vgt.f32 v17, v19  }
0x2b9: {  	v18 =	vsel vm8, $0xF149F2CA, v18  }
0x2ba: {  	[tilespmem:s17+$0xFFFFFFF0] =	vst v18  }
0x2bb: {  	v17 =	vld [tilespmem:s16+$0x390]  }
0x2bc: {  	v19 =	vld [tilespmem:s16+$0xFFFFF910]  }
0x2bd: {  	v20 =	vld [tilespmem:s16+$0x10]  }
0x2be: {  	v21 =	vld [tilespmem:s16+$0xFFFFFC90];
	_ =	sdelay $0x3  }
0x2bf: {  	v17 =	vmin.f32 v17, v15  }
0x2c0: {  	v19 =	vmax.f32 v19, v12;
	v20 =	vmin.f32 v20, v14;
	v21 =	vmax.f32 v21, v13  }
0x2c1: {  	v19 =	vsub.f32 v20, v19;
	v20 =	vld [tilespmem:s16+$0x710];
	v17 =	vsub.f32 v17, v21;
	_ =	sdelay $0x1  }
0x2c2: {  	v19 =	vmax.f32 v19, $0.0e+00;
	v17 =	vmax.f32 v17, $0.0e+00  }
0x2c3: {  	v21 =	vmul.f32 v17, v19;
	v19 =	vimm.f32 $-1.000000020e+30  }
0x2c4: {  	vm8 =	vgt.f32 v18, v19  }
0x2c5: {  	v20 =	vmul.f32 v20, v11;
	v22 =	vmul.f32 v21, v11;
	v18 =	vsel vm8, v18, v19;
	v19 =	vld [tilespmem:s17+$0x0];
	_ =	sdelay $0x1  }
0x2c6: {  	s18 =	simm.s32 $0x0;
	s19 =	simm.s32 $0x2;
	s20 =	simm.s32 $0x500;
	v17 =	vimm.s32 $0x0;
	v20 =	vadd.f32 v20, v16;
	v21 =	vadd.f32 v22, v21  }
.LBB2_24:
0x2c7: {  	_ = 	snop  }
0x2c8: {  	p0 =	slt.u32 s19, $0xE;
	s16 =	sadd.s32 $0x20, s16;
	s17 =	sadd.s32 $0x20, s17;
	vm9 =	vgt.f32 v21, v20  }
0x2c9: {  	v17 =	vsel vm8, s18, v17;
	s21 =	sadd.s32 $0x1, s18;
	s18 =	smov.u32 s19;
	s19 =	sadd.s32 $0x2, s19;
	v19 =	vsel vm9, $0xF149F2CA, v19  }
0x2ca: {  	[tilespmem:s20+$0x0] =	vst v19;
	vm8 =	vgt.f32 v19, v18;
	s20 =	smov.u32 s17  }
0x2cb: {  	v20 =	vld [tilespmem:s16+$0x380];
	v18 =	vsel vm8, v19, v18;
	v17 =	vsel vm8, s21, v17  }
0x2cc: {  	v19 =	vld [tilespmem:s16+$0x0]  }
0x2cd: {  	v21 =	vld [tilespmem:s16+$0xFFFFFC80]  }
0x2ce: {  	v22 =	vld [tilespmem:s16+$0xFFFFF900];
	_ =	sdelay $0x2  }
0x2cf: {  	v19 =	vmin.f32 v19, v14  }
0x2d0: {  	v20 =	vmin.f32 v20, v15;
	v21 =	vmax.f32 v21, v13  }
0x2d1: {  	v22 =	vmax.f32 v22, v12;
	v20 =	vsub.f32 v20, v21  }
0x2d2: {  	v19 =	vsub.f32 v19, v22;
	v21 =	vld [tilespmem:s16+$0x700]  }
0x2d3: {  	v20 =	vmax.f32 v20, $0.0e+00  }
0x2d4: {  	v19 =	vmax.f32 v19, $0.0e+00  }
0x2d5: {  	v19 =	vmul.f32 v20, v19;
	_ =	sdelay $0x1  }
0x2d6: {  	v20 =	vld [tilespmem:s17+$0xFFFFFFF0];
	v22 =	vmul.f32 v19, v11;
	v21 =	vmul.f32 v21, v11;
	_ =	sdelay $0x1  }
0x2d7: {  	v19 =	vadd.f32 v22, v19;
	v21 =	vadd.f32 v21, v16;
	_ =	sdelay $0x1  }
0x2d8: {  	vm8 =	vgt.f32 v19, v21  }
0x2d9: {  	v19 =	vsel vm8, $0xF149F2CA, v20  }
0x2da: {  	[tilespmem:s17+$0xFFFFFFF0] =	vst v19;
	vm8 =	vgt.f32 v19, v18  }
0x2db: {  	v18 =	vsel vm8, v19, v18;
	v19 =	vld [tilespmem:s16+$0x390]  }
0x2dc: {  	v20 =	vld [tilespmem:s16+$0xFFFFF910]  }
0x2dd: {  	v21 =	vld [tilespmem:s16+$0x10]  }
0x2de: {  	v22 =	vld [tilespmem:s16+$0xFFFFFC90];
	_ =	sdelay $0x1  }
0x2df: {  	v19 =	vmin.f32 v19, v15  }
0x2e0: {  	v20 =	vmax.f32 v20, v12  }
0x2e1: {  	v21 =	vmin.f32 v21, v14  }
0x2e2: {  	v22 =	vmax.f32 v22, v13;
	v20 =	vsub.f32 v21, v20;
	v21 =	vld [tilespmem:s16+$0x710]  }
0x2e3: {  	v19 =	vsub.f32 v19, v22  }
0x2e4: {  	v20 =	vmax.f32 v20, $0.0e+00  }
0x2e5: {  	v19 =	vmax.f32 v19, $0.0e+00  }
.Ltmp11:
0x2e6: {  	v22 =	vmul.f32 v19, v20;
	(pc) =	sbr.rel @p0 .LBB2_24-.Ltmp11, $4  }
0x2e7: {  	v19 =	vld [tilespmem:s17+$0x0];
	v20 =	vmul.f32 v21, v11  }
0x2e8: {  	v21 =	vmul.f32 v22, v11  }
0x2e9: {  	v20 =	vadd.f32 v20, v16  }
0x2ea: {  	v21 =	vadd.f32 v21, v22  }
0x2eb: {  	_ = 	snop  }
0x2ec: {  	vm9 =	vgt.f32 v21, v20  }
0x2ed: {  	v12 =	vsel vm9, $0xF149F2CA, v19  }
0x2ee: {  	[tilespmem:s20+$0x0] =	vst v12  }
0x2ef: {  	s19 =	simm.s32 $0x610;
	v15 =	vld [tilespmem:$0x5F0]  }
0x2f0: {  	v11 =	vld [tilespmem:s19+$0xFFFFFFF0];
	_ =	sdelay $0x1  }
0x2f1: {  	v16 =	vld [tilespmem:s19+$0x0];
	_ =	sdelay $0x1  }
0x2f2: {  	v13 =	vsel vm8, s18, v17;
	s16 =	sadd.s32 $0x1, s18;
	v17 =	vimm.s32 $0x0;
	vm9 =	vgt.f32 v12, v18  }
0x2f3: {  	s17 =	simm.s32 $0x3;
	s18 =	simm.s32 $0x630;
	v12 =	vsel vm9, v12, v18;
	v14 =	vld [tilespmem:$0x18A0];
	v13 =	vsel vm9, s16, v13;
	s16 =	simm.s32 $0x1;
	vm8 =	vgt.f32 v11, v15  }
.LBB2_26:
0x2f4: {  	p0 =	slt.u32 s17, $0xF;
	v15 =	vsel vm8, v11, v15;
	v11 =	vld [tilespmem:s18+$0xFFFFFFF0];
	v17 =	vsel vm8, s16, v17;
	s19 =	smov.u32 s17;
	s17 =	sadd.s32 $0x2, s17  }
.Ltmp12:
0x2f5: {  	s20 =	sadd.s32 $0x1, s16;
	vm8 =	vgt.f32 v16, v15;
	s16 =	smov.u32 s19;
	(pc) =	sbr.rel @p0 .LBB2_26-.Ltmp12, $2  }
0x2f6: {  	v15 =	vsel vm8, v16, v15;
	v16 =	vld [tilespmem:s18+$0x0];
	v17 =	vsel vm8, s20, v17;
	_ =	sdelay $0x2  }
0x2f7: {  	s18 =	sadd.s32 $0x20, s18;
	vm8 =	vgt.f32 v11, v15  }
0x2f8: {  	v11 =	vsel vm8, v11, v15  }
0x2f9: {  	vm9 =	vgt.f32 v16, v11  }
0x2fa: {  	v15 =	vsel vm9, v16, v11  }
0x2fb: {  	(xrf0) =	vmax.scan.msk.f32 $0xffff, v15;
	_ =	sdelay $0x5  }
0x2fc: {  	s31 =	sadd.s32 $0x1, s16;
	v11 =	vsel vm8, s16, v17;
	v16, _, _ =	vpop (xrf0)  }
0x2fd: {  	v17 =	vsel vm9, s31, v11;
	v11 =	vbroadcast v16, $0xF  }
0x2fe: {  	v16 =	vshll.u32 v17, $0x4  }
0x2ff: {  	vm8 =	veq.f32 v15, v11;
	v15 =	vxor.u32 v1, v16  }
0x300: {  	v15 =	vnsel vm8, $0xC0000000, v15  }
0x301: {  	(xrf0) =	vmin.scan.msk.u32 $0xffff, v15;
	_ =	sdelay $0x5  }
0x302: {  	v15, _, _ =	vpop (xrf0)  }
0x303: {  	(v2sf) =	vpush v15, $0xF;
	_ =	sdelay $0xe  }
0x304: {  	s16 =	spop (v2sf)  }
0x305: {  	s17 =	sadd.s32 $0x80000270, s16  }
0x306: {  	s18 =	simm.s32 $0x1070;
	v19 =	vmov s17  }
0x307: {  	v20 =	vld [tilespmem:s18+$0x380];
	v16 =	vadd.s32 $0x380, v19  }
0x308: {  	v21 =	vld [tilespmem:s18+$0x0];
	v17 =	vadd.s32 $0x700, v19  }
0x309: {  	v22 =	vld [tilespmem:s18+$0xFFFFFC80];
	v18 =	vadd.s32 $0xA80, v19  }
0x30a: {  	v23 =	vld [tilespmem:s18+$0xFFFFF900]  }
0x30b: {  	v15 =	vld.idx.msk [tilespmem:v19+s9+$0x0], $0xffff  }
0x30c: {  	v16 =	vld.idx.msk [tilespmem:v16+s9+$0x0], $0xffff  }
0x30d: {  	v17 =	vld.idx.msk [tilespmem:v17+s9+$0x0], $0xffff  }
0x30e: {  	v19 =	vadd.s32 $0xE00, v19;
	v18 =	vld.idx.msk [tilespmem:v18+s9+$0x0], $0xffff;
	_ =	sdelay $0x3  }
0x30f: {  	v23 =	vmax.f32 v23, v15  }
0x310: {  	v19 =	vld.idx.msk [tilespmem:v19+s9+$0x0], $0xffff;
	v21 =	vmin.f32 v21, v17;
	v22 =	vmax.f32 v22, v16;
	v20 =	vmin.f32 v20, v18  }
0x311: {  	v20 =	vsub.f32 v20, v22;
	v21 =	vsub.f32 v21, v23;
	v22 =	vld [tilespmem:s18+$0x700];
	_ =	sdelay $0x1  }
0x312: {  	v20 =	vmax.f32 v20, $0.0e+00;
	v21 =	vmax.f32 v21, $0.0e+00  }
0x313: {  	v20 =	vmul.f32 v20, v21  }
0x314: {  	s19 =	simm.s32 $0x600;
	v19 =	vmul.f32 v19, v14  }
0x315: {  	v21 =	vld [tilespmem:s19+$0xFFFFFFF0];
	v23 =	vmul.f32 v20, v14;
	v22 =	vmul.f32 v22, v14;
	_ =	sdelay $0x1  }
0x316: {  	v20 =	vadd.f32 v23, v20;
	v22 =	vadd.f32 v22, v19;
	_ =	sdelay $0x1  }
0x317: {  	vm8 =	vgt.f32 v20, v22  }
0x318: {  	v21 =	vsel vm8, $0xF149F2CA, v21  }
0x319: {  	[tilespmem:s19+$0xFFFFFFF0] =	vst v21  }
0x31a: {  	v20 =	vld [tilespmem:s18+$0x390]  }
0x31b: {  	v22 =	vld [tilespmem:s18+$0xFFFFF910]  }
0x31c: {  	v23 =	vld [tilespmem:s18+$0x10]  }
0x31d: {  	v24 =	vld [tilespmem:s18+$0xFFFFFC90];
	_ =	sdelay $0x3  }
0x31e: {  	v20 =	vmin.f32 v20, v18  }
0x31f: {  	v22 =	vmax.f32 v22, v15;
	v23 =	vmin.f32 v23, v17;
	v24 =	vmax.f32 v24, v16  }
0x320: {  	v22 =	vsub.f32 v23, v22;
	v23 =	vld [tilespmem:s18+$0x710];
	v20 =	vsub.f32 v20, v24;
	_ =	sdelay $0x1  }
0x321: {  	v22 =	vmax.f32 v22, $0.0e+00;
	v20 =	vmax.f32 v20, $0.0e+00  }
0x322: {  	v24 =	vmul.f32 v20, v22;
	v22 =	vimm.f32 $-1.000000020e+30  }
0x323: {  	vm8 =	vgt.f32 v21, v22  }
0x324: {  	v23 =	vmul.f32 v23, v14;
	v25 =	vmul.f32 v24, v14;
	v21 =	vsel vm8, v21, v22;
	v22 =	vld [tilespmem:s19+$0x0];
	_ =	sdelay $0x1  }
0x325: {  	s20 =	simm.s32 $0x2;
	s21 =	simm.s32 $0x600;
	s17 =	simm.s32 $0x0;
	v20 =	vimm.s32 $0x0;
	v23 =	vadd.f32 v23, v19;
	v24 =	vadd.f32 v25, v24  }
.LBB2_28:
0x326: {  	_ = 	snop  }
0x327: {  	p0 =	slt.u32 s20, $0xE;
	s18 =	sadd.s32 $0x20, s18;
	s19 =	sadd.s32 $0x20, s19;
	vm9 =	vgt.f32 v24, v23  }
0x328: {  	v20 =	vsel vm8, s17, v20;
	s22 =	sadd.s32 $0x1, s17;
	s17 =	smov.u32 s20;
	s20 =	sadd.s32 $0x2, s20;
	v22 =	vsel vm9, $0xF149F2CA, v22  }
0x329: {  	[tilespmem:s21+$0x0] =	vst v22;
	vm8 =	vgt.f32 v22, v21;
	s21 =	smov.u32 s19  }
0x32a: {  	v23 =	vld [tilespmem:s18+$0x380];
	v21 =	vsel vm8, v22, v21;
	v20 =	vsel vm8, s22, v20  }
0x32b: {  	v22 =	vld [tilespmem:s18+$0x0]  }
0x32c: {  	v24 =	vld [tilespmem:s18+$0xFFFFFC80]  }
0x32d: {  	v25 =	vld [tilespmem:s18+$0xFFFFF900];
	_ =	sdelay $0x2  }
0x32e: {  	v22 =	vmin.f32 v22, v17  }
0x32f: {  	v23 =	vmin.f32 v23, v18;
	v24 =	vmax.f32 v24, v16  }
0x330: {  	v25 =	vmax.f32 v25, v15;
	v23 =	vsub.f32 v23, v24  }
0x331: {  	v22 =	vsub.f32 v22, v25;
	v24 =	vld [tilespmem:s18+$0x700]  }
0x332: {  	v23 =	vmax.f32 v23, $0.0e+00  }
0x333: {  	v22 =	vmax.f32 v22, $0.0e+00  }
0x334: {  	v22 =	vmul.f32 v23, v22;
	_ =	sdelay $0x1  }
0x335: {  	v23 =	vld [tilespmem:s19+$0xFFFFFFF0];
	v25 =	vmul.f32 v22, v14;
	v24 =	vmul.f32 v24, v14;
	_ =	sdelay $0x1  }
0x336: {  	v22 =	vadd.f32 v25, v22;
	v24 =	vadd.f32 v24, v19;
	_ =	sdelay $0x1  }
0x337: {  	vm8 =	vgt.f32 v22, v24  }
0x338: {  	v22 =	vsel vm8, $0xF149F2CA, v23  }
0x339: {  	[tilespmem:s19+$0xFFFFFFF0] =	vst v22;
	vm8 =	vgt.f32 v22, v21  }
0x33a: {  	v21 =	vsel vm8, v22, v21;
	v22 =	vld [tilespmem:s18+$0x390]  }
0x33b: {  	v23 =	vld [tilespmem:s18+$0xFFFFF910]  }
0x33c: {  	v24 =	vld [tilespmem:s18+$0x10]  }
0x33d: {  	v25 =	vld [tilespmem:s18+$0xFFFFFC90];
	_ =	sdelay $0x1  }
0x33e: {  	v22 =	vmin.f32 v22, v18  }
0x33f: {  	v23 =	vmax.f32 v23, v15  }
0x340: {  	v24 =	vmin.f32 v24, v17  }
0x341: {  	v25 =	vmax.f32 v25, v16;
	v23 =	vsub.f32 v24, v23;
	v24 =	vld [tilespmem:s18+$0x710]  }
0x342: {  	v22 =	vsub.f32 v22, v25  }
0x343: {  	v23 =	vmax.f32 v23, $0.0e+00  }
0x344: {  	v22 =	vmax.f32 v22, $0.0e+00  }
.Ltmp13:
0x345: {  	v25 =	vmul.f32 v22, v23;
	(pc) =	sbr.rel @p0 .LBB2_28-.Ltmp13, $4  }
0x346: {  	v22 =	vld [tilespmem:s19+$0x0];
	v23 =	vmul.f32 v24, v14  }
0x347: {  	v24 =	vmul.f32 v25, v14  }
0x348: {  	v23 =	vadd.f32 v23, v19  }
0x349: {  	v24 =	vadd.f32 v24, v25  }
0x34a: {  	vm9 =	vgt.f32 v7, v9  }
0x34b: {  	v7 =	vsel vm9, v7, v9;
	vm10 =	vgt.f32 v24, v23  }
0x34c: {  	(xrf0) =	vmax.scan.msk.f32 $0xffff, v7;
	v43 =	vsel vm10, $0xF149F2CA, v22  }
0x34d: {  	[tilespmem:s21+$0x0] =	vst v43  }
0x34e: {  	v44 =	vld [tilespmem:$0xA70]  }
0x34f: {  	v45 =	vld [tilespmem:$0xDF0]  }
0x350: {  	v46 =	vld [tilespmem:$0x1170]  }
0x351: {  	v26 =	vld [tilespmem:$0x14F0]  }
0x352: {  	v8 =	vshll.u32 v8, $0x4;
	v25, _, _ =	vpop (xrf0)  }
0x353: {  	v8 =	vxor.u32 v1, v8;
	v25 =	vbroadcast v25, $0xF  }
0x354: {  	v3 =	vsel vm9, v3, v8  }
0x355: {  	v47 =	vmax.f32 v44, v15;
	v48 =	vmax.f32 v45, v16;
	vm15 =	veq.f32 v7, v25  }
0x356: {  	v49 =	vmin.f32 v46, v17;
	v50 =	vmin.f32 v26, v18;
	v3 =	vnsel vm15, $0xC0000000, v3  }
0x357: {  	v52 =	vld [tilespmem:$0x1870];
	v51 =	vsub.f32 v50, v48;
	(xrf0) =	vmin.scan.msk.u32 $0xffff, v3;
	v3 =	vsub.f32 v49, v47  }
0x358: {  	(xrf0) =	vmax.scan.msk.f32 $0xffff, v12  }
0x359: {  	v7 =	vmax.f32 v51, $0.0e+00;
	v3 =	vmax.f32 v3, $0.0e+00  }
0x35a: {  	v3 =	vmul.f32 v7, v3;
	_ =	sdelay $0x1  }
0x35b: {  	v53 =	vld [tilespmem:$0x6F0];
	v8 =	vmul.f32 v52, v14;
	v54 =	vmul.f32 v3, v14  }
0x35c: {  	v55, _, _ =	vpop (xrf0)  }
0x35d: {  	v8 =	vadd.f32 v8, v19;
	v56, _, _ =	vpop (xrf0);
	v3 =	vadd.f32 v54, v3  }
0x35e: {  	v13 =	vshll.u32 v13, $0x4;
	v57 =	vbroadcast v56, $0xF  }
0x35f: {  	v58 =	vxor.u32 v1, v13;
	vm12 =	vgt.f32 v43, v21;
	vm13 =	vgt.f32 v3, v8  }
0x360: {  	v9 =	vsel vm12, v43, v21;
	v3 =	vsel vm13, $0xF149F2CA, v53;
	vm14 =	veq.f32 v12, v57  }
0x361: {  	v7 =	vnsel vm14, $0xC0000000, v58;
	vm15 =	vgt.f32 v3, v9  }
0x362: {  	(xrf0) =	vmin.scan.msk.u32 $0xffff, v7;
	v59 =	vsel vm15, v3, v9  }
0x363: {  	(xrf0) =	vmax.scan.msk.f32 $0xffff, v59;
	_ =	sdelay $0x4  }
0x364: {  	v61 =	vsel vm8, s17, v20;
	s18 =	sadd.s32 $0x1, s17;
	v60, _, _ =	vpop (xrf0)  }
0x365: {  	v9 =	vsel vm12, s18, v61;
	v62, _, _ =	vpop (xrf0)  }
0x366: {  	v9 =	vshll.u32 v9, $0x4;
	v12 =	vbroadcast v62, $0xF  }
0x367: {  	(v2sf) =	vpush v55, $0xF;
	v9 =	vxor.u32 v1, v9  }
0x368: {  	v4 =	vsel vm15, v4, v9;
	vm8 =	veq.f32 v59, v12  }
0x369: {  	v4 =	vnsel vm8, $0xC0000000, v4  }
0x36a: {  	(xrf0) =	vmin.scan.msk.u32 $0xffff, v4;
	_ =	sdelay $0x2  }
0x36b: {  	(v2sf) =	vpush v60, $0xF;
	_ =	sdelay $0x2  }
0x36c: {  	v4, _, _ =	vpop (xrf0)  }
0x36d: {  	(v2sf) =	vpush v4, $0xF;
	_ =	sdelay $0x3  }
0x36e: {  	s13 =	scvt.s32.f32 s13  }
0x36f: {  	s19 =	spop (v2sf)  }
0x370: {  	v63 =	vmov s13;
	s20 =	sxor.u32 $0x80000000, s19  }
0x371: {  	s13 =	scvt.s32.f32 s20;
	v4 =	vnsel vm0, $0x0, v63  }
0x372: {  	s14 =	sadd.s32 $0x80000169, s14;
	vm8 =	veq.s32 v0, $0x1;
	v4 =	vsel vm1, v4, v5  }
0x373: {  	s21 =	scvt.s32.f32 s14;
	v4 =	vsel vm8, s13, v4  }
0x374: {  	s22 =	sadd.s32 $0x80000169, s15;
	vm8 =	veq.s32 v0, $0x2;
	v4 =	vsel vm2, v25, v4  }
0x375: {  	s24 =	scvt.s32.f32 s22;
	s23 =	spop (v2sf);
	v4 =	vsel vm8, s21, v4  }
0x376: {  	vm8 =	veq.s32 v0, $0x3;
	s25 =	sadd.s32 $0x80000169, s23;
	v4 =	vsel vm3, v4, v6  }
0x377: {  	s26 =	scvt.s32.f32 s25;
	v4 =	vsel vm8, s24, v4  }
0x378: {  	s28 =	sadd.s32 $0x8000025A, s16;
	vm8 =	veq.s32 v0, $0x4;
	v4 =	vsel vm4, v4, v10  }
0x379: {  	s29 =	scvt.s32.f32 s28;
	v4 =	vsel vm8, s26, v4;
	s30 =	spop (v2sf)  }
0x37a: {  	vm8 =	veq.s32 v0, $0x5;
	v4 =	vsel vm5, v57, v4;
	s14 =	sadd.s32 $0x8000025A, s30  }
0x37b: {  	v4 =	vsel vm8, s29, v4;
	s31 =	scvt.s32.f32 s14  }
0x37c: {  	vm8 =	veq.s32 v0, $0x6;
	v4 =	vsel vm6, v4, v11  }
0x37d: {  	s12 =	sadd.s32 $0x1, s12;
	v4 =	vsel vm8, s31, v4  }
0x37e: {  	p0 =	sne.s32 s12, s7;
	[tilespmem:$0x6F0] =	vst v3;
	v3 =	vsel vm7, v12, v4  }
.Ltmp14:
0x37f: {  	[tilespmem:$0x1910] =	vst v3;
	(pc) =	sbr.rel @p0 .LBB2_1-.Ltmp14, $4  }
0x380: {  	[hbm4b:s6+s2] =	stream.linear.scatter [tilespmem:s11], [sflag:$0x2], $0x20, $0x38;
	[tilespmem:$0x1980] =	vst v63  }
0x381: {  	_ =	swait.ge [sflag:s10], $0x20  }
0x382: {  	[sflag:s10] =	ssyncset.done $0x0  }
0x383: {  	[sflag:s10] =	ssyncadd.s32 $0xFFFFFFE0  }
0x384: {  	_ =	sfence.sel $0x180000  }
0x385: {  	[bflag:$0x0] =	sbarrier.arrive $0xFFFF  }
0x386: {  	p0 =	sne.s32 s1, $0x0;
	_ =	strace $0x90000047  }
0x387: {  	s0 =	sadd.s32 @!p0 $0x100000, s0;
	[bflag:$0x2] =	sbarrier.arrive $0xFFFF  }
0x388: {  	[sflag:s0] =	ssyncadd.tile.s32 @!p0 $0x1;
	_ =	shalt  }
.Lfunc_end2:
_tile_overlayer_lowered:
.L_overlay_start_2:
0x389: {  	(tag) =	ssettag $0x2  }
0x38a: {  	s0 =	rddreg [dreg:$0x0];
	s2 =	stileid.u32  }
0x38b: {  	s1 =	rddreg [dreg:$0x1];
	p0 =	sne.s32 s2, $0x0  }
0x38c: {  	s3 =	rddreg [dreg:$0x2];
	[bflag:$0x3] =	sbarrier.arrive $0xFFFF;
	s2 =	simm.s32 @!p0 $0x1C02  }
0x38d: {  	[timem:s3], [sflag:s2] =	dma.local @!p0 [hbm:s0], s1  }
0x38e: {  	s0 =	simm.s32 @!p0 $0x2  }
0x38f: {  	_ =	swait.ge @!p0 [sflag:s0], s1  }
0x390: {  	s1 =	ssub.s32 @!p0 $0x0, s1;
	[sflag:s0] =	ssyncset.done @!p0 $0x0  }
0x391: {  	[sflag:s0] =	ssyncadd.s32 @!p0 s1  }
0x392: {  	[bflag:$0x3] =	sbarrier.arrive $0xFFFF  }
0x393: {  	_ =	shalt  }

</sc_bundles>
